<compile_context>
chip_gen: v7x
topology: tpu7x:2x2x1
jax: 0.10.2.dev20260603
libtpu: 0.0.44.dev20260713+nightly
codegen_flags: <defaults>
</compile_context>

<pallas_src>
import functools

import jax
import jax.numpy as jnp
import numpy as np
from jax import lax
from jax.experimental import pallas as pl
from jax.experimental.pallas import tpu as pltpu
from jax.experimental.pallas import tpu_sc as plsc

VOCAB = 1000000
EMB = 64
NUM_CLASSES = 2
BATCH = 4096
HIST = 200

NUM_CORES = 2
NUM_SUBCORES = 16
NW = NUM_CORES * NUM_SUBCORES
ROWS_PER_W = BATCH // NW
CH0 = 104
CH1 = HIST - CH0
PAD = 208
NG = PAD // 16
SCALE = float(1 << 18)

_mesh = plsc.VectorSubcoreMesh(core_axis_name="c", subcore_axis_name="s")


_BLK = 32768
_GRID = (VOCAB + _BLK - 1) // _BLK


def _proj_body(w_ref, e_ref, o_ref):
    r = jnp.dot(w_ref[...], e_ref[...], preferred_element_type=jnp.float32)
    q = jnp.clip(jnp.round(r), -32767.0, 32767.0).astype(jnp.int32)
    o_ref[...] = (q[0, :] & 0xFFFF) | (q[1, :] << 16)


def _project(w_t, emb_t):
    return pl.pallas_call(
        _proj_body,
        grid=(_GRID,),
        in_specs=[
            pl.BlockSpec((NUM_CLASSES, EMB), lambda j: (0, 0)),
            pl.BlockSpec((EMB, _BLK), lambda j: (0, j)),
        ],
        out_specs=pl.BlockSpec((_BLK,), lambda j: (j,)),
        out_shape=jax.ShapeDtypeStruct((VOCAB,), jnp.int32),
    )(w_t, emb_t)




@functools.partial(
    pl.kernel,
    mesh=_mesh,
    compiler_params=pltpu.CompilerParams(use_tc_tiling_on_sc=False),
    out_type=jax.ShapeDtypeStruct((BATCH, 2 * 16), jnp.int32),
    scratch_types=[
        pltpu.VMEM((ROWS_PER_W, HIST), jnp.int32),
        pltpu.VMEM((8, PAD), jnp.int32),
        pltpu.VMEM((ROWS_PER_W, 2 * 16), jnp.int32),
        pltpu.SemaphoreType.DMA,
        pltpu.SemaphoreType.DMA,
        pltpu.SemaphoreType.DMA,
        pltpu.SemaphoreType.DMA,
        pltpu.SemaphoreType.DMA,
        pltpu.SemaphoreType.DMA,
        pltpu.SemaphoreType.DMA,
        pltpu.SemaphoreType.DMA,
    ],
)
def _gather_sum(idx_hbm, pk_hbm, out_hbm, idx_v, bufs, sums_v,
                sem0, sem1, sem2, sem3, sem4, sem5, sem6, sem7):
    wid = lax.axis_index("s") * NUM_CORES + lax.axis_index("c")
    rbase = wid * ROWS_PER_W
    pltpu.sync_copy(idx_hbm.at[pl.ds(rbase, ROWS_PER_W)], idx_v)

    sems = (sem0, sem1, sem2, sem3, sem4, sem5, sem6, sem7)
    izero = jnp.zeros((16,), jnp.int32)
    for s in range(8):
        bufs[s, pl.ds(192, 16)] = izero

    def streams(r, s):
        out = []
        for (off, n) in ((0, CH0), (CH0, CH1)):
            out.append((pk_hbm.at[idx_v.at[r].at[pl.ds(off, n)]],
                        bufs.at[s].at[pl.ds(off, n)], sems[s]))
        return out

    def issue(r, s):
        for src, dst, sem in streams(r, s):
            pltpu.async_copy(src, dst, sem)

    def drain(r, s):
        for src, dst, sem in streams(r, s):
            pltpu.make_async_copy(src, dst, sem).wait()

    for s in range(8):
        issue(s, s)

    def quad_body(r4, _):
        for s in range(8):
            r = 8 * r4 + s
            drain(r, s)
            acc0 = izero
            acc1 = izero
            for g in range(NG):
                w = bufs[s, pl.ds(g * 16, 16)]
                acc0 = acc0 + lax.shift_right_arithmetic(
                    lax.shift_left(w, 16), 16)
                acc1 = acc1 + lax.shift_right_arithmetic(w, 16)
            sums_v[r, pl.ds(0, 16)] = acc0
            sums_v[r, pl.ds(16, 16)] = acc1

            @pl.when(r4 < ROWS_PER_W // 8 - 1)
            def _():
                issue(r + 8, s)
        return 0

    lax.fori_loop(0, ROWS_PER_W // 8, quad_body, 0)
    pltpu.sync_copy(sums_v, out_hbm.at[pl.ds(rbase, ROWS_PER_W)])




def _fold_body(s_ref, m_ref, b_ref, o_ref):
    o_ref[...] = (
        jnp.dot(s_ref[...].astype(jnp.float32), m_ref[...],
                preferred_element_type=jnp.float32)
        + b_ref[...]
    )


_FOLD = np.zeros((32, NUM_CLASSES), np.float32)
_FOLD[:16, 0] = 1.0 / (SCALE * HIST)
_FOLD[16:, 1] = 1.0 / (SCALE * HIST)


def kernel(inputs, word_emb, W, b):
    emb_t = word_emb.T
    w_t = (W * SCALE).T.astype(jnp.float32)
    pk = _project(w_t, emb_t)
    sums32 = _gather_sum(inputs, pk)
    logits = pl.pallas_call(
        _fold_body,
        out_shape=jax.ShapeDtypeStruct((BATCH, NUM_CLASSES), jnp.float32),
    )(sums32, jnp.asarray(_FOLD), b.reshape(1, NUM_CLASSES))
    return logits

# --- scband reference (transcript-rebuilt; emitter-appended) ---
"""Pipeline reference for scband-log-reg-62869731278885 (READ-ONLY COPY).

The authoritative reference and input builder live on the scoring server;
editing this copy changes nothing except your own understanding.
"""

import jax, jax.numpy as jnp
import numpy as np

VOCAB = 1000000
EMB = 64
NUM_CLASSES = 2
PADDING_IDX = 0
BATCH = 4096
HIST = 200


def setup_inputs(seed: int = 0) -> dict:
    key = jax.random.key(seed)
    k1, k2, k3, k4 = jax.random.split(key, 4)
    inputs = jax.random.randint(k1, (BATCH, HIST), 0, VOCAB, dtype=jnp.int64 if jax.config.jax_enable_x64 else jnp.int32).astype(jnp.int32)
    word_emb = jax.random.normal(k2, (VOCAB, EMB), dtype=jnp.float32) * 0.02
    # padding_idx row is zero-initialized in nn.Embedding
    word_emb = word_emb.at[PADDING_IDX].set(0.0)
    W = jax.random.normal(k3, (EMB, NUM_CLASSES), dtype=jnp.float32) * 0.05
    b = jax.random.normal(k4, (NUM_CLASSES,), dtype=jnp.float32) * 0.01
    return {"inputs": inputs, "word_emb": word_emb, "W": W, "b": b}


def reference(inputs, word_emb, W, b):
    # w_embs = self.word_emb(inputs)  -> gather rows
    w_embs = jnp.take(word_emb, inputs, axis=0)  # [B, L, E]
    # avg = w_embs.mean(1)
    avg = jnp.mean(w_embs, axis=1)  # [B, E]
    # logits = self.logreg(avg)  (linear layer)
    logits = avg @ W + b  # [B, C]
    return logits

if __name__ == "__main__":
    import jax
    _d = setup_inputs()
    print(jax.jit(kernel)(*tuple(_d.values())))

</pallas_src>

<mosaic_0001>
#map = affine_map<(d0, d1) -> (0, 0)>
#map1 = affine_map<(d0, d1) -> (0)>
module attributes {stable_mosaic.version = 14 : i64} {
  func.func @_gather_sum(%arg0: i32, %arg1: i32, %arg2: memref<4096x200xi32, #tpu.memory_space<hbm>>, %arg3: memref<1000000xi32, #tpu.memory_space<hbm>>, %arg4: memref<4096x32xi32, #tpu.memory_space<hbm>>, %arg5: memref<128x200xi32, #tpu.memory_space<vmem>>, %arg6: memref<8x208xi32, #tpu.memory_space<vmem>>, %arg7: memref<128x32xi32, #tpu.memory_space<vmem>>, %arg8: memref<!tpu.dma_semaphore, #tpu.memory_space<semaphore_mem>>, %arg9: memref<!tpu.dma_semaphore, #tpu.memory_space<semaphore_mem>>, %arg10: memref<!tpu.dma_semaphore, #tpu.memory_space<semaphore_mem>>, %arg11: memref<!tpu.dma_semaphore, #tpu.memory_space<semaphore_mem>>, %arg12: memref<!tpu.dma_semaphore, #tpu.memory_space<semaphore_mem>>, %arg13: memref<!tpu.dma_semaphore, #tpu.memory_space<semaphore_mem>>, %arg14: memref<!tpu.dma_semaphore, #tpu.memory_space<semaphore_mem>>, %arg15: memref<!tpu.dma_semaphore, #tpu.memory_space<semaphore_mem>>) attributes {dimension_semantics = [#tpu.dimension_semantics<core_parallel>, #tpu.dimension_semantics<subcore_parallel>], iteration_bounds = array<i64: 2, 16>, scalar_prefetch = 0 : i64, scratch_operands = 11 : i64, tpu.core_type = #tpu.core_type<sc_vector_subcore>, window_params = [{transform_indices = #map}, {transform_indices = #map1}, {transform_indices = #map}]} {
    %mul3A = arith.constant 2 : i32
    %mul3A_0 = arith.muli %arg1, %mul3A : i32
    %add3A = arith.addi %mul3A_0, %arg0 : i32
    %mul3A_1 = arith.constant 128 : i32
    %mul3A_2 = arith.muli %add3A, %mul3A_1 : i32
    "tpu.region"() ({
      %run_scoped3A = tpu.sem_alloc : memref<!tpu.dma_semaphore, #tpu.memory_space<semaphore_mem>>
      %dma_start3A_280 = arith.constant 0 : i32
      %dma_start3A_281 = tpu.memref_slice %arg2[%mul3A_2, %dma_start3A_280] : memref<4096x200xi32, #tpu.memory_space<hbm>> -> memref<128x200xi32, #tpu.memory_space<hbm>>
      %dma_start3A_282 = arith.constant 0 : i32
      %dma_start3A_283 = tpu.memref_slice %arg2[%mul3A_2, %dma_start3A_282] : memref<4096x200xi32, #tpu.memory_space<hbm>> -> memref<128x200xi32, #tpu.memory_space<hbm>>
      tpu.enqueue_dma source(%dma_start3A_283 : memref<128x200xi32, #tpu.memory_space<hbm>>) target(%arg5 : memref<128x200xi32, #tpu.memory_space<vmem>>) target_semaphore(%run_scoped3A : memref<!tpu.dma_semaphore, #tpu.memory_space<semaphore_mem>>)
      %dma_wait3A = arith.constant 0 : i32
      %dma_wait3A_284 = tpu.memref_slice %arg2[%mul3A_2, %dma_wait3A] : memref<4096x200xi32, #tpu.memory_space<hbm>> -> memref<128x200xi32, #tpu.memory_space<hbm>>
      %dma_wait3A_285 = arith.constant 0 : i32
      %dma_wait3A_286 = tpu.memref_slice %arg2[%mul3A_2, %dma_wait3A_285] : memref<4096x200xi32, #tpu.memory_space<hbm>> -> memref<128x200xi32, #tpu.memory_space<hbm>>
      tpu.wait_dma2 semaphore(%run_scoped3A : memref<!tpu.dma_semaphore, #tpu.memory_space<semaphore_mem>>) src(%dma_wait3A_286 : memref<128x200xi32, #tpu.memory_space<hbm>>) dst(%arg5 : memref<128x200xi32, #tpu.memory_space<vmem>>)
      tpu.yield
    }) : () -> ()
    %broadcast_in_dim3A = arith.constant 0 : i32
    %broadcast_in_dim3A_3 = vector.broadcast %broadcast_in_dim3A : i32 to vector<16xi32>
    %swap3A = arith.constant 0 : i32
    %swap3A_4 = arith.index_cast %swap3A : i32 to index
    %swap3A_5 = arith.constant 192 : index
    %swap3A_6 = tpu.vector_load %arg6[%swap3A_4, %swap3A_5] {strides = array<i32>} : memref<8x208xi32, #tpu.memory_space<vmem>>, vector<1x16xi32>,
    %swap3A_7 = vector.shape_cast %swap3A_6 : vector<1x16xi32> to vector<16xi32>
    %swap3A_8 = vector.shape_cast %broadcast_in_dim3A_3 : vector<16xi32> to vector<1x16xi32>
    tpu.vector_store %arg6[%swap3A_4, %swap3A_5], %swap3A_8 {strides = array<i32>} : memref<8x208xi32, #tpu.memory_space<vmem>>, vector<1x16xi32>,
    %swap3A_9 = arith.constant 1 : i32
    %swap3A_10 = arith.index_cast %swap3A_9 : i32 to index
    %swap3A_11 = arith.constant 192 : index
    %swap3A_12 = tpu.vector_load %arg6[%swap3A_10, %swap3A_11] {strides = array<i32>} : memref<8x208xi32, #tpu.memory_space<vmem>>, vector<1x16xi32>,
    %swap3A_13 = vector.shape_cast %swap3A_12 : vector<1x16xi32> to vector<16xi32>
    %swap3A_14 = vector.shape_cast %broadcast_in_dim3A_3 : vector<16xi32> to vector<1x16xi32>
    tpu.vector_store %arg6[%swap3A_10, %swap3A_11], %swap3A_14 {strides = array<i32>} : memref<8x208xi32, #tpu.memory_space<vmem>>, vector<1x16xi32>,
    %swap3A_15 = arith.constant 2 : i32
    %swap3A_16 = arith.index_cast %swap3A_15 : i32 to index
    %swap3A_17 = arith.constant 192 : index
    %swap3A_18 = tpu.vector_load %arg6[%swap3A_16, %swap3A_17] {strides = array<i32>} : memref<8x208xi32, #tpu.memory_space<vmem>>, vector<1x16xi32>,
    %swap3A_19 = vector.shape_cast %swap3A_18 : vector<1x16xi32> to vector<16xi32>
    %swap3A_20 = vector.shape_cast %broadcast_in_dim3A_3 : vector<16xi32> to vector<1x16xi32>
    tpu.vector_store %arg6[%swap3A_16, %swap3A_17], %swap3A_20 {strides = array<i32>} : memref<8x208xi32, #tpu.memory_space<vmem>>, vector<1x16xi32>,
    %swap3A_21 = arith.constant 3 : i32
    %swap3A_22 = arith.index_cast %swap3A_21 : i32 to index
    %swap3A_23 = arith.constant 192 : index
    %swap3A_24 = tpu.vector_load %arg6[%swap3A_22, %swap3A_23] {strides = array<i32>} : memref<8x208xi32, #tpu.memory_space<vmem>>, vector<1x16xi32>,
    %swap3A_25 = vector.shape_cast %swap3A_24 : vector<1x16xi32> to vector<16xi32>
    %swap3A_26 = vector.shape_cast %broadcast_in_dim3A_3 : vector<16xi32> to vector<1x16xi32>
    tpu.vector_store %arg6[%swap3A_22, %swap3A_23], %swap3A_26 {strides = array<i32>} : memref<8x208xi32, #tpu.memory_space<vmem>>, vector<1x16xi32>,
    %swap3A_27 = arith.constant 4 : i32
    %swap3A_28 = arith.index_cast %swap3A_27 : i32 to index
    %swap3A_29 = arith.constant 192 : index
    %swap3A_30 = tpu.vector_load %arg6[%swap3A_28, %swap3A_29] {strides = array<i32>} : memref<8x208xi32, #tpu.memory_space<vmem>>, vector<1x16xi32>,
    %swap3A_31 = vector.shape_cast %swap3A_30 : vector<1x16xi32> to vector<16xi32>
    %swap3A_32 = vector.shape_cast %broadcast_in_dim3A_3 : vector<16xi32> to vector<1x16xi32>
    tpu.vector_store %arg6[%swap3A_28, %swap3A_29], %swap3A_32 {strides = array<i32>} : memref<8x208xi32, #tpu.memory_space<vmem>>, vector<1x16xi32>,
    %swap3A_33 = arith.constant 5 : i32
    %swap3A_34 = arith.index_cast %swap3A_33 : i32 to index
    %swap3A_35 = arith.constant 192 : index
    %swap3A_36 = tpu.vector_load %arg6[%swap3A_34, %swap3A_35] {strides = array<i32>} : memref<8x208xi32, #tpu.memory_space<vmem>>, vector<1x16xi32>,
    %swap3A_37 = vector.shape_cast %swap3A_36 : vector<1x16xi32> to vector<16xi32>
    %swap3A_38 = vector.shape_cast %broadcast_in_dim3A_3 : vector<16xi32> to vector<1x16xi32>
    tpu.vector_store %arg6[%swap3A_34, %swap3A_35], %swap3A_38 {strides = array<i32>} : memref<8x208xi32, #tpu.memory_space<vmem>>, vector<1x16xi32>,
    %swap3A_39 = arith.constant 6 : i32
    %swap3A_40 = arith.index_cast %swap3A_39 : i32 to index
    %swap3A_41 = arith.constant 192 : index
    %swap3A_42 = tpu.vector_load %arg6[%swap3A_40, %swap3A_41] {strides = array<i32>} : memref<8x208xi32, #tpu.memory_space<vmem>>, vector<1x16xi32>,
    %swap3A_43 = vector.shape_cast %swap3A_42 : vector<1x16xi32> to vector<16xi32>
    %swap3A_44 = vector.shape_cast %broadcast_in_dim3A_3 : vector<16xi32> to vector<1x16xi32>
    tpu.vector_store %arg6[%swap3A_40, %swap3A_41], %swap3A_44 {strides = array<i32>} : memref<8x208xi32, #tpu.memory_space<vmem>>, vector<1x16xi32>,
    %swap3A_45 = arith.constant 7 : i32
    %swap3A_46 = arith.index_cast %swap3A_45 : i32 to index
    %swap3A_47 = arith.constant 192 : index
    %swap3A_48 = tpu.vector_load %arg6[%swap3A_46, %swap3A_47] {strides = array<i32>} : memref<8x208xi32, #tpu.memory_space<vmem>>, vector<1x16xi32>,
    %swap3A_49 = vector.shape_cast %swap3A_48 : vector<1x16xi32> to vector<16xi32>
    %swap3A_50 = vector.shape_cast %broadcast_in_dim3A_3 : vector<16xi32> to vector<1x16xi32>
    tpu.vector_store %arg6[%swap3A_46, %swap3A_47], %swap3A_50 {strides = array<i32>} : memref<8x208xi32, #tpu.memory_space<vmem>>, vector<1x16xi32>,
    %dma_start3A = arith.constant 0 : i32
    %dma_start3A_51 = arith.constant 0 : i32
    %dma_start3A_52 = arith.constant 0 : i32
    %dma_start3A_53 = tpu.memref_slice %arg6[%dma_start3A_51, %dma_start3A_52] : memref<8x208xi32, #tpu.memory_space<vmem>> -> memref<1x208xi32, #tpu.memory_space<vmem>>
    %dma_start3A_54 = tpu.memref_squeeze %dma_start3A_53 : memref<1x208xi32, #tpu.memory_space<vmem>> -> memref<208xi32, #tpu.memory_space<vmem>>
    %dma_start3A_55 = arith.constant 0 : i32
    %dma_start3A_56 = tpu.memref_slice %dma_start3A_54[%dma_start3A_55] : memref<208xi32, #tpu.memory_space<vmem>> -> memref<104xi32, #tpu.memory_space<vmem>>
    %dma_start3A_57 = arith.constant 0 : i32
    %dma_start3A_58 = tpu.memref_slice %arg5[%dma_start3A, %dma_start3A_57] : memref<128x200xi32, #tpu.memory_space<vmem>> -> memref<1x200xi32, #tpu.memory_space<vmem>>
    %dma_start3A_59 = tpu.memref_squeeze %dma_start3A_58 : memref<1x200xi32, #tpu.memory_space<vmem>> -> memref<200xi32, #tpu.memory_space<vmem>>
    %dma_start3A_60 = arith.constant 0 : i32
    %dma_start3A_61 = tpu.memref_slice %dma_start3A_59[%dma_start3A_60] : memref<200xi32, #tpu.memory_space<vmem>> -> memref<104xi32, #tpu.memory_space<vmem>>
    %dma_start3A_62 = arith.constant 0 : i32
    %dma_start3A_63 = tpu.memref_slice %arg3[%dma_start3A_62] : memref<1000000xi32, #tpu.memory_space<hbm>> -> memref<1000000xi32, #tpu.memory_space<hbm>>
    tpu.enqueue_indirect_dma source(%dma_start3A_63 : memref<1000000xi32, #tpu.memory_space<hbm>>) target(%dma_start3A_56 : memref<104xi32, #tpu.memory_space<vmem>>) offsets(%dma_start3A_61 : memref<104xi32, #tpu.memory_space<vmem>>) semaphore(%arg8 : memref<!tpu.dma_semaphore, #tpu.memory_space<semaphore_mem>>)
    %dma_start3A_64 = arith.constant 0 : i32
    %dma_start3A_65 = arith.constant 0 : i32
    %dma_start3A_66 = arith.constant 0 : i32
    %dma_start3A_67 = tpu.memref_slice %arg6[%dma_start3A_65, %dma_start3A_66] : memref<8x208xi32, #tpu.memory_space<vmem>> -> memref<1x208xi32, #tpu.memory_space<vmem>>
    %dma_start3A_68 = tpu.memref_squeeze %dma_start3A_67 : memref<1x208xi32, #tpu.memory_space<vmem>> -> memref<208xi32, #tpu.memory_space<vmem>>
    %dma_start3A_69 = arith.constant 104 : i32
    %dma_start3A_70 = tpu.memref_slice %dma_start3A_68[%dma_start3A_69] : memref<208xi32, #tpu.memory_space<vmem>> -> memref<96xi32, #tpu.memory_space<vmem>>
    %dma_start3A_71 = arith.constant 0 : i32
    %dma_start3A_72 = tpu.memref_slice %arg5[%dma_start3A_64, %dma_start3A_71] : memref<128x200xi32, #tpu.memory_space<vmem>> -> memref<1x200xi32, #tpu.memory_space<vmem>>
    %dma_start3A_73 = tpu.memref_squeeze %dma_start3A_72 : memref<1x200xi32, #tpu.memory_space<vmem>> -> memref<200xi32, #tpu.memory_space<vmem>>
    %dma_start3A_74 = arith.constant 104 : i32
    %dma_start3A_75 = tpu.memref_slice %dma_start3A_73[%dma_start3A_74] : memref<200xi32, #tpu.memory_space<vmem>> -> memref<96xi32, #tpu.memory_space<vmem>>
    %dma_start3A_76 = arith.constant 0 : i32
    %dma_start3A_77 = tpu.memref_slice %arg3[%dma_start3A_76] : memref<1000000xi32, #tpu.memory_space<hbm>> -> memref<1000000xi32, #tpu.memory_space<hbm>>
    tpu.enqueue_indirect_dma source(%dma_start3A_77 : memref<1000000xi32, #tpu.memory_space<hbm>>) target(%dma_start3A_70 : memref<96xi32, #tpu.memory_space<vmem>>) offsets(%dma_start3A_75 : memref<96xi32, #tpu.memory_space<vmem>>) semaphore(%arg8 : memref<!tpu.dma_semaphore, #tpu.memory_space<semaphore_mem>>)
    %dma_start3A_78 = arith.constant 1 : i32
    %dma_start3A_79 = arith.constant 1 : i32
    %dma_start3A_80 = arith.constant 0 : i32
    %dma_start3A_81 = tpu.memref_slice %arg6[%dma_start3A_79, %dma_start3A_80] : memref<8x208xi32, #tpu.memory_space<vmem>> -> memref<1x208xi32, #tpu.memory_space<vmem>>
    %dma_start3A_82 = tpu.memref_squeeze %dma_start3A_81 : memref<1x208xi32, #tpu.memory_space<vmem>> -> memref<208xi32, #tpu.memory_space<vmem>>
    %dma_start3A_83 = arith.constant 0 : i32
    %dma_start3A_84 = tpu.memref_slice %dma_start3A_82[%dma_start3A_83] : memref<208xi32, #tpu.memory_space<vmem>> -> memref<104xi32, #tpu.memory_space<vmem>>
    %dma_start3A_85 = arith.constant 0 : i32
    %dma_start3A_86 = tpu.memref_slice %arg5[%dma_start3A_78, %dma_start3A_85] : memref<128x200xi32, #tpu.memory_space<vmem>> -> memref<1x200xi32, #tpu.memory_space<vmem>>
    %dma_start3A_87 = tpu.memref_squeeze %dma_start3A_86 : memref<1x200xi32, #tpu.memory_space<vmem>> -> memref<200xi32, #tpu.memory_space<vmem>>
    %dma_start3A_88 = arith.constant 0 : i32
    %dma_start3A_89 = tpu.memref_slice %dma_start3A_87[%dma_start3A_88] : memref<200xi32, #tpu.memory_space<vmem>> -> memref<104xi32, #tpu.memory_space<vmem>>
    %dma_start3A_90 = arith.constant 0 : i32
    %dma_start3A_91 = tpu.memref_slice %arg3[%dma_start3A_90] : memref<1000000xi32, #tpu.memory_space<hbm>> -> memref<1000000xi32, #tpu.memory_space<hbm>>
    tpu.enqueue_indirect_dma source(%dma_start3A_91 : memref<1000000xi32, #tpu.memory_space<hbm>>) target(%dma_start3A_84 : memref<104xi32, #tpu.memory_space<vmem>>) offsets(%dma_start3A_89 : memref<104xi32, #tpu.memory_space<vmem>>) semaphore(%arg9 : memref<!tpu.dma_semaphore, #tpu.memory_space<semaphore_mem>>)
    %dma_start3A_92 = arith.constant 1 : i32
    %dma_start3A_93 = arith.constant 1 : i32
    %dma_start3A_94 = arith.constant 0 : i32
    %dma_start3A_95 = tpu.memref_slice %arg6[%dma_start3A_93, %dma_start3A_94] : memref<8x208xi32, #tpu.memory_space<vmem>> -> memref<1x208xi32, #tpu.memory_space<vmem>>
    %dma_start3A_96 = tpu.memref_squeeze %dma_start3A_95 : memref<1x208xi32, #tpu.memory_space<vmem>> -> memref<208xi32, #tpu.memory_space<vmem>>
    %dma_start3A_97 = arith.constant 104 : i32
    %dma_start3A_98 = tpu.memref_slice %dma_start3A_96[%dma_start3A_97] : memref<208xi32, #tpu.memory_space<vmem>> -> memref<96xi32, #tpu.memory_space<vmem>>
    %dma_start3A_99 = arith.constant 0 : i32
    %dma_start3A_100 = tpu.memref_slice %arg5[%dma_start3A_92, %dma_start3A_99] : memref<128x200xi32, #tpu.memory_space<vmem>> -> memref<1x200xi32, #tpu.memory_space<vmem>>
    %dma_start3A_101 = tpu.memref_squeeze %dma_start3A_100 : memref<1x200xi32, #tpu.memory_space<vmem>> -> memref<200xi32, #tpu.memory_space<vmem>>
    %dma_start3A_102 = arith.constant 104 : i32
    %dma_start3A_103 = tpu.memref_slice %dma_start3A_101[%dma_start3A_102] : memref<200xi32, #tpu.memory_space<vmem>> -> memref<96xi32, #tpu.memory_space<vmem>>
    %dma_start3A_104 = arith.constant 0 : i32
    %dma_start3A_105 = tpu.memref_slice %arg3[%dma_start3A_104] : memref<1000000xi32, #tpu.memory_space<hbm>> -> memref<1000000xi32, #tpu.memory_space<hbm>>
    tpu.enqueue_indirect_dma source(%dma_start3A_105 : memref<1000000xi32, #tpu.memory_space<hbm>>) target(%dma_start3A_98 : memref<96xi32, #tpu.memory_space<vmem>>) offsets(%dma_start3A_103 : memref<96xi32, #tpu.memory_space<vmem>>) semaphore(%arg9 : memref<!tpu.dma_semaphore, #tpu.memory_space<semaphore_mem>>)
    %dma_start3A_106 = arith.constant 2 : i32
    %dma_start3A_107 = arith.constant 2 : i32
    %dma_start3A_108 = arith.constant 0 : i32
    %dma_start3A_109 = tpu.memref_slice %arg6[%dma_start3A_107, %dma_start3A_108] : memref<8x208xi32, #tpu.memory_space<vmem>> -> memref<1x208xi32, #tpu.memory_space<vmem>>
    %dma_start3A_110 = tpu.memref_squeeze %dma_start3A_109 : memref<1x208xi32, #tpu.memory_space<vmem>> -> memref<208xi32, #tpu.memory_space<vmem>>
    %dma_start3A_111 = arith.constant 0 : i32
    %dma_start3A_112 = tpu.memref_slice %dma_start3A_110[%dma_start3A_111] : memref<208xi32, #tpu.memory_space<vmem>> -> memref<104xi32, #tpu.memory_space<vmem>>
    %dma_start3A_113 = arith.constant 0 : i32
    %dma_start3A_114 = tpu.memref_slice %arg5[%dma_start3A_106, %dma_start3A_113] : memref<128x200xi32, #tpu.memory_space<vmem>> -> memref<1x200xi32, #tpu.memory_space<vmem>>
    %dma_start3A_115 = tpu.memref_squeeze %dma_start3A_114 : memref<1x200xi32, #tpu.memory_space<vmem>> -> memref<200xi32, #tpu.memory_space<vmem>>
    %dma_start3A_116 = arith.constant 0 : i32
    %dma_start3A_117 = tpu.memref_slice %dma_start3A_115[%dma_start3A_116] : memref<200xi32, #tpu.memory_space<vmem>> -> memref<104xi32, #tpu.memory_space<vmem>>
    %dma_start3A_118 = arith.constant 0 : i32
    %dma_start3A_119 = tpu.memref_slice %arg3[%dma_start3A_118] : memref<1000000xi32, #tpu.memory_space<hbm>> -> memref<1000000xi32, #tpu.memory_space<hbm>>
    tpu.enqueue_indirect_dma source(%dma_start3A_119 : memref<1000000xi32, #tpu.memory_space<hbm>>) target(%dma_start3A_112 : memref<104xi32, #tpu.memory_space<vmem>>) offsets(%dma_start3A_117 : memref<104xi32, #tpu.memory_space<vmem>>) semaphore(%arg10 : memref<!tpu.dma_semaphore, #tpu.memory_space<semaphore_mem>>)
    %dma_start3A_120 = arith.constant 2 : i32
    %dma_start3A_121 = arith.constant 2 : i32
    %dma_start3A_122 = arith.constant 0 : i32
    %dma_start3A_123 = tpu.memref_slice %arg6[%dma_start3A_121, %dma_start3A_122] : memref<8x208xi32, #tpu.memory_space<vmem>> -> memref<1x208xi32, #tpu.memory_space<vmem>>
    %dma_start3A_124 = tpu.memref_squeeze %dma_start3A_123 : memref<1x208xi32, #tpu.memory_space<vmem>> -> memref<208xi32, #tpu.memory_space<vmem>>
    %dma_start3A_125 = arith.constant 104 : i32
    %dma_start3A_126 = tpu.memref_slice %dma_start3A_124[%dma_start3A_125] : memref<208xi32, #tpu.memory_space<vmem>> -> memref<96xi32, #tpu.memory_space<vmem>>
    %dma_start3A_127 = arith.constant 0 : i32
    %dma_start3A_128 = tpu.memref_slice %arg5[%dma_start3A_120, %dma_start3A_127] : memref<128x200xi32, #tpu.memory_space<vmem>> -> memref<1x200xi32, #tpu.memory_space<vmem>>
    %dma_start3A_129 = tpu.memref_squeeze %dma_start3A_128 : memref<1x200xi32, #tpu.memory_space<vmem>> -> memref<200xi32, #tpu.memory_space<vmem>>
    %dma_start3A_130 = arith.constant 104 : i32
    %dma_start3A_131 = tpu.memref_slice %dma_start3A_129[%dma_start3A_130] : memref<200xi32, #tpu.memory_space<vmem>> -> memref<96xi32, #tpu.memory_space<vmem>>
    %dma_start3A_132 = arith.constant 0 : i32
    %dma_start3A_133 = tpu.memref_slice %arg3[%dma_start3A_132] : memref<1000000xi32, #tpu.memory_space<hbm>> -> memref<1000000xi32, #tpu.memory_space<hbm>>
    tpu.enqueue_indirect_dma source(%dma_start3A_133 : memref<1000000xi32, #tpu.memory_space<hbm>>) target(%dma_start3A_126 : memref<96xi32, #tpu.memory_space<vmem>>) offsets(%dma_start3A_131 : memref<96xi32, #tpu.memory_space<vmem>>) semaphore(%arg10 : memref<!tpu.dma_semaphore, #tpu.memory_space<semaphore_mem>>)
    %dma_start3A_134 = arith.constant 3 : i32
    %dma_start3A_135 = arith.constant 3 : i32
    %dma_start3A_136 = arith.constant 0 : i32
    %dma_start3A_137 = tpu.memref_slice %arg6[%dma_start3A_135, %dma_start3A_136] : memref<8x208xi32, #tpu.memory_space<vmem>> -> memref<1x208xi32, #tpu.memory_space<vmem>>
    %dma_start3A_138 = tpu.memref_squeeze %dma_start3A_137 : memref<1x208xi32, #tpu.memory_space<vmem>> -> memref<208xi32, #tpu.memory_space<vmem>>
    %dma_start3A_139 = arith.constant 0 : i32
    %dma_start3A_140 = tpu.memref_slice %dma_start3A_138[%dma_start3A_139] : memref<208xi32, #tpu.memory_space<vmem>> -> memref<104xi32, #tpu.memory_space<vmem>>
    %dma_start3A_141 = arith.constant 0 : i32
    %dma_start3A_142 = tpu.memref_slice %arg5[%dma_start3A_134, %dma_start3A_141] : memref<128x200xi32, #tpu.memory_space<vmem>> -> memref<1x200xi32, #tpu.memory_space<vmem>>
    %dma_start3A_143 = tpu.memref_squeeze %dma_start3A_142 : memref<1x200xi32, #tpu.memory_space<vmem>> -> memref<200xi32, #tpu.memory_space<vmem>>
    %dma_start3A_144 = arith.constant 0 : i32
    %dma_start3A_145 = tpu.memref_slice %dma_start3A_143[%dma_start3A_144] : memref<200xi32, #tpu.memory_space<vmem>> -> memref<104xi32, #tpu.memory_space<vmem>>
    %dma_start3A_146 = arith.constant 0 : i32
    %dma_start3A_147 = tpu.memref_slice %arg3[%dma_start3A_146] : memref<1000000xi32, #tpu.memory_space<hbm>> -> memref<1000000xi32, #tpu.memory_space<hbm>>
    tpu.enqueue_indirect_dma source(%dma_start3A_147 : memref<1000000xi32, #tpu.memory_space<hbm>>) target(%dma_start3A_140 : memref<104xi32, #tpu.memory_space<vmem>>) offsets(%dma_start3A_145 : memref<104xi32, #tpu.memory_space<vmem>>) semaphore(%arg11 : memref<!tpu.dma_semaphore, #tpu.memory_space<semaphore_mem>>)
    %dma_start3A_148 = arith.constant 3 : i32
    %dma_start3A_149 = arith.constant 3 : i32
    %dma_start3A_150 = arith.constant 0 : i32
    %dma_start3A_151 = tpu.memref_slice %arg6[%dma_start3A_149, %dma_start3A_150] : memref<8x208xi32, #tpu.memory_space<vmem>> -> memref<1x208xi32, #tpu.memory_space<vmem>>
    %dma_start3A_152 = tpu.memref_squeeze %dma_start3A_151 : memref<1x208xi32, #tpu.memory_space<vmem>> -> memref<208xi32, #tpu.memory_space<vmem>>
    %dma_start3A_153 = arith.constant 104 : i32
    %dma_start3A_154 = tpu.memref_slice %dma_start3A_152[%dma_start3A_153] : memref<208xi32, #tpu.memory_space<vmem>> -> memref<96xi32, #tpu.memory_space<vmem>>
    %dma_start3A_155 = arith.constant 0 : i32
    %dma_start3A_156 = tpu.memref_slice %arg5[%dma_start3A_148, %dma_start3A_155] : memref<128x200xi32, #tpu.memory_space<vmem>> -> memref<1x200xi32, #tpu.memory_space<vmem>>
    %dma_start3A_157 = tpu.memref_squeeze %dma_start3A_156 : memref<1x200xi32, #tpu.memory_space<vmem>> -> memref<200xi32, #tpu.memory_space<vmem>>
    %dma_start3A_158 = arith.constant 104 : i32
    %dma_start3A_159 = tpu.memref_slice %dma_start3A_157[%dma_start3A_158] : memref<200xi32, #tpu.memory_space<vmem>> -> memref<96xi32, #tpu.memory_space<vmem>>
    %dma_start3A_160 = arith.constant 0 : i32
    %dma_start3A_161 = tpu.memref_slice %arg3[%dma_start3A_160] : memref<1000000xi32, #tpu.memory_space<hbm>> -> memref<1000000xi32, #tpu.memory_space<hbm>>
    tpu.enqueue_indirect_dma source(%dma_start3A_161 : memref<1000000xi32, #tpu.memory_space<hbm>>) target(%dma_start3A_154 : memref<96xi32, #tpu.memory_space<vmem>>) offsets(%dma_start3A_159 : memref<96xi32, #tpu.memory_space<vmem>>) semaphore(%arg11 : memref<!tpu.dma_semaphore, #tpu.memory_space<semaphore_mem>>)
    %dma_start3A_162 = arith.constant 4 : i32
    %dma_start3A_163 = arith.constant 4 : i32
    %dma_start3A_164 = arith.constant 0 : i32
    %dma_start3A_165 = tpu.memref_slice %arg6[%dma_start3A_163, %dma_start3A_164] : memref<8x208xi32, #tpu.memory_space<vmem>> -> memref<1x208xi32, #tpu.memory_space<vmem>>
    %dma_start3A_166 = tpu.memref_squeeze %dma_start3A_165 : memref<1x208xi32, #tpu.memory_space<vmem>> -> memref<208xi32, #tpu.memory_space<vmem>>
    %dma_start3A_167 = arith.constant 0 : i32
    %dma_start3A_168 = tpu.memref_slice %dma_start3A_166[%dma_start3A_167] : memref<208xi32, #tpu.memory_space<vmem>> -> memref<104xi32, #tpu.memory_space<vmem>>
    %dma_start3A_169 = arith.constant 0 : i32
    %dma_start3A_170 = tpu.memref_slice %arg5[%dma_start3A_162, %dma_start3A_169] : memref<128x200xi32, #tpu.memory_space<vmem>> -> memref<1x200xi32, #tpu.memory_space<vmem>>
    %dma_start3A_171 = tpu.memref_squeeze %dma_start3A_170 : memref<1x200xi32, #tpu.memory_space<vmem>> -> memref<200xi32, #tpu.memory_space<vmem>>
    %dma_start3A_172 = arith.constant 0 : i32
    %dma_start3A_173 = tpu.memref_slice %dma_start3A_171[%dma_start3A_172] : memref<200xi32, #tpu.memory_space<vmem>> -> memref<104xi32, #tpu.memory_space<vmem>>
    %dma_start3A_174 = arith.constant 0 : i32
    %dma_start3A_175 = tpu.memref_slice %arg3[%dma_start3A_174] : memref<1000000xi32, #tpu.memory_space<hbm>> -> memref<1000000xi32, #tpu.memory_space<hbm>>
    tpu.enqueue_indirect_dma source(%dma_start3A_175 : memref<1000000xi32, #tpu.memory_space<hbm>>) target(%dma_start3A_168 : memref<104xi32, #tpu.memory_space<vmem>>) offsets(%dma_start3A_173 : memref<104xi32, #tpu.memory_space<vmem>>) semaphore(%arg12 : memref<!tpu.dma_semaphore, #tpu.memory_space<semaphore_mem>>)
    %dma_start3A_176 = arith.constant 4 : i32
    %dma_start3A_177 = arith.constant 4 : i32
    %dma_start3A_178 = arith.constant 0 : i32
    %dma_start3A_179 = tpu.memref_slice %arg6[%dma_start3A_177, %dma_start3A_178] : memref<8x208xi32, #tpu.memory_space<vmem>> -> memref<1x208xi32, #tpu.memory_space<vmem>>
    %dma_start3A_180 = tpu.memref_squeeze %dma_start3A_179 : memref<1x208xi32, #tpu.memory_space<vmem>> -> memref<208xi32, #tpu.memory_space<vmem>>
    %dma_start3A_181 = arith.constant 104 : i32
    %dma_start3A_182 = tpu.memref_slice %dma_start3A_180[%dma_start3A_181] : memref<208xi32, #tpu.memory_space<vmem>> -> memref<96xi32, #tpu.memory_space<vmem>>
    %dma_start3A_183 = arith.constant 0 : i32
    %dma_start3A_184 = tpu.memref_slice %arg5[%dma_start3A_176, %dma_start3A_183] : memref<128x200xi32, #tpu.memory_space<vmem>> -> memref<1x200xi32, #tpu.memory_space<vmem>>
    %dma_start3A_185 = tpu.memref_squeeze %dma_start3A_184 : memref<1x200xi32, #tpu.memory_space<vmem>> -> memref<200xi32, #tpu.memory_space<vmem>>
    %dma_start3A_186 = arith.constant 104 : i32
    %dma_start3A_187 = tpu.memref_slice %dma_start3A_185[%dma_start3A_186] : memref<200xi32, #tpu.memory_space<vmem>> -> memref<96xi32, #tpu.memory_space<vmem>>
    %dma_start3A_188 = arith.constant 0 : i32
    %dma_start3A_189 = tpu.memref_slice %arg3[%dma_start3A_188] : memref<1000000xi32, #tpu.memory_space<hbm>> -> memref<1000000xi32, #tpu.memory_space<hbm>>
    tpu.enqueue_indirect_dma source(%dma_start3A_189 : memref<1000000xi32, #tpu.memory_space<hbm>>) target(%dma_start3A_182 : memref<96xi32, #tpu.memory_space<vmem>>) offsets(%dma_start3A_187 : memref<96xi32, #tpu.memory_space<vmem>>) semaphore(%arg12 : memref<!tpu.dma_semaphore, #tpu.memory_space<semaphore_mem>>)
    %dma_start3A_190 = arith.constant 5 : i32
    %dma_start3A_191 = arith.constant 5 : i32
    %dma_start3A_192 = arith.constant 0 : i32
    %dma_start3A_193 = tpu.memref_slice %arg6[%dma_start3A_191, %dma_start3A_192] : memref<8x208xi32, #tpu.memory_space<vmem>> -> memref<1x208xi32, #tpu.memory_space<vmem>>
    %dma_start3A_194 = tpu.memref_squeeze %dma_start3A_193 : memref<1x208xi32, #tpu.memory_space<vmem>> -> memref<208xi32, #tpu.memory_space<vmem>>
    %dma_start3A_195 = arith.constant 0 : i32
    %dma_start3A_196 = tpu.memref_slice %dma_start3A_194[%dma_start3A_195] : memref<208xi32, #tpu.memory_space<vmem>> -> memref<104xi32, #tpu.memory_space<vmem>>
    %dma_start3A_197 = arith.constant 0 : i32
    %dma_start3A_198 = tpu.memref_slice %arg5[%dma_start3A_190, %dma_start3A_197] : memref<128x200xi32, #tpu.memory_space<vmem>> -> memref<1x200xi32, #tpu.memory_space<vmem>>
    %dma_start3A_199 = tpu.memref_squeeze %dma_start3A_198 : memref<1x200xi32, #tpu.memory_space<vmem>> -> memref<200xi32, #tpu.memory_space<vmem>>
    %dma_start3A_200 = arith.constant 0 : i32
    %dma_start3A_201 = tpu.memref_slice %dma_start3A_199[%dma_start3A_200] : memref<200xi32, #tpu.memory_space<vmem>> -> memref<104xi32, #tpu.memory_space<vmem>>
    %dma_start3A_202 = arith.constant 0 : i32
    %dma_start3A_203 = tpu.memref_slice %arg3[%dma_start3A_202] : memref<1000000xi32, #tpu.memory_space<hbm>> -> memref<1000000xi32, #tpu.memory_space<hbm>>
    tpu.enqueue_indirect_dma source(%dma_start3A_203 : memref<1000000xi32, #tpu.memory_space<hbm>>) target(%dma_start3A_196 : memref<104xi32, #tpu.memory_space<vmem>>) offsets(%dma_start3A_201 : memref<104xi32, #tpu.memory_space<vmem>>) semaphore(%arg13 : memref<!tpu.dma_semaphore, #tpu.memory_space<semaphore_mem>>)
    %dma_start3A_204 = arith.constant 5 : i32
    %dma_start3A_205 = arith.constant 5 : i32
    %dma_start3A_206 = arith.constant 0 : i32
    %dma_start3A_207 = tpu.memref_slice %arg6[%dma_start3A_205, %dma_start3A_206] : memref<8x208xi32, #tpu.memory_space<vmem>> -> memref<1x208xi32, #tpu.memory_space<vmem>>
    %dma_start3A_208 = tpu.memref_squeeze %dma_start3A_207 : memref<1x208xi32, #tpu.memory_space<vmem>> -> memref<208xi32, #tpu.memory_space<vmem>>
    %dma_start3A_209 = arith.constant 104 : i32
    %dma_start3A_210 = tpu.memref_slice %dma_start3A_208[%dma_start3A_209] : memref<208xi32, #tpu.memory_space<vmem>> -> memref<96xi32, #tpu.memory_space<vmem>>
    %dma_start3A_211 = arith.constant 0 : i32
    %dma_start3A_212 = tpu.memref_slice %arg5[%dma_start3A_204, %dma_start3A_211] : memref<128x200xi32, #tpu.memory_space<vmem>> -> memref<1x200xi32, #tpu.memory_space<vmem>>
    %dma_start3A_213 = tpu.memref_squeeze %dma_start3A_212 : memref<1x200xi32, #tpu.memory_space<vmem>> -> memref<200xi32, #tpu.memory_space<vmem>>
    %dma_start3A_214 = arith.constant 104 : i32
    %dma_start3A_215 = tpu.memref_slice %dma_start3A_213[%dma_start3A_214] : memref<200xi32, #tpu.memory_space<vmem>> -> memref<96xi32, #tpu.memory_space<vmem>>
    %dma_start3A_216 = arith.constant 0 : i32
    %dma_start3A_217 = tpu.memref_slice %arg3[%dma_start3A_216] : memref<1000000xi32, #tpu.memory_space<hbm>> -> memref<1000000xi32, #tpu.memory_space<hbm>>
    tpu.enqueue_indirect_dma source(%dma_start3A_217 : memref<1000000xi32, #tpu.memory_space<hbm>>) target(%dma_start3A_210 : memref<96xi32, #tpu.memory_space<vmem>>) offsets(%dma_start3A_215 : memref<96xi32, #tpu.memory_space<vmem>>) semaphore(%arg13 : memref<!tpu.dma_semaphore, #tpu.memory_space<semaphore_mem>>)
    %dma_start3A_218 = arith.constant 6 : i32
    %dma_start3A_219 = arith.constant 6 : i32
    %dma_start3A_220 = arith.constant 0 : i32
    %dma_start3A_221 = tpu.memref_slice %arg6[%dma_start3A_219, %dma_start3A_220] : memref<8x208xi32, #tpu.memory_space<vmem>> -> memref<1x208xi32, #tpu.memory_space<vmem>>
    %dma_start3A_222 = tpu.memref_squeeze %dma_start3A_221 : memref<1x208xi32, #tpu.memory_space<vmem>> -> memref<208xi32, #tpu.memory_space<vmem>>
    %dma_start3A_223 = arith.constant 0 : i32
    %dma_start3A_224 = tpu.memref_slice %dma_start3A_222[%dma_start3A_223] : memref<208xi32, #tpu.memory_space<vmem>> -> memref<104xi32, #tpu.memory_space<vmem>>
    %dma_start3A_225 = arith.constant 0 : i32
    %dma_start3A_226 = tpu.memref_slice %arg5[%dma_start3A_218, %dma_start3A_225] : memref<128x200xi32, #tpu.memory_space<vmem>> -> memref<1x200xi32, #tpu.memory_space<vmem>>
    %dma_start3A_227 = tpu.memref_squeeze %dma_start3A_226 : memref<1x200xi32, #tpu.memory_space<vmem>> -> memref<200xi32, #tpu.memory_space<vmem>>
    %dma_start3A_228 = arith.constant 0 : i32
    %dma_start3A_229 = tpu.memref_slice %dma_start3A_227[%dma_start3A_228] : memref<200xi32, #tpu.memory_space<vmem>> -> memref<104xi32, #tpu.memory_space<vmem>>
    %dma_start3A_230 = arith.constant 0 : i32
    %dma_start3A_231 = tpu.memref_slice %arg3[%dma_start3A_230] : memref<1000000xi32, #tpu.memory_space<hbm>> -> memref<1000000xi32, #tpu.memory_space<hbm>>
    tpu.enqueue_indirect_dma source(%dma_start3A_231 : memref<1000000xi32, #tpu.memory_space<hbm>>) target(%dma_start3A_224 : memref<104xi32, #tpu.memory_space<vmem>>) offsets(%dma_start3A_229 : memref<104xi32, #tpu.memory_space<vmem>>) semaphore(%arg14 : memref<!tpu.dma_semaphore, #tpu.memory_space<semaphore_mem>>)
    %dma_start3A_232 = arith.constant 6 : i32
    %dma_start3A_233 = arith.constant 6 : i32
    %dma_start3A_234 = arith.constant 0 : i32
    %dma_start3A_235 = tpu.memref_slice %arg6[%dma_start3A_233, %dma_start3A_234] : memref<8x208xi32, #tpu.memory_space<vmem>> -> memref<1x208xi32, #tpu.memory_space<vmem>>
    %dma_start3A_236 = tpu.memref_squeeze %dma_start3A_235 : memref<1x208xi32, #tpu.memory_space<vmem>> -> memref<208xi32, #tpu.memory_space<vmem>>
    %dma_start3A_237 = arith.constant 104 : i32
    %dma_start3A_238 = tpu.memref_slice %dma_start3A_236[%dma_start3A_237] : memref<208xi32, #tpu.memory_space<vmem>> -> memref<96xi32, #tpu.memory_space<vmem>>
    %dma_start3A_239 = arith.constant 0 : i32
    %dma_start3A_240 = tpu.memref_slice %arg5[%dma_start3A_232, %dma_start3A_239] : memref<128x200xi32, #tpu.memory_space<vmem>> -> memref<1x200xi32, #tpu.memory_space<vmem>>
    %dma_start3A_241 = tpu.memref_squeeze %dma_start3A_240 : memref<1x200xi32, #tpu.memory_space<vmem>> -> memref<200xi32, #tpu.memory_space<vmem>>
    %dma_start3A_242 = arith.constant 104 : i32
    %dma_start3A_243 = tpu.memref_slice %dma_start3A_241[%dma_start3A_242] : memref<200xi32, #tpu.memory_space<vmem>> -> memref<96xi32, #tpu.memory_space<vmem>>
    %dma_start3A_244 = arith.constant 0 : i32
    %dma_start3A_245 = tpu.memref_slice %arg3[%dma_start3A_244] : memref<1000000xi32, #tpu.memory_space<hbm>> -> memref<1000000xi32, #tpu.memory_space<hbm>>
    tpu.enqueue_indirect_dma source(%dma_start3A_245 : memref<1000000xi32, #tpu.memory_space<hbm>>) target(%dma_start3A_238 : memref<96xi32, #tpu.memory_space<vmem>>) offsets(%dma_start3A_243 : memref<96xi32, #tpu.memory_space<vmem>>) semaphore(%arg14 : memref<!tpu.dma_semaphore, #tpu.memory_space<semaphore_mem>>)
    %dma_start3A_246 = arith.constant 7 : i32
    %dma_start3A_247 = arith.constant 7 : i32
    %dma_start3A_248 = arith.constant 0 : i32
    %dma_start3A_249 = tpu.memref_slice %arg6[%dma_start3A_247, %dma_start3A_248] : memref<8x208xi32, #tpu.memory_space<vmem>> -> memref<1x208xi32, #tpu.memory_space<vmem>>
    %dma_start3A_250 = tpu.memref_squeeze %dma_start3A_249 : memref<1x208xi32, #tpu.memory_space<vmem>> -> memref<208xi32, #tpu.memory_space<vmem>>
    %dma_start3A_251 = arith.constant 0 : i32
    %dma_start3A_252 = tpu.memref_slice %dma_start3A_250[%dma_start3A_251] : memref<208xi32, #tpu.memory_space<vmem>> -> memref<104xi32, #tpu.memory_space<vmem>>
    %dma_start3A_253 = arith.constant 0 : i32
    %dma_start3A_254 = tpu.memref_slice %arg5[%dma_start3A_246, %dma_start3A_253] : memref<128x200xi32, #tpu.memory_space<vmem>> -> memref<1x200xi32, #tpu.memory_space<vmem>>
    %dma_start3A_255 = tpu.memref_squeeze %dma_start3A_254 : memref<1x200xi32, #tpu.memory_space<vmem>> -> memref<200xi32, #tpu.memory_space<vmem>>
    %dma_start3A_256 = arith.constant 0 : i32
    %dma_start3A_257 = tpu.memref_slice %dma_start3A_255[%dma_start3A_256] : memref<200xi32, #tpu.memory_space<vmem>> -> memref<104xi32, #tpu.memory_space<vmem>>
    %dma_start3A_258 = arith.constant 0 : i32
    %dma_start3A_259 = tpu.memref_slice %arg3[%dma_start3A_258] : memref<1000000xi32, #tpu.memory_space<hbm>> -> memref<1000000xi32, #tpu.memory_space<hbm>>
    tpu.enqueue_indirect_dma source(%dma_start3A_259 : memref<1000000xi32, #tpu.memory_space<hbm>>) target(%dma_start3A_252 : memref<104xi32, #tpu.memory_space<vmem>>) offsets(%dma_start3A_257 : memref<104xi32, #tpu.memory_space<vmem>>) semaphore(%arg15 : memref<!tpu.dma_semaphore, #tpu.memory_space<semaphore_mem>>)
    %dma_start3A_260 = arith.constant 7 : i32
    %dma_start3A_261 = arith.constant 7 : i32
    %dma_start3A_262 = arith.constant 0 : i32
    %dma_start3A_263 = tpu.memref_slice %arg6[%dma_start3A_261, %dma_start3A_262] : memref<8x208xi32, #tpu.memory_space<vmem>> -> memref<1x208xi32, #tpu.memory_space<vmem>>
    %dma_start3A_264 = tpu.memref_squeeze %dma_start3A_263 : memref<1x208xi32, #tpu.memory_space<vmem>> -> memref<208xi32, #tpu.memory_space<vmem>>
    %dma_start3A_265 = arith.constant 104 : i32
    %dma_start3A_266 = tpu.memref_slice %dma_start3A_264[%dma_start3A_265] : memref<208xi32, #tpu.memory_space<vmem>> -> memref<96xi32, #tpu.memory_space<vmem>>
    %dma_start3A_267 = arith.constant 0 : i32
    %dma_start3A_268 = tpu.memref_slice %arg5[%dma_start3A_260, %dma_start3A_267] : memref<128x200xi32, #tpu.memory_space<vmem>> -> memref<1x200xi32, #tpu.memory_space<vmem>>
    %dma_start3A_269 = tpu.memref_squeeze %dma_start3A_268 : memref<1x200xi32, #tpu.memory_space<vmem>> -> memref<200xi32, #tpu.memory_space<vmem>>
    %dma_start3A_270 = arith.constant 104 : i32
    %dma_start3A_271 = tpu.memref_slice %dma_start3A_269[%dma_start3A_270] : memref<200xi32, #tpu.memory_space<vmem>> -> memref<96xi32, #tpu.memory_space<vmem>>
    %dma_start3A_272 = arith.constant 0 : i32
    %dma_start3A_273 = tpu.memref_slice %arg3[%dma_start3A_272] : memref<1000000xi32, #tpu.memory_space<hbm>> -> memref<1000000xi32, #tpu.memory_space<hbm>>
    tpu.enqueue_indirect_dma source(%dma_start3A_273 : memref<1000000xi32, #tpu.memory_space<hbm>>) target(%dma_start3A_266 : memref<96xi32, #tpu.memory_space<vmem>>) offsets(%dma_start3A_271 : memref<96xi32, #tpu.memory_space<vmem>>) semaphore(%arg15 : memref<!tpu.dma_semaphore, #tpu.memory_space<semaphore_mem>>)
    %scan3A = arith.constant 0 : i32
    %scan3A_274 = arith.constant 0 : i32
    %scan3A_275 = arith.constant 16 : i32
    %scan3A_276 = arith.addi %scan3A_274, %scan3A_275 : i32
    %scan3A_277 = arith.constant 1 : i32
    %scan3A_278 = scf.for %scan3A_280 = %scan3A_274 to %scan3A_276 step %scan3A_277 iter_args(%scan3A_281 = %scan3A) -> (i32)  : i32 {
      %mul3A_282 = arith.constant 8 : i32
      %mul3A_283 = arith.muli %mul3A_282, %scan3A_280 : i32
      %add3A_284 = arith.constant 0 : i32
      %add3A_285 = arith.addi %mul3A_283, %add3A_284 : i32
      %dma_wait3A = arith.constant 0 : i32
      %dma_wait3A_286 = arith.constant 0 : i32
      %dma_wait3A_287 = tpu.memref_slice %arg6[%dma_wait3A, %dma_wait3A_286] : memref<8x208xi32, #tpu.memory_space<vmem>> -> memref<1x208xi32, #tpu.memory_space<vmem>>
      %dma_wait3A_288 = tpu.memref_squeeze %dma_wait3A_287 : memref<1x208xi32, #tpu.memory_space<vmem>> -> memref<208xi32, #tpu.memory_space<vmem>>
      %dma_wait3A_289 = arith.constant 0 : i32
      %dma_wait3A_290 = tpu.memref_slice %dma_wait3A_288[%dma_wait3A_289] : memref<208xi32, #tpu.memory_space<vmem>> -> memref<104xi32, #tpu.memory_space<vmem>>
      %dma_wait3A_291 = arith.constant 0 : i32
      %dma_wait3A_292 = tpu.memref_slice %arg5[%add3A_285, %dma_wait3A_291] : memref<128x200xi32, #tpu.memory_space<vmem>> -> memref<1x200xi32, #tpu.memory_space<vmem>>
      %dma_wait3A_293 = tpu.memref_squeeze %dma_wait3A_292 : memref<1x200xi32, #tpu.memory_space<vmem>> -> memref<200xi32, #tpu.memory_space<vmem>>
      %dma_wait3A_294 = arith.constant 0 : i32
      %dma_wait3A_295 = tpu.memref_slice %dma_wait3A_293[%dma_wait3A_294] : memref<200xi32, #tpu.memory_space<vmem>> -> memref<104xi32, #tpu.memory_space<vmem>>
      %dma_wait3A_296 = arith.constant 0 : i32
      %dma_wait3A_297 = tpu.memref_slice %arg3[%dma_wait3A_296] : memref<1000000xi32, #tpu.memory_space<hbm>> -> memref<1000000xi32, #tpu.memory_space<hbm>>
      tpu.wait_indirect_dma semaphore(%arg8 : memref<!tpu.dma_semaphore, #tpu.memory_space<semaphore_mem>>) src(%dma_wait3A_297 : memref<1000000xi32, #tpu.memory_space<hbm>>) dst(%dma_wait3A_290 : memref<104xi32, #tpu.memory_space<vmem>>)
      %dma_wait3A_298 = arith.constant 0 : i32
      %dma_wait3A_299 = arith.constant 0 : i32
      %dma_wait3A_300 = tpu.memref_slice %arg6[%dma_wait3A_298, %dma_wait3A_299] : memref<8x208xi32, #tpu.memory_space<vmem>> -> memref<1x208xi32, #tpu.memory_space<vmem>>
      %dma_wait3A_301 = tpu.memref_squeeze %dma_wait3A_300 : memref<1x208xi32, #tpu.memory_space<vmem>> -> memref<208xi32, #tpu.memory_space<vmem>>
      %dma_wait3A_302 = arith.constant 104 : i32
      %dma_wait3A_303 = tpu.memref_slice %dma_wait3A_301[%dma_wait3A_302] : memref<208xi32, #tpu.memory_space<vmem>> -> memref<96xi32, #tpu.memory_space<vmem>>
      %dma_wait3A_304 = arith.constant 0 : i32
      %dma_wait3A_305 = tpu.memref_slice %arg5[%add3A_285, %dma_wait3A_304] : memref<128x200xi32, #tpu.memory_space<vmem>> -> memref<1x200xi32, #tpu.memory_space<vmem>>
      %dma_wait3A_306 = tpu.memref_squeeze %dma_wait3A_305 : memref<1x200xi32, #tpu.memory_space<vmem>> -> memref<200xi32, #tpu.memory_space<vmem>>
      %dma_wait3A_307 = arith.constant 104 : i32
      %dma_wait3A_308 = tpu.memref_slice %dma_wait3A_306[%dma_wait3A_307] : memref<200xi32, #tpu.memory_space<vmem>> -> memref<96xi32, #tpu.memory_space<vmem>>
      %dma_wait3A_309 = arith.constant 0 : i32
      %dma_wait3A_310 = tpu.memref_slice %arg3[%dma_wait3A_309] : memref<1000000xi32, #tpu.memory_space<hbm>> -> memref<1000000xi32, #tpu.memory_space<hbm>>
      tpu.wait_indirect_dma semaphore(%arg8 : memref<!tpu.dma_semaphore, #tpu.memory_space<semaphore_mem>>) src(%dma_wait3A_310 : memref<1000000xi32, #tpu.memory_space<hbm>>) dst(%dma_wait3A_303 : memref<96xi32, #tpu.memory_space<vmem>>)
      %get3A = arith.constant 0 : i32
      %get3A_311 = arith.index_cast %get3A : i32 to index
      %get3A_312 = arith.constant 0 : index
      %get3A_313 = tpu.vector_load %arg6[%get3A_311, %get3A_312] {strides = array<i32>} : memref<8x208xi32, #tpu.memory_space<vmem>>, vector<1x16xi32>,
      %get3A_314 = vector.shape_cast %get3A_313 : vector<1x16xi32> to vector<16xi32>
      %shift_left3A = arith.constant 16 : i32
      %shift_left3A_315 = vector.broadcast %shift_left3A : i32 to vector<16xi32>
      %shift_left3A_316 = arith.shli %get3A_314, %shift_left3A_315 : vector<16xi32>
      %shift_right_arithmetic3A = arith.constant 16 : i32
      %shift_right_arithmetic3A_317 = vector.broadcast %shift_right_arithmetic3A : i32 to vector<16xi32>
      %shift_right_arithmetic3A_318 = arith.shrsi %shift_left3A_316, %shift_right_arithmetic3A_317 : vector<16xi32>
      %add3A_319 = arith.addi %broadcast_in_dim3A_3, %shift_right_arithmetic3A_318 : vector<16xi32>
      %shift_right_arithmetic3A_320 = arith.constant 16 : i32
      %shift_right_arithmetic3A_321 = vector.broadcast %shift_right_arithmetic3A_320 : i32 to vector<16xi32>
      %shift_right_arithmetic3A_322 = arith.shrsi %get3A_314, %shift_right_arithmetic3A_321 : vector<16xi32>
      %add3A_323 = arith.addi %broadcast_in_dim3A_3, %shift_right_arithmetic3A_322 : vector<16xi32>
      %get3A_324 = arith.constant 0 : i32
      %get3A_325 = arith.index_cast %get3A_324 : i32 to index
      %get3A_326 = arith.constant 16 : index
      %get3A_327 = tpu.vector_load %arg6[%get3A_325, %get3A_326] {strides = array<i32>} : memref<8x208xi32, #tpu.memory_space<vmem>>, vector<1x16xi32>,
      %get3A_328 = vector.shape_cast %get3A_327 : vector<1x16xi32> to vector<16xi32>
      %shift_left3A_329 = arith.constant 16 : i32
      %shift_left3A_330 = vector.broadcast %shift_left3A_329 : i32 to vector<16xi32>
      %shift_left3A_331 = arith.shli %get3A_328, %shift_left3A_330 : vector<16xi32>
      %shift_right_arithmetic3A_332 = arith.constant 16 : i32
      %shift_right_arithmetic3A_333 = vector.broadcast %shift_right_arithmetic3A_332 : i32 to vector<16xi32>
      %shift_right_arithmetic3A_334 = arith.shrsi %shift_left3A_331, %shift_right_arithmetic3A_333 : vector<16xi32>
      %add3A_335 = arith.addi %add3A_319, %shift_right_arithmetic3A_334 : vector<16xi32>
      %shift_right_arithmetic3A_336 = arith.constant 16 : i32
      %shift_right_arithmetic3A_337 = vector.broadcast %shift_right_arithmetic3A_336 : i32 to vector<16xi32>
      %shift_right_arithmetic3A_338 = arith.shrsi %get3A_328, %shift_right_arithmetic3A_337 : vector<16xi32>
      %add3A_339 = arith.addi %add3A_323, %shift_right_arithmetic3A_338 : vector<16xi32>
      %get3A_340 = arith.constant 0 : i32
      %get3A_341 = arith.index_cast %get3A_340 : i32 to index
      %get3A_342 = arith.constant 32 : index
      %get3A_343 = tpu.vector_load %arg6[%get3A_341, %get3A_342] {strides = array<i32>} : memref<8x208xi32, #tpu.memory_space<vmem>>, vector<1x16xi32>,
      %get3A_344 = vector.shape_cast %get3A_343 : vector<1x16xi32> to vector<16xi32>
      %shift_left3A_345 = arith.constant 16 : i32
      %shift_left3A_346 = vector.broadcast %shift_left3A_345 : i32 to vector<16xi32>
      %shift_left3A_347 = arith.shli %get3A_344, %shift_left3A_346 : vector<16xi32>
      %shift_right_arithmetic3A_348 = arith.constant 16 : i32
      %shift_right_arithmetic3A_349 = vector.broadcast %shift_right_arithmetic3A_348 : i32 to vector<16xi32>
      %shift_right_arithmetic3A_350 = arith.shrsi %shift_left3A_347, %shift_right_arithmetic3A_349 : vector<16xi32>
      %add3A_351 = arith.addi %add3A_335, %shift_right_arithmetic3A_350 : vector<16xi32>
      %shift_right_arithmetic3A_352 = arith.constant 16 : i32
      %shift_right_arithmetic3A_353 = vector.broadcast %shift_right_arithmetic3A_352 : i32 to vector<16xi32>
      %shift_right_arithmetic3A_354 = arith.shrsi %get3A_344, %shift_right_arithmetic3A_353 : vector<16xi32>
      %add3A_355 = arith.addi %add3A_339, %shift_right_arithmetic3A_354 : vector<16xi32>
      %get3A_356 = arith.constant 0 : i32
      %get3A_357 = arith.index_cast %get3A_356 : i32 to index
      %get3A_358 = arith.constant 48 : index
      %get3A_359 = tpu.vector_load %arg6[%get3A_357, %get3A_358] {strides = array<i32>} : memref<8x208xi32, #tpu.memory_space<vmem>>, vector<1x16xi32>,
      %get3A_360 = vector.shape_cast %get3A_359 : vector<1x16xi32> to vector<16xi32>
      %shift_left3A_361 = arith.constant 16 : i32
      %shift_left3A_362 = vector.broadcast %shift_left3A_361 : i32 to vector<16xi32>
      %shift_left3A_363 = arith.shli %get3A_360, %shift_left3A_362 : vector<16xi32>
      %shift_right_arithmetic3A_364 = arith.constant 16 : i32
      %shift_right_arithmetic3A_365 = vector.broadcast %shift_right_arithmetic3A_364 : i32 to vector<16xi32>
      %shift_right_arithmetic3A_366 = arith.shrsi %shift_left3A_363, %shift_right_arithmetic3A_365 : vector<16xi32>
      %add3A_367 = arith.addi %add3A_351, %shift_right_arithmetic3A_366 : vector<16xi32>
      %shift_right_arithmetic3A_368 = arith.constant 16 : i32
      %shift_right_arithmetic3A_369 = vector.broadcast %shift_right_arithmetic3A_368 : i32 to vector<16xi32>
      %shift_right_arithmetic3A_370 = arith.shrsi %get3A_360, %shift_right_arithmetic3A_369 : vector<16xi32>
      %add3A_371 = arith.addi %add3A_355, %shift_right_arithmetic3A_370 : vector<16xi32>
      %get3A_372 = arith.constant 0 : i32
      %get3A_373 = arith.index_cast %get3A_372 : i32 to index
      %get3A_374 = arith.constant 64 : index
      %get3A_375 = tpu.vector_load %arg6[%get3A_373, %get3A_374] {strides = array<i32>} : memref<8x208xi32, #tpu.memory_space<vmem>>, vector<1x16xi32>,
      %get3A_376 = vector.shape_cast %get3A_375 : vector<1x16xi32> to vector<16xi32>
      %shift_left3A_377 = arith.constant 16 : i32
      %shift_left3A_378 = vector.broadcast %shift_left3A_377 : i32 to vector<16xi32>
      %shift_left3A_379 = arith.shli %get3A_376, %shift_left3A_378 : vector<16xi32>
      %shift_right_arithmetic3A_380 = arith.constant 16 : i32
      %shift_right_arithmetic3A_381 = vector.broadcast %shift_right_arithmetic3A_380 : i32 to vector<16xi32>
      %shift_right_arithmetic3A_382 = arith.shrsi %shift_left3A_379, %shift_right_arithmetic3A_381 : vector<16xi32>
      %add3A_383 = arith.addi %add3A_367, %shift_right_arithmetic3A_382 : vector<16xi32>
      %shift_right_arithmetic3A_384 = arith.constant 16 : i32
      %shift_right_arithmetic3A_385 = vector.broadcast %shift_right_arithmetic3A_384 : i32 to vector<16xi32>
      %shift_right_arithmetic3A_386 = arith.shrsi %get3A_376, %shift_right_arithmetic3A_385 : vector<16xi32>
      %add3A_387 = arith.addi %add3A_371, %shift_right_arithmetic3A_386 : vector<16xi32>
      %get3A_388 = arith.constant 0 : i32
      %get3A_389 = arith.index_cast %get3A_388 : i32 to index
      %get3A_390 = arith.constant 80 : index
      %get3A_391 = tpu.vector_load %arg6[%get3A_389, %get3A_390] {strides = array<i32>} : memref<8x208xi32, #tpu.memory_space<vmem>>, vector<1x16xi32>,
      %get3A_392 = vector.shape_cast %get3A_391 : vector<1x16xi32> to vector<16xi32>
      %shift_left3A_393 = arith.constant 16 : i32
      %shift_left3A_394 = vector.broadcast %shift_left3A_393 : i32 to vector<16xi32>
      %shift_left3A_395 = arith.shli %get3A_392, %shift_left3A_394 : vector<16xi32>
      %shift_right_arithmetic3A_396 = arith.constant 16 : i32
      %shift_right_arithmetic3A_397 = vector.broadcast %shift_right_arithmetic3A_396 : i32 to vector<16xi32>
      %shift_right_arithmetic3A_398 = arith.shrsi %shift_left3A_395, %shift_right_arithmetic3A_397 : vector<16xi32>
      %add3A_399 = arith.addi %add3A_383, %shift_right_arithmetic3A_398 : vector<16xi32>
      %shift_right_arithmetic3A_400 = arith.constant 16 : i32
      %shift_right_arithmetic3A_401 = vector.broadcast %shift_right_arithmetic3A_400 : i32 to vector<16xi32>
      %shift_right_arithmetic3A_402 = arith.shrsi %get3A_392, %shift_right_arithmetic3A_401 : vector<16xi32>
      %add3A_403 = arith.addi %add3A_387, %shift_right_arithmetic3A_402 : vector<16xi32>
      %get3A_404 = arith.constant 0 : i32
      %get3A_405 = arith.index_cast %get3A_404 : i32 to index
      %get3A_406 = arith.constant 96 : index
      %get3A_407 = tpu.vector_load %arg6[%get3A_405, %get3A_406] {strides = array<i32>} : memref<8x208xi32, #tpu.memory_space<vmem>>, vector<1x16xi32>,
      %get3A_408 = vector.shape_cast %get3A_407 : vector<1x16xi32> to vector<16xi32>
      %shift_left3A_409 = arith.constant 16 : i32
      %shift_left3A_410 = vector.broadcast %shift_left3A_409 : i32 to vector<16xi32>
      %shift_left3A_411 = arith.shli %get3A_408, %shift_left3A_410 : vector<16xi32>
      %shift_right_arithmetic3A_412 = arith.constant 16 : i32
      %shift_right_arithmetic3A_413 = vector.broadcast %shift_right_arithmetic3A_412 : i32 to vector<16xi32>
      %shift_right_arithmetic3A_414 = arith.shrsi %shift_left3A_411, %shift_right_arithmetic3A_413 : vector<16xi32>
      %add3A_415 = arith.addi %add3A_399, %shift_right_arithmetic3A_414 : vector<16xi32>
      %shift_right_arithmetic3A_416 = arith.constant 16 : i32
      %shift_right_arithmetic3A_417 = vector.broadcast %shift_right_arithmetic3A_416 : i32 to vector<16xi32>
      %shift_right_arithmetic3A_418 = arith.shrsi %get3A_408, %shift_right_arithmetic3A_417 : vector<16xi32>
      %add3A_419 = arith.addi %add3A_403, %shift_right_arithmetic3A_418 : vector<16xi32>
      %get3A_420 = arith.constant 0 : i32
      %get3A_421 = arith.index_cast %get3A_420 : i32 to index
      %get3A_422 = arith.constant 112 : index
      %get3A_423 = tpu.vector_load %arg6[%get3A_421, %get3A_422] {strides = array<i32>} : memref<8x208xi32, #tpu.memory_space<vmem>>, vector<1x16xi32>,
      %get3A_424 = vector.shape_cast %get3A_423 : vector<1x16xi32> to vector<16xi32>
      %shift_left3A_425 = arith.constant 16 : i32
      %shift_left3A_426 = vector.broadcast %shift_left3A_425 : i32 to vector<16xi32>
      %shift_left3A_427 = arith.shli %get3A_424, %shift_left3A_426 : vector<16xi32>
      %shift_right_arithmetic3A_428 = arith.constant 16 : i32
      %shift_right_arithmetic3A_429 = vector.broadcast %shift_right_arithmetic3A_428 : i32 to vector<16xi32>
      %shift_right_arithmetic3A_430 = arith.shrsi %shift_left3A_427, %shift_right_arithmetic3A_429 : vector<16xi32>
      %add3A_431 = arith.addi %add3A_415, %shift_right_arithmetic3A_430 : vector<16xi32>
      %shift_right_arithmetic3A_432 = arith.constant 16 : i32
      %shift_right_arithmetic3A_433 = vector.broadcast %shift_right_arithmetic3A_432 : i32 to vector<16xi32>
      %shift_right_arithmetic3A_434 = arith.shrsi %get3A_424, %shift_right_arithmetic3A_433 : vector<16xi32>
      %add3A_435 = arith.addi %add3A_419, %shift_right_arithmetic3A_434 : vector<16xi32>
      %get3A_436 = arith.constant 0 : i32
      %get3A_437 = arith.index_cast %get3A_436 : i32 to index
      %get3A_438 = arith.constant 128 : index
      %get3A_439 = tpu.vector_load %arg6[%get3A_437, %get3A_438] {strides = array<i32>} : memref<8x208xi32, #tpu.memory_space<vmem>>, vector<1x16xi32>,
      %get3A_440 = vector.shape_cast %get3A_439 : vector<1x16xi32> to vector<16xi32>
      %shift_left3A_441 = arith.constant 16 : i32
      %shift_left3A_442 = vector.broadcast %shift_left3A_441 : i32 to vector<16xi32>
      %shift_left3A_443 = arith.shli %get3A_440, %shift_left3A_442 : vector<16xi32>
      %shift_right_arithmetic3A_444 = arith.constant 16 : i32
      %shift_right_arithmetic3A_445 = vector.broadcast %shift_right_arithmetic3A_444 : i32 to vector<16xi32>
      %shift_right_arithmetic3A_446 = arith.shrsi %shift_left3A_443, %shift_right_arithmetic3A_445 : vector<16xi32>
      %add3A_447 = arith.addi %add3A_431, %shift_right_arithmetic3A_446 : vector<16xi32>
      %shift_right_arithmetic3A_448 = arith.constant 16 : i32
      %shift_right_arithmetic3A_449 = vector.broadcast %shift_right_arithmetic3A_448 : i32 to vector<16xi32>
      %shift_right_arithmetic3A_450 = arith.shrsi %get3A_440, %shift_right_arithmetic3A_449 : vector<16xi32>
      %add3A_451 = arith.addi %add3A_435, %shift_right_arithmetic3A_450 : vector<16xi32>
      %get3A_452 = arith.constant 0 : i32
      %get3A_453 = arith.index_cast %get3A_452 : i32 to index
      %get3A_454 = arith.constant 144 : index
      %get3A_455 = tpu.vector_load %arg6[%get3A_453, %get3A_454] {strides = array<i32>} : memref<8x208xi32, #tpu.memory_space<vmem>>, vector<1x16xi32>,
      %get3A_456 = vector.shape_cast %get3A_455 : vector<1x16xi32> to vector<16xi32>
      %shift_left3A_457 = arith.constant 16 : i32
      %shift_left3A_458 = vector.broadcast %shift_left3A_457 : i32 to vector<16xi32>
      %shift_left3A_459 = arith.shli %get3A_456, %shift_left3A_458 : vector<16xi32>
      %shift_right_arithmetic3A_460 = arith.constant 16 : i32
      %shift_right_arithmetic3A_461 = vector.broadcast %shift_right_arithmetic3A_460 : i32 to vector<16xi32>
      %shift_right_arithmetic3A_462 = arith.shrsi %shift_left3A_459, %shift_right_arithmetic3A_461 : vector<16xi32>
      %add3A_463 = arith.addi %add3A_447, %shift_right_arithmetic3A_462 : vector<16xi32>
      %shift_right_arithmetic3A_464 = arith.constant 16 : i32
      %shift_right_arithmetic3A_465 = vector.broadcast %shift_right_arithmetic3A_464 : i32 to vector<16xi32>
      %shift_right_arithmetic3A_466 = arith.shrsi %get3A_456, %shift_right_arithmetic3A_465 : vector<16xi32>
      %add3A_467 = arith.addi %add3A_451, %shift_right_arithmetic3A_466 : vector<16xi32>
      %get3A_468 = arith.constant 0 : i32
      %get3A_469 = arith.index_cast %get3A_468 : i32 to index
      %get3A_470 = arith.constant 160 : index
      %get3A_471 = tpu.vector_load %arg6[%get3A_469, %get3A_470] {strides = array<i32>} : memref<8x208xi32, #tpu.memory_space<vmem>>, vector<1x16xi32>,
      %get3A_472 = vector.shape_cast %get3A_471 : vector<1x16xi32> to vector<16xi32>
      %shift_left3A_473 = arith.constant 16 : i32
      %shift_left3A_474 = vector.broadcast %shift_left3A_473 : i32 to vector<16xi32>
      %shift_left3A_475 = arith.shli %get3A_472, %shift_left3A_474 : vector<16xi32>
      %shift_right_arithmetic3A_476 = arith.constant 16 : i32
      %shift_right_arithmetic3A_477 = vector.broadcast %shift_right_arithmetic3A_476 : i32 to vector<16xi32>
      %shift_right_arithmetic3A_478 = arith.shrsi %shift_left3A_475, %shift_right_arithmetic3A_477 : vector<16xi32>
      %add3A_479 = arith.addi %add3A_463, %shift_right_arithmetic3A_478 : vector<16xi32>
      %shift_right_arithmetic3A_480 = arith.constant 16 : i32
      %shift_right_arithmetic3A_481 = vector.broadcast %shift_right_arithmetic3A_480 : i32 to vector<16xi32>
      %shift_right_arithmetic3A_482 = arith.shrsi %get3A_472, %shift_right_arithmetic3A_481 : vector<16xi32>
      %add3A_483 = arith.addi %add3A_467, %shift_right_arithmetic3A_482 : vector<16xi32>
      %get3A_484 = arith.constant 0 : i32
      %get3A_485 = arith.index_cast %get3A_484 : i32 to index
      %get3A_486 = arith.constant 176 : index
      %get3A_487 = tpu.vector_load %arg6[%get3A_485, %get3A_486] {strides = array<i32>} : memref<8x208xi32, #tpu.memory_space<vmem>>, vector<1x16xi32>,
      %get3A_488 = vector.shape_cast %get3A_487 : vector<1x16xi32> to vector<16xi32>
      %shift_left3A_489 = arith.constant 16 : i32
      %shift_left3A_490 = vector.broadcast %shift_left3A_489 : i32 to vector<16xi32>
      %shift_left3A_491 = arith.shli %get3A_488, %shift_left3A_490 : vector<16xi32>
      %shift_right_arithmetic3A_492 = arith.constant 16 : i32
      %shift_right_arithmetic3A_493 = vector.broadcast %shift_right_arithmetic3A_492 : i32 to vector<16xi32>
      %shift_right_arithmetic3A_494 = arith.shrsi %shift_left3A_491, %shift_right_arithmetic3A_493 : vector<16xi32>
      %add3A_495 = arith.addi %add3A_479, %shift_right_arithmetic3A_494 : vector<16xi32>
      %shift_right_arithmetic3A_496 = arith.constant 16 : i32
      %shift_right_arithmetic3A_497 = vector.broadcast %shift_right_arithmetic3A_496 : i32 to vector<16xi32>
      %shift_right_arithmetic3A_498 = arith.shrsi %get3A_488, %shift_right_arithmetic3A_497 : vector<16xi32>
      %add3A_499 = arith.addi %add3A_483, %shift_right_arithmetic3A_498 : vector<16xi32>
      %get3A_500 = arith.constant 0 : i32
      %get3A_501 = arith.index_cast %get3A_500 : i32 to index
      %get3A_502 = arith.constant 192 : index
      %get3A_503 = tpu.vector_load %arg6[%get3A_501, %get3A_502] {strides = array<i32>} : memref<8x208xi32, #tpu.memory_space<vmem>>, vector<1x16xi32>,
      %get3A_504 = vector.shape_cast %get3A_503 : vector<1x16xi32> to vector<16xi32>
      %shift_left3A_505 = arith.constant 16 : i32
      %shift_left3A_506 = vector.broadcast %shift_left3A_505 : i32 to vector<16xi32>
      %shift_left3A_507 = arith.shli %get3A_504, %shift_left3A_506 : vector<16xi32>
      %shift_right_arithmetic3A_508 = arith.constant 16 : i32
      %shift_right_arithmetic3A_509 = vector.broadcast %shift_right_arithmetic3A_508 : i32 to vector<16xi32>
      %shift_right_arithmetic3A_510 = arith.shrsi %shift_left3A_507, %shift_right_arithmetic3A_509 : vector<16xi32>
      %add3A_511 = arith.addi %add3A_495, %shift_right_arithmetic3A_510 : vector<16xi32>
      %shift_right_arithmetic3A_512 = arith.constant 16 : i32
      %shift_right_arithmetic3A_513 = vector.broadcast %shift_right_arithmetic3A_512 : i32 to vector<16xi32>
      %shift_right_arithmetic3A_514 = arith.shrsi %get3A_504, %shift_right_arithmetic3A_513 : vector<16xi32>
      %add3A_515 = arith.addi %add3A_499, %shift_right_arithmetic3A_514 : vector<16xi32>
      %swap3A_516 = arith.index_cast %add3A_285 : i32 to index
      %swap3A_517 = arith.constant 0 : index
      %swap3A_518 = tpu.vector_load %arg7[%swap3A_516, %swap3A_517] {strides = array<i32>} : memref<128x32xi32, #tpu.memory_space<vmem>>, vector<1x16xi32>,
      %swap3A_519 = vector.shape_cast %swap3A_518 : vector<1x16xi32> to vector<16xi32>
      %swap3A_520 = vector.shape_cast %add3A_511 : vector<16xi32> to vector<1x16xi32>
      tpu.vector_store %arg7[%swap3A_516, %swap3A_517], %swap3A_520 {strides = array<i32>} : memref<128x32xi32, #tpu.memory_space<vmem>>, vector<1x16xi32>,
      %swap3A_521 = arith.index_cast %add3A_285 : i32 to index
      %swap3A_522 = arith.constant 16 : index
      %swap3A_523 = tpu.vector_load %arg7[%swap3A_521, %swap3A_522] {strides = array<i32>} : memref<128x32xi32, #tpu.memory_space<vmem>>, vector<1x16xi32>,
      %swap3A_524 = vector.shape_cast %swap3A_523 : vector<1x16xi32> to vector<16xi32>
      %swap3A_525 = vector.shape_cast %add3A_515 : vector<16xi32> to vector<1x16xi32>
      tpu.vector_store %arg7[%swap3A_521, %swap3A_522], %swap3A_525 {strides = array<i32>} : memref<128x32xi32, #tpu.memory_space<vmem>>, vector<1x16xi32>,
      %lt3A = arith.constant 15 : i32
      %lt3A_526 = arith.cmpi slt, %scan3A_280, %lt3A : i32
      %convert_element_type3A = arith.extui %lt3A_526 : i1 to i32
      %cond3A = arith.constant 0 : i32
      %cond3A_527 = arith.cmpi ne, %convert_element_type3A, %cond3A : i32
      scf.if %cond3A_527 {
        %add3A_2300 = arith.constant 8 : i32
        %add3A_2301 = arith.addi %add3A_285, %add3A_2300 : i32
        %dma_start3A_2302 = arith.constant 0 : i32
        %dma_start3A_2303 = arith.constant 0 : i32
        %dma_start3A_2304 = tpu.memref_slice %arg6[%dma_start3A_2302, %dma_start3A_2303] : memref<8x208xi32, #tpu.memory_space<vmem>> -> memref<1x208xi32, #tpu.memory_space<vmem>>
        %dma_start3A_2305 = tpu.memref_squeeze %dma_start3A_2304 : memref<1x208xi32, #tpu.memory_space<vmem>> -> memref<208xi32, #tpu.memory_space<vmem>>
        %dma_start3A_2306 = arith.constant 0 : i32
        %dma_start3A_2307 = tpu.memref_slice %dma_start3A_2305[%dma_start3A_2306] : memref<208xi32, #tpu.memory_space<vmem>> -> memref<104xi32, #tpu.memory_space<vmem>>
        %dma_start3A_2308 = arith.constant 0 : i32
        %dma_start3A_2309 = tpu.memref_slice %arg5[%add3A_2301, %dma_start3A_2308] : memref<128x200xi32, #tpu.memory_space<vmem>> -> memref<1x200xi32, #tpu.memory_space<vmem>>
        %dma_start3A_2310 = tpu.memref_squeeze %dma_start3A_2309 : memref<1x200xi32, #tpu.memory_space<vmem>> -> memref<200xi32, #tpu.memory_space<vmem>>
        %dma_start3A_2311 = arith.constant 0 : i32
        %dma_start3A_2312 = tpu.memref_slice %dma_start3A_2310[%dma_start3A_2311] : memref<200xi32, #tpu.memory_space<vmem>> -> memref<104xi32, #tpu.memory_space<vmem>>
        %dma_start3A_2313 = arith.constant 0 : i32
        %dma_start3A_2314 = tpu.memref_slice %arg3[%dma_start3A_2313] : memref<1000000xi32, #tpu.memory_space<hbm>> -> memref<1000000xi32, #tpu.memory_space<hbm>>
        tpu.enqueue_indirect_dma source(%dma_start3A_2314 : memref<1000000xi32, #tpu.memory_space<hbm>>) target(%dma_start3A_2307 : memref<104xi32, #tpu.memory_space<vmem>>) offsets(%dma_start3A_2312 : memref<104xi32, #tpu.memory_space<vmem>>) semaphore(%arg8 : memref<!tpu.dma_semaphore, #tpu.memory_space<semaphore_mem>>)
        %dma_start3A_2315 = arith.constant 0 : i32
        %dma_start3A_2316 = arith.constant 0 : i32
        %dma_start3A_2317 = tpu.memref_slice %arg6[%dma_start3A_2315, %dma_start3A_2316] : memref<8x208xi32, #tpu.memory_space<vmem>> -> memref<1x208xi32, #tpu.memory_space<vmem>>
        %dma_start3A_2318 = tpu.memref_squeeze %dma_start3A_2317 : memref<1x208xi32, #tpu.memory_space<vmem>> -> memref<208xi32, #tpu.memory_space<vmem>>
        %dma_start3A_2319 = arith.constant 104 : i32
        %dma_start3A_2320 = tpu.memref_slice %dma_start3A_2318[%dma_start3A_2319] : memref<208xi32, #tpu.memory_space<vmem>> -> memref<96xi32, #tpu.memory_space<vmem>>
        %dma_start3A_2321 = arith.constant 0 : i32
        %dma_start3A_2322 = tpu.memref_slice %arg5[%add3A_2301, %dma_start3A_2321] : memref<128x200xi32, #tpu.memory_space<vmem>> -> memref<1x200xi32, #tpu.memory_space<vmem>>
        %dma_start3A_2323 = tpu.memref_squeeze %dma_start3A_2322 : memref<1x200xi32, #tpu.memory_space<vmem>> -> memref<200xi32, #tpu.memory_space<vmem>>
        %dma_start3A_2324 = arith.constant 104 : i32
        %dma_start3A_2325 = tpu.memref_slice %dma_start3A_2323[%dma_start3A_2324] : memref<200xi32, #tpu.memory_space<vmem>> -> memref<96xi32, #tpu.memory_space<vmem>>
        %dma_start3A_2326 = arith.constant 0 : i32
        %dma_start3A_2327 = tpu.memref_slice %arg3[%dma_start3A_2326] : memref<1000000xi32, #tpu.memory_space<hbm>> -> memref<1000000xi32, #tpu.memory_space<hbm>>
        tpu.enqueue_indirect_dma source(%dma_start3A_2327 : memref<1000000xi32, #tpu.memory_space<hbm>>) target(%dma_start3A_2320 : memref<96xi32, #tpu.memory_space<vmem>>) offsets(%dma_start3A_2325 : memref<96xi32, #tpu.memory_space<vmem>>) semaphore(%arg8 : memref<!tpu.dma_semaphore, #tpu.memory_space<semaphore_mem>>)
      } else {
      }
      %mul3A_528 = arith.constant 8 : i32
      %mul3A_529 = arith.muli %mul3A_528, %scan3A_280 : i32
      %add3A_530 = arith.constant 1 : i32
      %add3A_531 = arith.addi %mul3A_529, %add3A_530 : i32
      %dma_wait3A_532 = arith.constant 1 : i32
      %dma_wait3A_533 = arith.constant 0 : i32
      %dma_wait3A_534 = tpu.memref_slice %arg6[%dma_wait3A_532, %dma_wait3A_533] : memref<8x208xi32, #tpu.memory_space<vmem>> -> memref<1x208xi32, #tpu.memory_space<vmem>>
      %dma_wait3A_535 = tpu.memref_squeeze %dma_wait3A_534 : memref<1x208xi32, #tpu.memory_space<vmem>> -> memref<208xi32, #tpu.memory_space<vmem>>
      %dma_wait3A_536 = arith.constant 0 : i32
      %dma_wait3A_537 = tpu.memref_slice %dma_wait3A_535[%dma_wait3A_536] : memref<208xi32, #tpu.memory_space<vmem>> -> memref<104xi32, #tpu.memory_space<vmem>>
      %dma_wait3A_538 = arith.constant 0 : i32
      %dma_wait3A_539 = tpu.memref_slice %arg5[%add3A_531, %dma_wait3A_538] : memref<128x200xi32, #tpu.memory_space<vmem>> -> memref<1x200xi32, #tpu.memory_space<vmem>>
      %dma_wait3A_540 = tpu.memref_squeeze %dma_wait3A_539 : memref<1x200xi32, #tpu.memory_space<vmem>> -> memref<200xi32, #tpu.memory_space<vmem>>
      %dma_wait3A_541 = arith.constant 0 : i32
      %dma_wait3A_542 = tpu.memref_slice %dma_wait3A_540[%dma_wait3A_541] : memref<200xi32, #tpu.memory_space<vmem>> -> memref<104xi32, #tpu.memory_space<vmem>>
      %dma_wait3A_543 = arith.constant 0 : i32
      %dma_wait3A_544 = tpu.memref_slice %arg3[%dma_wait3A_543] : memref<1000000xi32, #tpu.memory_space<hbm>> -> memref<1000000xi32, #tpu.memory_space<hbm>>
      tpu.wait_indirect_dma semaphore(%arg9 : memref<!tpu.dma_semaphore, #tpu.memory_space<semaphore_mem>>) src(%dma_wait3A_544 : memref<1000000xi32, #tpu.memory_space<hbm>>) dst(%dma_wait3A_537 : memref<104xi32, #tpu.memory_space<vmem>>)
      %dma_wait3A_545 = arith.constant 1 : i32
      %dma_wait3A_546 = arith.constant 0 : i32
      %dma_wait3A_547 = tpu.memref_slice %arg6[%dma_wait3A_545, %dma_wait3A_546] : memref<8x208xi32, #tpu.memory_space<vmem>> -> memref<1x208xi32, #tpu.memory_space<vmem>>
      %dma_wait3A_548 = tpu.memref_squeeze %dma_wait3A_547 : memref<1x208xi32, #tpu.memory_space<vmem>> -> memref<208xi32, #tpu.memory_space<vmem>>
      %dma_wait3A_549 = arith.constant 104 : i32
      %dma_wait3A_550 = tpu.memref_slice %dma_wait3A_548[%dma_wait3A_549] : memref<208xi32, #tpu.memory_space<vmem>> -> memref<96xi32, #tpu.memory_space<vmem>>
      %dma_wait3A_551 = arith.constant 0 : i32
      %dma_wait3A_552 = tpu.memref_slice %arg5[%add3A_531, %dma_wait3A_551] : memref<128x200xi32, #tpu.memory_space<vmem>> -> memref<1x200xi32, #tpu.memory_space<vmem>>
      %dma_wait3A_553 = tpu.memref_squeeze %dma_wait3A_552 : memref<1x200xi32, #tpu.memory_space<vmem>> -> memref<200xi32, #tpu.memory_space<vmem>>
      %dma_wait3A_554 = arith.constant 104 : i32
      %dma_wait3A_555 = tpu.memref_slice %dma_wait3A_553[%dma_wait3A_554] : memref<200xi32, #tpu.memory_space<vmem>> -> memref<96xi32, #tpu.memory_space<vmem>>
      %dma_wait3A_556 = arith.constant 0 : i32
      %dma_wait3A_557 = tpu.memref_slice %arg3[%dma_wait3A_556] : memref<1000000xi32, #tpu.memory_space<hbm>> -> memref<1000000xi32, #tpu.memory_space<hbm>>
      tpu.wait_indirect_dma semaphore(%arg9 : memref<!tpu.dma_semaphore, #tpu.memory_space<semaphore_mem>>) src(%dma_wait3A_557 : memref<1000000xi32, #tpu.memory_space<hbm>>) dst(%dma_wait3A_550 : memref<96xi32, #tpu.memory_space<vmem>>)
      %get3A_558 = arith.constant 1 : i32
      %get3A_559 = arith.index_cast %get3A_558 : i32 to index
      %get3A_560 = arith.constant 0 : index
      %get3A_561 = tpu.vector_load %arg6[%get3A_559, %get3A_560] {strides = array<i32>} : memref<8x208xi32, #tpu.memory_space<vmem>>, vector<1x16xi32>,
      %get3A_562 = vector.shape_cast %get3A_561 : vector<1x16xi32> to vector<16xi32>
      %shift_left3A_563 = arith.constant 16 : i32
      %shift_left3A_564 = vector.broadcast %shift_left3A_563 : i32 to vector<16xi32>
      %shift_left3A_565 = arith.shli %get3A_562, %shift_left3A_564 : vector<16xi32>
      %shift_right_arithmetic3A_566 = arith.constant 16 : i32
      %shift_right_arithmetic3A_567 = vector.broadcast %shift_right_arithmetic3A_566 : i32 to vector<16xi32>
      %shift_right_arithmetic3A_568 = arith.shrsi %shift_left3A_565, %shift_right_arithmetic3A_567 : vector<16xi32>
      %add3A_569 = arith.addi %broadcast_in_dim3A_3, %shift_right_arithmetic3A_568 : vector<16xi32>
      %shift_right_arithmetic3A_570 = arith.constant 16 : i32
      %shift_right_arithmetic3A_571 = vector.broadcast %shift_right_arithmetic3A_570 : i32 to vector<16xi32>
      %shift_right_arithmetic3A_572 = arith.shrsi %get3A_562, %shift_right_arithmetic3A_571 : vector<16xi32>
      %add3A_573 = arith.addi %broadcast_in_dim3A_3, %shift_right_arithmetic3A_572 : vector<16xi32>
      %get3A_574 = arith.constant 1 : i32
      %get3A_575 = arith.index_cast %get3A_574 : i32 to index
      %get3A_576 = arith.constant 16 : index
      %get3A_577 = tpu.vector_load %arg6[%get3A_575, %get3A_576] {strides = array<i32>} : memref<8x208xi32, #tpu.memory_space<vmem>>, vector<1x16xi32>,
      %get3A_578 = vector.shape_cast %get3A_577 : vector<1x16xi32> to vector<16xi32>
      %shift_left3A_579 = arith.constant 16 : i32
      %shift_left3A_580 = vector.broadcast %shift_left3A_579 : i32 to vector<16xi32>
      %shift_left3A_581 = arith.shli %get3A_578, %shift_left3A_580 : vector<16xi32>
      %shift_right_arithmetic3A_582 = arith.constant 16 : i32
      %shift_right_arithmetic3A_583 = vector.broadcast %shift_right_arithmetic3A_582 : i32 to vector<16xi32>
      %shift_right_arithmetic3A_584 = arith.shrsi %shift_left3A_581, %shift_right_arithmetic3A_583 : vector<16xi32>
      %add3A_585 = arith.addi %add3A_569, %shift_right_arithmetic3A_584 : vector<16xi32>
      %shift_right_arithmetic3A_586 = arith.constant 16 : i32
      %shift_right_arithmetic3A_587 = vector.broadcast %shift_right_arithmetic3A_586 : i32 to vector<16xi32>
      %shift_right_arithmetic3A_588 = arith.shrsi %get3A_578, %shift_right_arithmetic3A_587 : vector<16xi32>
      %add3A_589 = arith.addi %add3A_573, %shift_right_arithmetic3A_588 : vector<16xi32>
      %get3A_590 = arith.constant 1 : i32
      %get3A_591 = arith.index_cast %get3A_590 : i32 to index
      %get3A_592 = arith.constant 32 : index
      %get3A_593 = tpu.vector_load %arg6[%get3A_591, %get3A_592] {strides = array<i32>} : memref<8x208xi32, #tpu.memory_space<vmem>>, vector<1x16xi32>,
      %get3A_594 = vector.shape_cast %get3A_593 : vector<1x16xi32> to vector<16xi32>
      %shift_left3A_595 = arith.constant 16 : i32
      %shift_left3A_596 = vector.broadcast %shift_left3A_595 : i32 to vector<16xi32>
      %shift_left3A_597 = arith.shli %get3A_594, %shift_left3A_596 : vector<16xi32>
      %shift_right_arithmetic3A_598 = arith.constant 16 : i32
      %shift_right_arithmetic3A_599 = vector.broadcast %shift_right_arithmetic3A_598 : i32 to vector<16xi32>
      %shift_right_arithmetic3A_600 = arith.shrsi %shift_left3A_597, %shift_right_arithmetic3A_599 : vector<16xi32>
      %add3A_601 = arith.addi %add3A_585, %shift_right_arithmetic3A_600 : vector<16xi32>
      %shift_right_arithmetic3A_602 = arith.constant 16 : i32
      %shift_right_arithmetic3A_603 = vector.broadcast %shift_right_arithmetic3A_602 : i32 to vector<16xi32>
      %shift_right_arithmetic3A_604 = arith.shrsi %get3A_594, %shift_right_arithmetic3A_603 : vector<16xi32>
      %add3A_605 = arith.addi %add3A_589, %shift_right_arithmetic3A_604 : vector<16xi32>
      %get3A_606 = arith.constant 1 : i32
      %get3A_607 = arith.index_cast %get3A_606 : i32 to index
      %get3A_608 = arith.constant 48 : index
      %get3A_609 = tpu.vector_load %arg6[%get3A_607, %get3A_608] {strides = array<i32>} : memref<8x208xi32, #tpu.memory_space<vmem>>, vector<1x16xi32>,
      %get3A_610 = vector.shape_cast %get3A_609 : vector<1x16xi32> to vector<16xi32>
      %shift_left3A_611 = arith.constant 16 : i32
      %shift_left3A_612 = vector.broadcast %shift_left3A_611 : i32 to vector<16xi32>
      %shift_left3A_613 = arith.shli %get3A_610, %shift_left3A_612 : vector<16xi32>
      %shift_right_arithmetic3A_614 = arith.constant 16 : i32
      %shift_right_arithmetic3A_615 = vector.broadcast %shift_right_arithmetic3A_614 : i32 to vector<16xi32>
      %shift_right_arithmetic3A_616 = arith.shrsi %shift_left3A_613, %shift_right_arithmetic3A_615 : vector<16xi32>
      %add3A_617 = arith.addi %add3A_601, %shift_right_arithmetic3A_616 : vector<16xi32>
      %shift_right_arithmetic3A_618 = arith.constant 16 : i32
      %shift_right_arithmetic3A_619 = vector.broadcast %shift_right_arithmetic3A_618 : i32 to vector<16xi32>
      %shift_right_arithmetic3A_620 = arith.shrsi %get3A_610, %shift_right_arithmetic3A_619 : vector<16xi32>
      %add3A_621 = arith.addi %add3A_605, %shift_right_arithmetic3A_620 : vector<16xi32>
      %get3A_622 = arith.constant 1 : i32
      %get3A_623 = arith.index_cast %get3A_622 : i32 to index
      %get3A_624 = arith.constant 64 : index
      %get3A_625 = tpu.vector_load %arg6[%get3A_623, %get3A_624] {strides = array<i32>} : memref<8x208xi32, #tpu.memory_space<vmem>>, vector<1x16xi32>,
      %get3A_626 = vector.shape_cast %get3A_625 : vector<1x16xi32> to vector<16xi32>
      %shift_left3A_627 = arith.constant 16 : i32
      %shift_left3A_628 = vector.broadcast %shift_left3A_627 : i32 to vector<16xi32>
      %shift_left3A_629 = arith.shli %get3A_626, %shift_left3A_628 : vector<16xi32>
      %shift_right_arithmetic3A_630 = arith.constant 16 : i32
      %shift_right_arithmetic3A_631 = vector.broadcast %shift_right_arithmetic3A_630 : i32 to vector<16xi32>
      %shift_right_arithmetic3A_632 = arith.shrsi %shift_left3A_629, %shift_right_arithmetic3A_631 : vector<16xi32>
      %add3A_633 = arith.addi %add3A_617, %shift_right_arithmetic3A_632 : vector<16xi32>
      %shift_right_arithmetic3A_634 = arith.constant 16 : i32
      %shift_right_arithmetic3A_635 = vector.broadcast %shift_right_arithmetic3A_634 : i32 to vector<16xi32>
      %shift_right_arithmetic3A_636 = arith.shrsi %get3A_626, %shift_right_arithmetic3A_635 : vector<16xi32>
      %add3A_637 = arith.addi %add3A_621, %shift_right_arithmetic3A_636 : vector<16xi32>
      %get3A_638 = arith.constant 1 : i32
      %get3A_639 = arith.index_cast %get3A_638 : i32 to index
      %get3A_640 = arith.constant 80 : index
      %get3A_641 = tpu.vector_load %arg6[%get3A_639, %get3A_640] {strides = array<i32>} : memref<8x208xi32, #tpu.memory_space<vmem>>, vector<1x16xi32>,
      %get3A_642 = vector.shape_cast %get3A_641 : vector<1x16xi32> to vector<16xi32>
      %shift_left3A_643 = arith.constant 16 : i32
      %shift_left3A_644 = vector.broadcast %shift_left3A_643 : i32 to vector<16xi32>
      %shift_left3A_645 = arith.shli %get3A_642, %shift_left3A_644 : vector<16xi32>
      %shift_right_arithmetic3A_646 = arith.constant 16 : i32
      %shift_right_arithmetic3A_647 = vector.broadcast %shift_right_arithmetic3A_646 : i32 to vector<16xi32>
      %shift_right_arithmetic3A_648 = arith.shrsi %shift_left3A_645, %shift_right_arithmetic3A_647 : vector<16xi32>
      %add3A_649 = arith.addi %add3A_633, %shift_right_arithmetic3A_648 : vector<16xi32>
      %shift_right_arithmetic3A_650 = arith.constant 16 : i32
      %shift_right_arithmetic3A_651 = vector.broadcast %shift_right_arithmetic3A_650 : i32 to vector<16xi32>
      %shift_right_arithmetic3A_652 = arith.shrsi %get3A_642, %shift_right_arithmetic3A_651 : vector<16xi32>
      %add3A_653 = arith.addi %add3A_637, %shift_right_arithmetic3A_652 : vector<16xi32>
      %get3A_654 = arith.constant 1 : i32
      %get3A_655 = arith.index_cast %get3A_654 : i32 to index
      %get3A_656 = arith.constant 96 : index
      %get3A_657 = tpu.vector_load %arg6[%get3A_655, %get3A_656] {strides = array<i32>} : memref<8x208xi32, #tpu.memory_space<vmem>>, vector<1x16xi32>,
      %get3A_658 = vector.shape_cast %get3A_657 : vector<1x16xi32> to vector<16xi32>
      %shift_left3A_659 = arith.constant 16 : i32
      %shift_left3A_660 = vector.broadcast %shift_left3A_659 : i32 to vector<16xi32>
      %shift_left3A_661 = arith.shli %get3A_658, %shift_left3A_660 : vector<16xi32>
      %shift_right_arithmetic3A_662 = arith.constant 16 : i32
      %shift_right_arithmetic3A_663 = vector.broadcast %shift_right_arithmetic3A_662 : i32 to vector<16xi32>
      %shift_right_arithmetic3A_664 = arith.shrsi %shift_left3A_661, %shift_right_arithmetic3A_663 : vector<16xi32>
      %add3A_665 = arith.addi %add3A_649, %shift_right_arithmetic3A_664 : vector<16xi32>
      %shift_right_arithmetic3A_666 = arith.constant 16 : i32
      %shift_right_arithmetic3A_667 = vector.broadcast %shift_right_arithmetic3A_666 : i32 to vector<16xi32>
      %shift_right_arithmetic3A_668 = arith.shrsi %get3A_658, %shift_right_arithmetic3A_667 : vector<16xi32>
      %add3A_669 = arith.addi %add3A_653, %shift_right_arithmetic3A_668 : vector<16xi32>
      %get3A_670 = arith.constant 1 : i32
      %get3A_671 = arith.index_cast %get3A_670 : i32 to index
      %get3A_672 = arith.constant 112 : index
      %get3A_673 = tpu.vector_load %arg6[%get3A_671, %get3A_672] {strides = array<i32>} : memref<8x208xi32, #tpu.memory_space<vmem>>, vector<1x16xi32>,
      %get3A_674 = vector.shape_cast %get3A_673 : vector<1x16xi32> to vector<16xi32>
      %shift_left3A_675 = arith.constant 16 : i32
      %shift_left3A_676 = vector.broadcast %shift_left3A_675 : i32 to vector<16xi32>
      %shift_left3A_677 = arith.shli %get3A_674, %shift_left3A_676 : vector<16xi32>
      %shift_right_arithmetic3A_678 = arith.constant 16 : i32
      %shift_right_arithmetic3A_679 = vector.broadcast %shift_right_arithmetic3A_678 : i32 to vector<16xi32>
      %shift_right_arithmetic3A_680 = arith.shrsi %shift_left3A_677, %shift_right_arithmetic3A_679 : vector<16xi32>
      %add3A_681 = arith.addi %add3A_665, %shift_right_arithmetic3A_680 : vector<16xi32>
      %shift_right_arithmetic3A_682 = arith.constant 16 : i32
      %shift_right_arithmetic3A_683 = vector.broadcast %shift_right_arithmetic3A_682 : i32 to vector<16xi32>
      %shift_right_arithmetic3A_684 = arith.shrsi %get3A_674, %shift_right_arithmetic3A_683 : vector<16xi32>
      %add3A_685 = arith.addi %add3A_669, %shift_right_arithmetic3A_684 : vector<16xi32>
      %get3A_686 = arith.constant 1 : i32
      %get3A_687 = arith.index_cast %get3A_686 : i32 to index
      %get3A_688 = arith.constant 128 : index
      %get3A_689 = tpu.vector_load %arg6[%get3A_687, %get3A_688] {strides = array<i32>} : memref<8x208xi32, #tpu.memory_space<vmem>>, vector<1x16xi32>,
      %get3A_690 = vector.shape_cast %get3A_689 : vector<1x16xi32> to vector<16xi32>
      %shift_left3A_691 = arith.constant 16 : i32
      %shift_left3A_692 = vector.broadcast %shift_left3A_691 : i32 to vector<16xi32>
      %shift_left3A_693 = arith.shli %get3A_690, %shift_left3A_692 : vector<16xi32>
      %shift_right_arithmetic3A_694 = arith.constant 16 : i32
      %shift_right_arithmetic3A_695 = vector.broadcast %shift_right_arithmetic3A_694 : i32 to vector<16xi32>
      %shift_right_arithmetic3A_696 = arith.shrsi %shift_left3A_693, %shift_right_arithmetic3A_695 : vector<16xi32>
      %add3A_697 = arith.addi %add3A_681, %shift_right_arithmetic3A_696 : vector<16xi32>
      %shift_right_arithmetic3A_698 = arith.constant 16 : i32
      %shift_right_arithmetic3A_699 = vector.broadcast %shift_right_arithmetic3A_698 : i32 to vector<16xi32>
      %shift_right_arithmetic3A_700 = arith.shrsi %get3A_690, %shift_right_arithmetic3A_699 : vector<16xi32>
      %add3A_701 = arith.addi %add3A_685, %shift_right_arithmetic3A_700 : vector<16xi32>
      %get3A_702 = arith.constant 1 : i32
      %get3A_703 = arith.index_cast %get3A_702 : i32 to index
      %get3A_704 = arith.constant 144 : index
      %get3A_705 = tpu.vector_load %arg6[%get3A_703, %get3A_704] {strides = array<i32>} : memref<8x208xi32, #tpu.memory_space<vmem>>, vector<1x16xi32>,
      %get3A_706 = vector.shape_cast %get3A_705 : vector<1x16xi32> to vector<16xi32>
      %shift_left3A_707 = arith.constant 16 : i32
      %shift_left3A_708 = vector.broadcast %shift_left3A_707 : i32 to vector<16xi32>
      %shift_left3A_709 = arith.shli %get3A_706, %shift_left3A_708 : vector<16xi32>
      %shift_right_arithmetic3A_710 = arith.constant 16 : i32
      %shift_right_arithmetic3A_711 = vector.broadcast %shift_right_arithmetic3A_710 : i32 to vector<16xi32>
      %shift_right_arithmetic3A_712 = arith.shrsi %shift_left3A_709, %shift_right_arithmetic3A_711 : vector<16xi32>
      %add3A_713 = arith.addi %add3A_697, %shift_right_arithmetic3A_712 : vector<16xi32>
      %shift_right_arithmetic3A_714 = arith.constant 16 : i32
      %shift_right_arithmetic3A_715 = vector.broadcast %shift_right_arithmetic3A_714 : i32 to vector<16xi32>
      %shift_right_arithmetic3A_716 = arith.shrsi %get3A_706, %shift_right_arithmetic3A_715 : vector<16xi32>
      %add3A_717 = arith.addi %add3A_701, %shift_right_arithmetic3A_716 : vector<16xi32>
      %get3A_718 = arith.constant 1 : i32
      %get3A_719 = arith.index_cast %get3A_718 : i32 to index
      %get3A_720 = arith.constant 160 : index
      %get3A_721 = tpu.vector_load %arg6[%get3A_719, %get3A_720] {strides = array<i32>} : memref<8x208xi32, #tpu.memory_space<vmem>>, vector<1x16xi32>,
      %get3A_722 = vector.shape_cast %get3A_721 : vector<1x16xi32> to vector<16xi32>
      %shift_left3A_723 = arith.constant 16 : i32
      %shift_left3A_724 = vector.broadcast %shift_left3A_723 : i32 to vector<16xi32>
      %shift_left3A_725 = arith.shli %get3A_722, %shift_left3A_724 : vector<16xi32>
      %shift_right_arithmetic3A_726 = arith.constant 16 : i32
      %shift_right_arithmetic3A_727 = vector.broadcast %shift_right_arithmetic3A_726 : i32 to vector<16xi32>
      %shift_right_arithmetic3A_728 = arith.shrsi %shift_left3A_725, %shift_right_arithmetic3A_727 : vector<16xi32>
      %add3A_729 = arith.addi %add3A_713, %shift_right_arithmetic3A_728 : vector<16xi32>
      %shift_right_arithmetic3A_730 = arith.constant 16 : i32
      %shift_right_arithmetic3A_731 = vector.broadcast %shift_right_arithmetic3A_730 : i32 to vector<16xi32>
      %shift_right_arithmetic3A_732 = arith.shrsi %get3A_722, %shift_right_arithmetic3A_731 : vector<16xi32>
      %add3A_733 = arith.addi %add3A_717, %shift_right_arithmetic3A_732 : vector<16xi32>
      %get3A_734 = arith.constant 1 : i32
      %get3A_735 = arith.index_cast %get3A_734 : i32 to index
      %get3A_736 = arith.constant 176 : index
      %get3A_737 = tpu.vector_load %arg6[%get3A_735, %get3A_736] {strides = array<i32>} : memref<8x208xi32, #tpu.memory_space<vmem>>, vector<1x16xi32>,
      %get3A_738 = vector.shape_cast %get3A_737 : vector<1x16xi32> to vector<16xi32>
      %shift_left3A_739 = arith.constant 16 : i32
      %shift_left3A_740 = vector.broadcast %shift_left3A_739 : i32 to vector<16xi32>
      %shift_left3A_741 = arith.shli %get3A_738, %shift_left3A_740 : vector<16xi32>
      %shift_right_arithmetic3A_742 = arith.constant 16 : i32
      %shift_right_arithmetic3A_743 = vector.broadcast %shift_right_arithmetic3A_742 : i32 to vector<16xi32>
      %shift_right_arithmetic3A_744 = arith.shrsi %shift_left3A_741, %shift_right_arithmetic3A_743 : vector<16xi32>
      %add3A_745 = arith.addi %add3A_729, %shift_right_arithmetic3A_744 : vector<16xi32>
      %shift_right_arithmetic3A_746 = arith.constant 16 : i32
      %shift_right_arithmetic3A_747 = vector.broadcast %shift_right_arithmetic3A_746 : i32 to vector<16xi32>
      %shift_right_arithmetic3A_748 = arith.shrsi %get3A_738, %shift_right_arithmetic3A_747 : vector<16xi32>
      %add3A_749 = arith.addi %add3A_733, %shift_right_arithmetic3A_748 : vector<16xi32>
      %get3A_750 = arith.constant 1 : i32
      %get3A_751 = arith.index_cast %get3A_750 : i32 to index
      %get3A_752 = arith.constant 192 : index
      %get3A_753 = tpu.vector_load %arg6[%get3A_751, %get3A_752] {strides = array<i32>} : memref<8x208xi32, #tpu.memory_space<vmem>>, vector<1x16xi32>,
      %get3A_754 = vector.shape_cast %get3A_753 : vector<1x16xi32> to vector<16xi32>
      %shift_left3A_755 = arith.constant 16 : i32
      %shift_left3A_756 = vector.broadcast %shift_left3A_755 : i32 to vector<16xi32>
      %shift_left3A_757 = arith.shli %get3A_754, %shift_left3A_756 : vector<16xi32>
      %shift_right_arithmetic3A_758 = arith.constant 16 : i32
      %shift_right_arithmetic3A_759 = vector.broadcast %shift_right_arithmetic3A_758 : i32 to vector<16xi32>
      %shift_right_arithmetic3A_760 = arith.shrsi %shift_left3A_757, %shift_right_arithmetic3A_759 : vector<16xi32>
      %add3A_761 = arith.addi %add3A_745, %shift_right_arithmetic3A_760 : vector<16xi32>
      %shift_right_arithmetic3A_762 = arith.constant 16 : i32
      %shift_right_arithmetic3A_763 = vector.broadcast %shift_right_arithmetic3A_762 : i32 to vector<16xi32>
      %shift_right_arithmetic3A_764 = arith.shrsi %get3A_754, %shift_right_arithmetic3A_763 : vector<16xi32>
      %add3A_765 = arith.addi %add3A_749, %shift_right_arithmetic3A_764 : vector<16xi32>
      %swap3A_766 = arith.index_cast %add3A_531 : i32 to index
      %swap3A_767 = arith.constant 0 : index
      %swap3A_768 = tpu.vector_load %arg7[%swap3A_766, %swap3A_767] {strides = array<i32>} : memref<128x32xi32, #tpu.memory_space<vmem>>, vector<1x16xi32>,
      %swap3A_769 = vector.shape_cast %swap3A_768 : vector<1x16xi32> to vector<16xi32>
      %swap3A_770 = vector.shape_cast %add3A_761 : vector<16xi32> to vector<1x16xi32>
      tpu.vector_store %arg7[%swap3A_766, %swap3A_767], %swap3A_770 {strides = array<i32>} : memref<128x32xi32, #tpu.memory_space<vmem>>, vector<1x16xi32>,
      %swap3A_771 = arith.index_cast %add3A_531 : i32 to index
      %swap3A_772 = arith.constant 16 : index
      %swap3A_773 = tpu.vector_load %arg7[%swap3A_771, %swap3A_772] {strides = array<i32>} : memref<128x32xi32, #tpu.memory_space<vmem>>, vector<1x16xi32>,
      %swap3A_774 = vector.shape_cast %swap3A_773 : vector<1x16xi32> to vector<16xi32>
      %swap3A_775 = vector.shape_cast %add3A_765 : vector<16xi32> to vector<1x16xi32>
      tpu.vector_store %arg7[%swap3A_771, %swap3A_772], %swap3A_775 {strides = array<i32>} : memref<128x32xi32, #tpu.memory_space<vmem>>, vector<1x16xi32>,
      %lt3A_776 = arith.constant 15 : i32
      %lt3A_777 = arith.cmpi slt, %scan3A_280, %lt3A_776 : i32
      %convert_element_type3A_778 = arith.extui %lt3A_777 : i1 to i32
      %cond3A_779 = arith.constant 0 : i32
      %cond3A_780 = arith.cmpi ne, %convert_element_type3A_778, %cond3A_779 : i32
      scf.if %cond3A_780 {
        %add3A_2300 = arith.constant 8 : i32
        %add3A_2301 = arith.addi %add3A_531, %add3A_2300 : i32
        %dma_start3A_2302 = arith.constant 1 : i32
        %dma_start3A_2303 = arith.constant 0 : i32
        %dma_start3A_2304 = tpu.memref_slice %arg6[%dma_start3A_2302, %dma_start3A_2303] : memref<8x208xi32, #tpu.memory_space<vmem>> -> memref<1x208xi32, #tpu.memory_space<vmem>>
        %dma_start3A_2305 = tpu.memref_squeeze %dma_start3A_2304 : memref<1x208xi32, #tpu.memory_space<vmem>> -> memref<208xi32, #tpu.memory_space<vmem>>
        %dma_start3A_2306 = arith.constant 0 : i32
        %dma_start3A_2307 = tpu.memref_slice %dma_start3A_2305[%dma_start3A_2306] : memref<208xi32, #tpu.memory_space<vmem>> -> memref<104xi32, #tpu.memory_space<vmem>>
        %dma_start3A_2308 = arith.constant 0 : i32
        %dma_start3A_2309 = tpu.memref_slice %arg5[%add3A_2301, %dma_start3A_2308] : memref<128x200xi32, #tpu.memory_space<vmem>> -> memref<1x200xi32, #tpu.memory_space<vmem>>
        %dma_start3A_2310 = tpu.memref_squeeze %dma_start3A_2309 : memref<1x200xi32, #tpu.memory_space<vmem>> -> memref<200xi32, #tpu.memory_space<vmem>>
        %dma_start3A_2311 = arith.constant 0 : i32
        %dma_start3A_2312 = tpu.memref_slice %dma_start3A_2310[%dma_start3A_2311] : memref<200xi32, #tpu.memory_space<vmem>> -> memref<104xi32, #tpu.memory_space<vmem>>
        %dma_start3A_2313 = arith.constant 0 : i32
        %dma_start3A_2314 = tpu.memref_slice %arg3[%dma_start3A_2313] : memref<1000000xi32, #tpu.memory_space<hbm>> -> memref<1000000xi32, #tpu.memory_space<hbm>>
        tpu.enqueue_indirect_dma source(%dma_start3A_2314 : memref<1000000xi32, #tpu.memory_space<hbm>>) target(%dma_start3A_2307 : memref<104xi32, #tpu.memory_space<vmem>>) offsets(%dma_start3A_2312 : memref<104xi32, #tpu.memory_space<vmem>>) semaphore(%arg9 : memref<!tpu.dma_semaphore, #tpu.memory_space<semaphore_mem>>)
        %dma_start3A_2315 = arith.constant 1 : i32
        %dma_start3A_2316 = arith.constant 0 : i32
        %dma_start3A_2317 = tpu.memref_slice %arg6[%dma_start3A_2315, %dma_start3A_2316] : memref<8x208xi32, #tpu.memory_space<vmem>> -> memref<1x208xi32, #tpu.memory_space<vmem>>
        %dma_start3A_2318 = tpu.memref_squeeze %dma_start3A_2317 : memref<1x208xi32, #tpu.memory_space<vmem>> -> memref<208xi32, #tpu.memory_space<vmem>>
        %dma_start3A_2319 = arith.constant 104 : i32
        %dma_start3A_2320 = tpu.memref_slice %dma_start3A_2318[%dma_start3A_2319] : memref<208xi32, #tpu.memory_space<vmem>> -> memref<96xi32, #tpu.memory_space<vmem>>
        %dma_start3A_2321 = arith.constant 0 : i32
        %dma_start3A_2322 = tpu.memref_slice %arg5[%add3A_2301, %dma_start3A_2321] : memref<128x200xi32, #tpu.memory_space<vmem>> -> memref<1x200xi32, #tpu.memory_space<vmem>>
        %dma_start3A_2323 = tpu.memref_squeeze %dma_start3A_2322 : memref<1x200xi32, #tpu.memory_space<vmem>> -> memref<200xi32, #tpu.memory_space<vmem>>
        %dma_start3A_2324 = arith.constant 104 : i32
        %dma_start3A_2325 = tpu.memref_slice %dma_start3A_2323[%dma_start3A_2324] : memref<200xi32, #tpu.memory_space<vmem>> -> memref<96xi32, #tpu.memory_space<vmem>>
        %dma_start3A_2326 = arith.constant 0 : i32
        %dma_start3A_2327 = tpu.memref_slice %arg3[%dma_start3A_2326] : memref<1000000xi32, #tpu.memory_space<hbm>> -> memref<1000000xi32, #tpu.memory_space<hbm>>
        tpu.enqueue_indirect_dma source(%dma_start3A_2327 : memref<1000000xi32, #tpu.memory_space<hbm>>) target(%dma_start3A_2320 : memref<96xi32, #tpu.memory_space<vmem>>) offsets(%dma_start3A_2325 : memref<96xi32, #tpu.memory_space<vmem>>) semaphore(%arg9 : memref<!tpu.dma_semaphore, #tpu.memory_space<semaphore_mem>>)
      } else {
      }
      %mul3A_781 = arith.constant 8 : i32
      %mul3A_782 = arith.muli %mul3A_781, %scan3A_280 : i32
      %add3A_783 = arith.constant 2 : i32
      %add3A_784 = arith.addi %mul3A_782, %add3A_783 : i32
      %dma_wait3A_785 = arith.constant 2 : i32
      %dma_wait3A_786 = arith.constant 0 : i32
      %dma_wait3A_787 = tpu.memref_slice %arg6[%dma_wait3A_785, %dma_wait3A_786] : memref<8x208xi32, #tpu.memory_space<vmem>> -> memref<1x208xi32, #tpu.memory_space<vmem>>
      %dma_wait3A_788 = tpu.memref_squeeze %dma_wait3A_787 : memref<1x208xi32, #tpu.memory_space<vmem>> -> memref<208xi32, #tpu.memory_space<vmem>>
      %dma_wait3A_789 = arith.constant 0 : i32
      %dma_wait3A_790 = tpu.memref_slice %dma_wait3A_788[%dma_wait3A_789] : memref<208xi32, #tpu.memory_space<vmem>> -> memref<104xi32, #tpu.memory_space<vmem>>
      %dma_wait3A_791 = arith.constant 0 : i32
      %dma_wait3A_792 = tpu.memref_slice %arg5[%add3A_784, %dma_wait3A_791] : memref<128x200xi32, #tpu.memory_space<vmem>> -> memref<1x200xi32, #tpu.memory_space<vmem>>
      %dma_wait3A_793 = tpu.memref_squeeze %dma_wait3A_792 : memref<1x200xi32, #tpu.memory_space<vmem>> -> memref<200xi32, #tpu.memory_space<vmem>>
      %dma_wait3A_794 = arith.constant 0 : i32
      %dma_wait3A_795 = tpu.memref_slice %dma_wait3A_793[%dma_wait3A_794] : memref<200xi32, #tpu.memory_space<vmem>> -> memref<104xi32, #tpu.memory_space<vmem>>
      %dma_wait3A_796 = arith.constant 0 : i32
      %dma_wait3A_797 = tpu.memref_slice %arg3[%dma_wait3A_796] : memref<1000000xi32, #tpu.memory_space<hbm>> -> memref<1000000xi32, #tpu.memory_space<hbm>>
      tpu.wait_indirect_dma semaphore(%arg10 : memref<!tpu.dma_semaphore, #tpu.memory_space<semaphore_mem>>) src(%dma_wait3A_797 : memref<1000000xi32, #tpu.memory_space<hbm>>) dst(%dma_wait3A_790 : memref<104xi32, #tpu.memory_space<vmem>>)
      %dma_wait3A_798 = arith.constant 2 : i32
      %dma_wait3A_799 = arith.constant 0 : i32
      %dma_wait3A_800 = tpu.memref_slice %arg6[%dma_wait3A_798, %dma_wait3A_799] : memref<8x208xi32, #tpu.memory_space<vmem>> -> memref<1x208xi32, #tpu.memory_space<vmem>>
      %dma_wait3A_801 = tpu.memref_squeeze %dma_wait3A_800 : memref<1x208xi32, #tpu.memory_space<vmem>> -> memref<208xi32, #tpu.memory_space<vmem>>
      %dma_wait3A_802 = arith.constant 104 : i32
      %dma_wait3A_803 = tpu.memref_slice %dma_wait3A_801[%dma_wait3A_802] : memref<208xi32, #tpu.memory_space<vmem>> -> memref<96xi32, #tpu.memory_space<vmem>>
      %dma_wait3A_804 = arith.constant 0 : i32
      %dma_wait3A_805 = tpu.memref_slice %arg5[%add3A_784, %dma_wait3A_804] : memref<128x200xi32, #tpu.memory_space<vmem>> -> memref<1x200xi32, #tpu.memory_space<vmem>>
      %dma_wait3A_806 = tpu.memref_squeeze %dma_wait3A_805 : memref<1x200xi32, #tpu.memory_space<vmem>> -> memref<200xi32, #tpu.memory_space<vmem>>
      %dma_wait3A_807 = arith.constant 104 : i32
      %dma_wait3A_808 = tpu.memref_slice %dma_wait3A_806[%dma_wait3A_807] : memref<200xi32, #tpu.memory_space<vmem>> -> memref<96xi32, #tpu.memory_space<vmem>>
      %dma_wait3A_809 = arith.constant 0 : i32
      %dma_wait3A_810 = tpu.memref_slice %arg3[%dma_wait3A_809] : memref<1000000xi32, #tpu.memory_space<hbm>> -> memref<1000000xi32, #tpu.memory_space<hbm>>
      tpu.wait_indirect_dma semaphore(%arg10 : memref<!tpu.dma_semaphore, #tpu.memory_space<semaphore_mem>>) src(%dma_wait3A_810 : memref<1000000xi32, #tpu.memory_space<hbm>>) dst(%dma_wait3A_803 : memref<96xi32, #tpu.memory_space<vmem>>)
      %get3A_811 = arith.constant 2 : i32
      %get3A_812 = arith.index_cast %get3A_811 : i32 to index
      %get3A_813 = arith.constant 0 : index
      %get3A_814 = tpu.vector_load %arg6[%get3A_812, %get3A_813] {strides = array<i32>} : memref<8x208xi32, #tpu.memory_space<vmem>>, vector<1x16xi32>,
      %get3A_815 = vector.shape_cast %get3A_814 : vector<1x16xi32> to vector<16xi32>
      %shift_left3A_816 = arith.constant 16 : i32
      %shift_left3A_817 = vector.broadcast %shift_left3A_816 : i32 to vector<16xi32>
      %shift_left3A_818 = arith.shli %get3A_815, %shift_left3A_817 : vector<16xi32>
      %shift_right_arithmetic3A_819 = arith.constant 16 : i32
      %shift_right_arithmetic3A_820 = vector.broadcast %shift_right_arithmetic3A_819 : i32 to vector<16xi32>
      %shift_right_arithmetic3A_821 = arith.shrsi %shift_left3A_818, %shift_right_arithmetic3A_820 : vector<16xi32>
      %add3A_822 = arith.addi %broadcast_in_dim3A_3, %shift_right_arithmetic3A_821 : vector<16xi32>
      %shift_right_arithmetic3A_823 = arith.constant 16 : i32
      %shift_right_arithmetic3A_824 = vector.broadcast %shift_right_arithmetic3A_823 : i32 to vector<16xi32>
      %shift_right_arithmetic3A_825 = arith.shrsi %get3A_815, %shift_right_arithmetic3A_824 : vector<16xi32>
      %add3A_826 = arith.addi %broadcast_in_dim3A_3, %shift_right_arithmetic3A_825 : vector<16xi32>
      %get3A_827 = arith.constant 2 : i32
      %get3A_828 = arith.index_cast %get3A_827 : i32 to index
      %get3A_829 = arith.constant 16 : index
      %get3A_830 = tpu.vector_load %arg6[%get3A_828, %get3A_829] {strides = array<i32>} : memref<8x208xi32, #tpu.memory_space<vmem>>, vector<1x16xi32>,
      %get3A_831 = vector.shape_cast %get3A_830 : vector<1x16xi32> to vector<16xi32>
      %shift_left3A_832 = arith.constant 16 : i32
      %shift_left3A_833 = vector.broadcast %shift_left3A_832 : i32 to vector<16xi32>
      %shift_left3A_834 = arith.shli %get3A_831, %shift_left3A_833 : vector<16xi32>
      %shift_right_arithmetic3A_835 = arith.constant 16 : i32
      %shift_right_arithmetic3A_836 = vector.broadcast %shift_right_arithmetic3A_835 : i32 to vector<16xi32>
      %shift_right_arithmetic3A_837 = arith.shrsi %shift_left3A_834, %shift_right_arithmetic3A_836 : vector<16xi32>
      %add3A_838 = arith.addi %add3A_822, %shift_right_arithmetic3A_837 : vector<16xi32>
      %shift_right_arithmetic3A_839 = arith.constant 16 : i32
      %shift_right_arithmetic3A_840 = vector.broadcast %shift_right_arithmetic3A_839 : i32 to vector<16xi32>
      %shift_right_arithmetic3A_841 = arith.shrsi %get3A_831, %shift_right_arithmetic3A_840 : vector<16xi32>
      %add3A_842 = arith.addi %add3A_826, %shift_right_arithmetic3A_841 : vector<16xi32>
      %get3A_843 = arith.constant 2 : i32
      %get3A_844 = arith.index_cast %get3A_843 : i32 to index
      %get3A_845 = arith.constant 32 : index
      %get3A_846 = tpu.vector_load %arg6[%get3A_844, %get3A_845] {strides = array<i32>} : memref<8x208xi32, #tpu.memory_space<vmem>>, vector<1x16xi32>,
      %get3A_847 = vector.shape_cast %get3A_846 : vector<1x16xi32> to vector<16xi32>
      %shift_left3A_848 = arith.constant 16 : i32
      %shift_left3A_849 = vector.broadcast %shift_left3A_848 : i32 to vector<16xi32>
      %shift_left3A_850 = arith.shli %get3A_847, %shift_left3A_849 : vector<16xi32>
      %shift_right_arithmetic3A_851 = arith.constant 16 : i32
      %shift_right_arithmetic3A_852 = vector.broadcast %shift_right_arithmetic3A_851 : i32 to vector<16xi32>
      %shift_right_arithmetic3A_853 = arith.shrsi %shift_left3A_850, %shift_right_arithmetic3A_852 : vector<16xi32>
      %add3A_854 = arith.addi %add3A_838, %shift_right_arithmetic3A_853 : vector<16xi32>
      %shift_right_arithmetic3A_855 = arith.constant 16 : i32
      %shift_right_arithmetic3A_856 = vector.broadcast %shift_right_arithmetic3A_855 : i32 to vector<16xi32>
      %shift_right_arithmetic3A_857 = arith.shrsi %get3A_847, %shift_right_arithmetic3A_856 : vector<16xi32>
      %add3A_858 = arith.addi %add3A_842, %shift_right_arithmetic3A_857 : vector<16xi32>
      %get3A_859 = arith.constant 2 : i32
      %get3A_860 = arith.index_cast %get3A_859 : i32 to index
      %get3A_861 = arith.constant 48 : index
      %get3A_862 = tpu.vector_load %arg6[%get3A_860, %get3A_861] {strides = array<i32>} : memref<8x208xi32, #tpu.memory_space<vmem>>, vector<1x16xi32>,
      %get3A_863 = vector.shape_cast %get3A_862 : vector<1x16xi32> to vector<16xi32>
      %shift_left3A_864 = arith.constant 16 : i32
      %shift_left3A_865 = vector.broadcast %shift_left3A_864 : i32 to vector<16xi32>
      %shift_left3A_866 = arith.shli %get3A_863, %shift_left3A_865 : vector<16xi32>
      %shift_right_arithmetic3A_867 = arith.constant 16 : i32
      %shift_right_arithmetic3A_868 = vector.broadcast %shift_right_arithmetic3A_867 : i32 to vector<16xi32>
      %shift_right_arithmetic3A_869 = arith.shrsi %shift_left3A_866, %shift_right_arithmetic3A_868 : vector<16xi32>
      %add3A_870 = arith.addi %add3A_854, %shift_right_arithmetic3A_869 : vector<16xi32>
      %shift_right_arithmetic3A_871 = arith.constant 16 : i32
      %shift_right_arithmetic3A_872 = vector.broadcast %shift_right_arithmetic3A_871 : i32 to vector<16xi32>
      %shift_right_arithmetic3A_873 = arith.shrsi %get3A_863, %shift_right_arithmetic3A_872 : vector<16xi32>
      %add3A_874 = arith.addi %add3A_858, %shift_right_arithmetic3A_873 : vector<16xi32>
      %get3A_875 = arith.constant 2 : i32
      %get3A_876 = arith.index_cast %get3A_875 : i32 to index
      %get3A_877 = arith.constant 64 : index
      %get3A_878 = tpu.vector_load %arg6[%get3A_876, %get3A_877] {strides = array<i32>} : memref<8x208xi32, #tpu.memory_space<vmem>>, vector<1x16xi32>,
      %get3A_879 = vector.shape_cast %get3A_878 : vector<1x16xi32> to vector<16xi32>
      %shift_left3A_880 = arith.constant 16 : i32
      %shift_left3A_881 = vector.broadcast %shift_left3A_880 : i32 to vector<16xi32>
      %shift_left3A_882 = arith.shli %get3A_879, %shift_left3A_881 : vector<16xi32>
      %shift_right_arithmetic3A_883 = arith.constant 16 : i32
      %shift_right_arithmetic3A_884 = vector.broadcast %shift_right_arithmetic3A_883 : i32 to vector<16xi32>
      %shift_right_arithmetic3A_885 = arith.shrsi %shift_left3A_882, %shift_right_arithmetic3A_884 : vector<16xi32>
      %add3A_886 = arith.addi %add3A_870, %shift_right_arithmetic3A_885 : vector<16xi32>
      %shift_right_arithmetic3A_887 = arith.constant 16 : i32
      %shift_right_arithmetic3A_888 = vector.broadcast %shift_right_arithmetic3A_887 : i32 to vector<16xi32>
      %shift_right_arithmetic3A_889 = arith.shrsi %get3A_879, %shift_right_arithmetic3A_888 : vector<16xi32>
      %add3A_890 = arith.addi %add3A_874, %shift_right_arithmetic3A_889 : vector<16xi32>
      %get3A_891 = arith.constant 2 : i32
      %get3A_892 = arith.index_cast %get3A_891 : i32 to index
      %get3A_893 = arith.constant 80 : index
      %get3A_894 = tpu.vector_load %arg6[%get3A_892, %get3A_893] {strides = array<i32>} : memref<8x208xi32, #tpu.memory_space<vmem>>, vector<1x16xi32>,
      %get3A_895 = vector.shape_cast %get3A_894 : vector<1x16xi32> to vector<16xi32>
      %shift_left3A_896 = arith.constant 16 : i32
      %shift_left3A_897 = vector.broadcast %shift_left3A_896 : i32 to vector<16xi32>
      %shift_left3A_898 = arith.shli %get3A_895, %shift_left3A_897 : vector<16xi32>
      %shift_right_arithmetic3A_899 = arith.constant 16 : i32
      %shift_right_arithmetic3A_900 = vector.broadcast %shift_right_arithmetic3A_899 : i32 to vector<16xi32>
      %shift_right_arithmetic3A_901 = arith.shrsi %shift_left3A_898, %shift_right_arithmetic3A_900 : vector<16xi32>
      %add3A_902 = arith.addi %add3A_886, %shift_right_arithmetic3A_901 : vector<16xi32>
      %shift_right_arithmetic3A_903 = arith.constant 16 : i32
      %shift_right_arithmetic3A_904 = vector.broadcast %shift_right_arithmetic3A_903 : i32 to vector<16xi32>
      %shift_right_arithmetic3A_905 = arith.shrsi %get3A_895, %shift_right_arithmetic3A_904 : vector<16xi32>
      %add3A_906 = arith.addi %add3A_890, %shift_right_arithmetic3A_905 : vector<16xi32>
      %get3A_907 = arith.constant 2 : i32
      %get3A_908 = arith.index_cast %get3A_907 : i32 to index
      %get3A_909 = arith.constant 96 : index
      %get3A_910 = tpu.vector_load %arg6[%get3A_908, %get3A_909] {strides = array<i32>} : memref<8x208xi32, #tpu.memory_space<vmem>>, vector<1x16xi32>,
      %get3A_911 = vector.shape_cast %get3A_910 : vector<1x16xi32> to vector<16xi32>
      %shift_left3A_912 = arith.constant 16 : i32
      %shift_left3A_913 = vector.broadcast %shift_left3A_912 : i32 to vector<16xi32>
      %shift_left3A_914 = arith.shli %get3A_911, %shift_left3A_913 : vector<16xi32>
      %shift_right_arithmetic3A_915 = arith.constant 16 : i32
      %shift_right_arithmetic3A_916 = vector.broadcast %shift_right_arithmetic3A_915 : i32 to vector<16xi32>
      %shift_right_arithmetic3A_917 = arith.shrsi %shift_left3A_914, %shift_right_arithmetic3A_916 : vector<16xi32>
      %add3A_918 = arith.addi %add3A_902, %shift_right_arithmetic3A_917 : vector<16xi32>
      %shift_right_arithmetic3A_919 = arith.constant 16 : i32
      %shift_right_arithmetic3A_920 = vector.broadcast %shift_right_arithmetic3A_919 : i32 to vector<16xi32>
      %shift_right_arithmetic3A_921 = arith.shrsi %get3A_911, %shift_right_arithmetic3A_920 : vector<16xi32>
      %add3A_922 = arith.addi %add3A_906, %shift_right_arithmetic3A_921 : vector<16xi32>
      %get3A_923 = arith.constant 2 : i32
      %get3A_924 = arith.index_cast %get3A_923 : i32 to index
      %get3A_925 = arith.constant 112 : index
      %get3A_926 = tpu.vector_load %arg6[%get3A_924, %get3A_925] {strides = array<i32>} : memref<8x208xi32, #tpu.memory_space<vmem>>, vector<1x16xi32>,
      %get3A_927 = vector.shape_cast %get3A_926 : vector<1x16xi32> to vector<16xi32>
      %shift_left3A_928 = arith.constant 16 : i32
      %shift_left3A_929 = vector.broadcast %shift_left3A_928 : i32 to vector<16xi32>
      %shift_left3A_930 = arith.shli %get3A_927, %shift_left3A_929 : vector<16xi32>
      %shift_right_arithmetic3A_931 = arith.constant 16 : i32
      %shift_right_arithmetic3A_932 = vector.broadcast %shift_right_arithmetic3A_931 : i32 to vector<16xi32>
      %shift_right_arithmetic3A_933 = arith.shrsi %shift_left3A_930, %shift_right_arithmetic3A_932 : vector<16xi32>
      %add3A_934 = arith.addi %add3A_918, %shift_right_arithmetic3A_933 : vector<16xi32>
      %shift_right_arithmetic3A_935 = arith.constant 16 : i32
      %shift_right_arithmetic3A_936 = vector.broadcast %shift_right_arithmetic3A_935 : i32 to vector<16xi32>
      %shift_right_arithmetic3A_937 = arith.shrsi %get3A_927, %shift_right_arithmetic3A_936 : vector<16xi32>
      %add3A_938 = arith.addi %add3A_922, %shift_right_arithmetic3A_937 : vector<16xi32>
      %get3A_939 = arith.constant 2 : i32
      %get3A_940 = arith.index_cast %get3A_939 : i32 to index
      %get3A_941 = arith.constant 128 : index
      %get3A_942 = tpu.vector_load %arg6[%get3A_940, %get3A_941] {strides = array<i32>} : memref<8x208xi32, #tpu.memory_space<vmem>>, vector<1x16xi32>,
      %get3A_943 = vector.shape_cast %get3A_942 : vector<1x16xi32> to vector<16xi32>
      %shift_left3A_944 = arith.constant 16 : i32
      %shift_left3A_945 = vector.broadcast %shift_left3A_944 : i32 to vector<16xi32>
      %shift_left3A_946 = arith.shli %get3A_943, %shift_left3A_945 : vector<16xi32>
      %shift_right_arithmetic3A_947 = arith.constant 16 : i32
      %shift_right_arithmetic3A_948 = vector.broadcast %shift_right_arithmetic3A_947 : i32 to vector<16xi32>
      %shift_right_arithmetic3A_949 = arith.shrsi %shift_left3A_946, %shift_right_arithmetic3A_948 : vector<16xi32>
      %add3A_950 = arith.addi %add3A_934, %shift_right_arithmetic3A_949 : vector<16xi32>
      %shift_right_arithmetic3A_951 = arith.constant 16 : i32
      %shift_right_arithmetic3A_952 = vector.broadcast %shift_right_arithmetic3A_951 : i32 to vector<16xi32>
      %shift_right_arithmetic3A_953 = arith.shrsi %get3A_943, %shift_right_arithmetic3A_952 : vector<16xi32>
      %add3A_954 = arith.addi %add3A_938, %shift_right_arithmetic3A_953 : vector<16xi32>
      %get3A_955 = arith.constant 2 : i32
      %get3A_956 = arith.index_cast %get3A_955 : i32 to index
      %get3A_957 = arith.constant 144 : index
      %get3A_958 = tpu.vector_load %arg6[%get3A_956, %get3A_957] {strides = array<i32>} : memref<8x208xi32, #tpu.memory_space<vmem>>, vector<1x16xi32>,
      %get3A_959 = vector.shape_cast %get3A_958 : vector<1x16xi32> to vector<16xi32>
      %shift_left3A_960 = arith.constant 16 : i32
      %shift_left3A_961 = vector.broadcast %shift_left3A_960 : i32 to vector<16xi32>
      %shift_left3A_962 = arith.shli %get3A_959, %shift_left3A_961 : vector<16xi32>
      %shift_right_arithmetic3A_963 = arith.constant 16 : i32
      %shift_right_arithmetic3A_964 = vector.broadcast %shift_right_arithmetic3A_963 : i32 to vector<16xi32>
      %shift_right_arithmetic3A_965 = arith.shrsi %shift_left3A_962, %shift_right_arithmetic3A_964 : vector<16xi32>
      %add3A_966 = arith.addi %add3A_950, %shift_right_arithmetic3A_965 : vector<16xi32>
      %shift_right_arithmetic3A_967 = arith.constant 16 : i32
      %shift_right_arithmetic3A_968 = vector.broadcast %shift_right_arithmetic3A_967 : i32 to vector<16xi32>
      %shift_right_arithmetic3A_969 = arith.shrsi %get3A_959, %shift_right_arithmetic3A_968 : vector<16xi32>
      %add3A_970 = arith.addi %add3A_954, %shift_right_arithmetic3A_969 : vector<16xi32>
      %get3A_971 = arith.constant 2 : i32
      %get3A_972 = arith.index_cast %get3A_971 : i32 to index
      %get3A_973 = arith.constant 160 : index
      %get3A_974 = tpu.vector_load %arg6[%get3A_972, %get3A_973] {strides = array<i32>} : memref<8x208xi32, #tpu.memory_space<vmem>>, vector<1x16xi32>,
      %get3A_975 = vector.shape_cast %get3A_974 : vector<1x16xi32> to vector<16xi32>
      %shift_left3A_976 = arith.constant 16 : i32
      %shift_left3A_977 = vector.broadcast %shift_left3A_976 : i32 to vector<16xi32>
      %shift_left3A_978 = arith.shli %get3A_975, %shift_left3A_977 : vector<16xi32>
      %shift_right_arithmetic3A_979 = arith.constant 16 : i32
      %shift_right_arithmetic3A_980 = vector.broadcast %shift_right_arithmetic3A_979 : i32 to vector<16xi32>
      %shift_right_arithmetic3A_981 = arith.shrsi %shift_left3A_978, %shift_right_arithmetic3A_980 : vector<16xi32>
      %add3A_982 = arith.addi %add3A_966, %shift_right_arithmetic3A_981 : vector<16xi32>
      %shift_right_arithmetic3A_983 = arith.constant 16 : i32
      %shift_right_arithmetic3A_984 = vector.broadcast %shift_right_arithmetic3A_983 : i32 to vector<16xi32>
      %shift_right_arithmetic3A_985 = arith.shrsi %get3A_975, %shift_right_arithmetic3A_984 : vector<16xi32>
      %add3A_986 = arith.addi %add3A_970, %shift_right_arithmetic3A_985 : vector<16xi32>
      %get3A_987 = arith.constant 2 : i32
      %get3A_988 = arith.index_cast %get3A_987 : i32 to index
      %get3A_989 = arith.constant 176 : index
      %get3A_990 = tpu.vector_load %arg6[%get3A_988, %get3A_989] {strides = array<i32>} : memref<8x208xi32, #tpu.memory_space<vmem>>, vector<1x16xi32>,
      %get3A_991 = vector.shape_cast %get3A_990 : vector<1x16xi32> to vector<16xi32>
      %shift_left3A_992 = arith.constant 16 : i32
      %shift_left3A_993 = vector.broadcast %shift_left3A_992 : i32 to vector<16xi32>
      %shift_left3A_994 = arith.shli %get3A_991, %shift_left3A_993 : vector<16xi32>
      %shift_right_arithmetic3A_995 = arith.constant 16 : i32
      %shift_right_arithmetic3A_996 = vector.broadcast %shift_right_arithmetic3A_995 : i32 to vector<16xi32>
      %shift_right_arithmetic3A_997 = arith.shrsi %shift_left3A_994, %shift_right_arithmetic3A_996 : vector<16xi32>
      %add3A_998 = arith.addi %add3A_982, %shift_right_arithmetic3A_997 : vector<16xi32>
      %shift_right_arithmetic3A_999 = arith.constant 16 : i32
      %shift_right_arithmetic3A_1000 = vector.broadcast %shift_right_arithmetic3A_999 : i32 to vector<16xi32>
      %shift_right_arithmetic3A_1001 = arith.shrsi %get3A_991, %shift_right_arithmetic3A_1000 : vector<16xi32>
      %add3A_1002 = arith.addi %add3A_986, %shift_right_arithmetic3A_1001 : vector<16xi32>
      %get3A_1003 = arith.constant 2 : i32
      %get3A_1004 = arith.index_cast %get3A_1003 : i32 to index
      %get3A_1005 = arith.constant 192 : index
      %get3A_1006 = tpu.vector_load %arg6[%get3A_1004, %get3A_1005] {strides = array<i32>} : memref<8x208xi32, #tpu.memory_space<vmem>>, vector<1x16xi32>,
      %get3A_1007 = vector.shape_cast %get3A_1006 : vector<1x16xi32> to vector<16xi32>
      %shift_left3A_1008 = arith.constant 16 : i32
      %shift_left3A_1009 = vector.broadcast %shift_left3A_1008 : i32 to vector<16xi32>
      %shift_left3A_1010 = arith.shli %get3A_1007, %shift_left3A_1009 : vector<16xi32>
      %shift_right_arithmetic3A_1011 = arith.constant 16 : i32
      %shift_right_arithmetic3A_1012 = vector.broadcast %shift_right_arithmetic3A_1011 : i32 to vector<16xi32>
      %shift_right_arithmetic3A_1013 = arith.shrsi %shift_left3A_1010, %shift_right_arithmetic3A_1012 : vector<16xi32>
      %add3A_1014 = arith.addi %add3A_998, %shift_right_arithmetic3A_1013 : vector<16xi32>
      %shift_right_arithmetic3A_1015 = arith.constant 16 : i32
      %shift_right_arithmetic3A_1016 = vector.broadcast %shift_right_arithmetic3A_1015 : i32 to vector<16xi32>
      %shift_right_arithmetic3A_1017 = arith.shrsi %get3A_1007, %shift_right_arithmetic3A_1016 : vector<16xi32>
      %add3A_1018 = arith.addi %add3A_1002, %shift_right_arithmetic3A_1017 : vector<16xi32>
      %swap3A_1019 = arith.index_cast %add3A_784 : i32 to index
      %swap3A_1020 = arith.constant 0 : index
      %swap3A_1021 = tpu.vector_load %arg7[%swap3A_1019, %swap3A_1020] {strides = array<i32>} : memref<128x32xi32, #tpu.memory_space<vmem>>, vector<1x16xi32>,
      %swap3A_1022 = vector.shape_cast %swap3A_1021 : vector<1x16xi32> to vector<16xi32>
      %swap3A_1023 = vector.shape_cast %add3A_1014 : vector<16xi32> to vector<1x16xi32>
      tpu.vector_store %arg7[%swap3A_1019, %swap3A_1020], %swap3A_1023 {strides = array<i32>} : memref<128x32xi32, #tpu.memory_space<vmem>>, vector<1x16xi32>,
      %swap3A_1024 = arith.index_cast %add3A_784 : i32 to index
      %swap3A_1025 = arith.constant 16 : index
      %swap3A_1026 = tpu.vector_load %arg7[%swap3A_1024, %swap3A_1025] {strides = array<i32>} : memref<128x32xi32, #tpu.memory_space<vmem>>, vector<1x16xi32>,
      %swap3A_1027 = vector.shape_cast %swap3A_1026 : vector<1x16xi32> to vector<16xi32>
      %swap3A_1028 = vector.shape_cast %add3A_1018 : vector<16xi32> to vector<1x16xi32>
      tpu.vector_store %arg7[%swap3A_1024, %swap3A_1025], %swap3A_1028 {strides = array<i32>} : memref<128x32xi32, #tpu.memory_space<vmem>>, vector<1x16xi32>,
      %lt3A_1029 = arith.constant 15 : i32
      %lt3A_1030 = arith.cmpi slt, %scan3A_280, %lt3A_1029 : i32
      %convert_element_type3A_1031 = arith.extui %lt3A_1030 : i1 to i32
      %cond3A_1032 = arith.constant 0 : i32
      %cond3A_1033 = arith.cmpi ne, %convert_element_type3A_1031, %cond3A_1032 : i32
      scf.if %cond3A_1033 {
        %add3A_2300 = arith.constant 8 : i32
        %add3A_2301 = arith.addi %add3A_784, %add3A_2300 : i32
        %dma_start3A_2302 = arith.constant 2 : i32
        %dma_start3A_2303 = arith.constant 0 : i32
        %dma_start3A_2304 = tpu.memref_slice %arg6[%dma_start3A_2302, %dma_start3A_2303] : memref<8x208xi32, #tpu.memory_space<vmem>> -> memref<1x208xi32, #tpu.memory_space<vmem>>
        %dma_start3A_2305 = tpu.memref_squeeze %dma_start3A_2304 : memref<1x208xi32, #tpu.memory_space<vmem>> -> memref<208xi32, #tpu.memory_space<vmem>>
        %dma_start3A_2306 = arith.constant 0 : i32
        %dma_start3A_2307 = tpu.memref_slice %dma_start3A_2305[%dma_start3A_2306] : memref<208xi32, #tpu.memory_space<vmem>> -> memref<104xi32, #tpu.memory_space<vmem>>
        %dma_start3A_2308 = arith.constant 0 : i32
        %dma_start3A_2309 = tpu.memref_slice %arg5[%add3A_2301, %dma_start3A_2308] : memref<128x200xi32, #tpu.memory_space<vmem>> -> memref<1x200xi32, #tpu.memory_space<vmem>>
        %dma_start3A_2310 = tpu.memref_squeeze %dma_start3A_2309 : memref<1x200xi32, #tpu.memory_space<vmem>> -> memref<200xi32, #tpu.memory_space<vmem>>
        %dma_start3A_2311 = arith.constant 0 : i32
        %dma_start3A_2312 = tpu.memref_slice %dma_start3A_2310[%dma_start3A_2311] : memref<200xi32, #tpu.memory_space<vmem>> -> memref<104xi32, #tpu.memory_space<vmem>>
        %dma_start3A_2313 = arith.constant 0 : i32
        %dma_start3A_2314 = tpu.memref_slice %arg3[%dma_start3A_2313] : memref<1000000xi32, #tpu.memory_space<hbm>> -> memref<1000000xi32, #tpu.memory_space<hbm>>
        tpu.enqueue_indirect_dma source(%dma_start3A_2314 : memref<1000000xi32, #tpu.memory_space<hbm>>) target(%dma_start3A_2307 : memref<104xi32, #tpu.memory_space<vmem>>) offsets(%dma_start3A_2312 : memref<104xi32, #tpu.memory_space<vmem>>) semaphore(%arg10 : memref<!tpu.dma_semaphore, #tpu.memory_space<semaphore_mem>>)
        %dma_start3A_2315 = arith.constant 2 : i32
        %dma_start3A_2316 = arith.constant 0 : i32
        %dma_start3A_2317 = tpu.memref_slice %arg6[%dma_start3A_2315, %dma_start3A_2316] : memref<8x208xi32, #tpu.memory_space<vmem>> -> memref<1x208xi32, #tpu.memory_space<vmem>>
        %dma_start3A_2318 = tpu.memref_squeeze %dma_start3A_2317 : memref<1x208xi32, #tpu.memory_space<vmem>> -> memref<208xi32, #tpu.memory_space<vmem>>
        %dma_start3A_2319 = arith.constant 104 : i32
        %dma_start3A_2320 = tpu.memref_slice %dma_start3A_2318[%dma_start3A_2319] : memref<208xi32, #tpu.memory_space<vmem>> -> memref<96xi32, #tpu.memory_space<vmem>>
        %dma_start3A_2321 = arith.constant 0 : i32
        %dma_start3A_2322 = tpu.memref_slice %arg5[%add3A_2301, %dma_start3A_2321] : memref<128x200xi32, #tpu.memory_space<vmem>> -> memref<1x200xi32, #tpu.memory_space<vmem>>
        %dma_start3A_2323 = tpu.memref_squeeze %dma_start3A_2322 : memref<1x200xi32, #tpu.memory_space<vmem>> -> memref<200xi32, #tpu.memory_space<vmem>>
        %dma_start3A_2324 = arith.constant 104 : i32
        %dma_start3A_2325 = tpu.memref_slice %dma_start3A_2323[%dma_start3A_2324] : memref<200xi32, #tpu.memory_space<vmem>> -> memref<96xi32, #tpu.memory_space<vmem>>
        %dma_start3A_2326 = arith.constant 0 : i32
        %dma_start3A_2327 = tpu.memref_slice %arg3[%dma_start3A_2326] : memref<1000000xi32, #tpu.memory_space<hbm>> -> memref<1000000xi32, #tpu.memory_space<hbm>>
        tpu.enqueue_indirect_dma source(%dma_start3A_2327 : memref<1000000xi32, #tpu.memory_space<hbm>>) target(%dma_start3A_2320 : memref<96xi32, #tpu.memory_space<vmem>>) offsets(%dma_start3A_2325 : memref<96xi32, #tpu.memory_space<vmem>>) semaphore(%arg10 : memref<!tpu.dma_semaphore, #tpu.memory_space<semaphore_mem>>)
      } else {
      }
      %mul3A_1034 = arith.constant 8 : i32
      %mul3A_1035 = arith.muli %mul3A_1034, %scan3A_280 : i32
      %add3A_1036 = arith.constant 3 : i32
      %add3A_1037 = arith.addi %mul3A_1035, %add3A_1036 : i32
      %dma_wait3A_1038 = arith.constant 3 : i32
      %dma_wait3A_1039 = arith.constant 0 : i32
      %dma_wait3A_1040 = tpu.memref_slice %arg6[%dma_wait3A_1038, %dma_wait3A_1039] : memref<8x208xi32, #tpu.memory_space<vmem>> -> memref<1x208xi32, #tpu.memory_space<vmem>>
      %dma_wait3A_1041 = tpu.memref_squeeze %dma_wait3A_1040 : memref<1x208xi32, #tpu.memory_space<vmem>> -> memref<208xi32, #tpu.memory_space<vmem>>
      %dma_wait3A_1042 = arith.constant 0 : i32
      %dma_wait3A_1043 = tpu.memref_slice %dma_wait3A_1041[%dma_wait3A_1042] : memref<208xi32, #tpu.memory_space<vmem>> -> memref<104xi32, #tpu.memory_space<vmem>>
      %dma_wait3A_1044 = arith.constant 0 : i32
      %dma_wait3A_1045 = tpu.memref_slice %arg5[%add3A_1037, %dma_wait3A_1044] : memref<128x200xi32, #tpu.memory_space<vmem>> -> memref<1x200xi32, #tpu.memory_space<vmem>>
      %dma_wait3A_1046 = tpu.memref_squeeze %dma_wait3A_1045 : memref<1x200xi32, #tpu.memory_space<vmem>> -> memref<200xi32, #tpu.memory_space<vmem>>
      %dma_wait3A_1047 = arith.constant 0 : i32
      %dma_wait3A_1048 = tpu.memref_slice %dma_wait3A_1046[%dma_wait3A_1047] : memref<200xi32, #tpu.memory_space<vmem>> -> memref<104xi32, #tpu.memory_space<vmem>>
      %dma_wait3A_1049 = arith.constant 0 : i32
      %dma_wait3A_1050 = tpu.memref_slice %arg3[%dma_wait3A_1049] : memref<1000000xi32, #tpu.memory_space<hbm>> -> memref<1000000xi32, #tpu.memory_space<hbm>>
      tpu.wait_indirect_dma semaphore(%arg11 : memref<!tpu.dma_semaphore, #tpu.memory_space<semaphore_mem>>) src(%dma_wait3A_1050 : memref<1000000xi32, #tpu.memory_space<hbm>>) dst(%dma_wait3A_1043 : memref<104xi32, #tpu.memory_space<vmem>>)
      %dma_wait3A_1051 = arith.constant 3 : i32
      %dma_wait3A_1052 = arith.constant 0 : i32
      %dma_wait3A_1053 = tpu.memref_slice %arg6[%dma_wait3A_1051, %dma_wait3A_1052] : memref<8x208xi32, #tpu.memory_space<vmem>> -> memref<1x208xi32, #tpu.memory_space<vmem>>
      %dma_wait3A_1054 = tpu.memref_squeeze %dma_wait3A_1053 : memref<1x208xi32, #tpu.memory_space<vmem>> -> memref<208xi32, #tpu.memory_space<vmem>>
      %dma_wait3A_1055 = arith.constant 104 : i32
      %dma_wait3A_1056 = tpu.memref_slice %dma_wait3A_1054[%dma_wait3A_1055] : memref<208xi32, #tpu.memory_space<vmem>> -> memref<96xi32, #tpu.memory_space<vmem>>
      %dma_wait3A_1057 = arith.constant 0 : i32
      %dma_wait3A_1058 = tpu.memref_slice %arg5[%add3A_1037, %dma_wait3A_1057] : memref<128x200xi32, #tpu.memory_space<vmem>> -> memref<1x200xi32, #tpu.memory_space<vmem>>
      %dma_wait3A_1059 = tpu.memref_squeeze %dma_wait3A_1058 : memref<1x200xi32, #tpu.memory_space<vmem>> -> memref<200xi32, #tpu.memory_space<vmem>>
      %dma_wait3A_1060 = arith.constant 104 : i32
      %dma_wait3A_1061 = tpu.memref_slice %dma_wait3A_1059[%dma_wait3A_1060] : memref<200xi32, #tpu.memory_space<vmem>> -> memref<96xi32, #tpu.memory_space<vmem>>
      %dma_wait3A_1062 = arith.constant 0 : i32
      %dma_wait3A_1063 = tpu.memref_slice %arg3[%dma_wait3A_1062] : memref<1000000xi32, #tpu.memory_space<hbm>> -> memref<1000000xi32, #tpu.memory_space<hbm>>
      tpu.wait_indirect_dma semaphore(%arg11 : memref<!tpu.dma_semaphore, #tpu.memory_space<semaphore_mem>>) src(%dma_wait3A_1063 : memref<1000000xi32, #tpu.memory_space<hbm>>) dst(%dma_wait3A_1056 : memref<96xi32, #tpu.memory_space<vmem>>)
      %get3A_1064 = arith.constant 3 : i32
      %get3A_1065 = arith.index_cast %get3A_1064 : i32 to index
      %get3A_1066 = arith.constant 0 : index
      %get3A_1067 = tpu.vector_load %arg6[%get3A_1065, %get3A_1066] {strides = array<i32>} : memref<8x208xi32, #tpu.memory_space<vmem>>, vector<1x16xi32>,
      %get3A_1068 = vector.shape_cast %get3A_1067 : vector<1x16xi32> to vector<16xi32>
      %shift_left3A_1069 = arith.constant 16 : i32
      %shift_left3A_1070 = vector.broadcast %shift_left3A_1069 : i32 to vector<16xi32>
      %shift_left3A_1071 = arith.shli %get3A_1068, %shift_left3A_1070 : vector<16xi32>
      %shift_right_arithmetic3A_1072 = arith.constant 16 : i32
      %shift_right_arithmetic3A_1073 = vector.broadcast %shift_right_arithmetic3A_1072 : i32 to vector<16xi32>
      %shift_right_arithmetic3A_1074 = arith.shrsi %shift_left3A_1071, %shift_right_arithmetic3A_1073 : vector<16xi32>
      %add3A_1075 = arith.addi %broadcast_in_dim3A_3, %shift_right_arithmetic3A_1074 : vector<16xi32>
      %shift_right_arithmetic3A_1076 = arith.constant 16 : i32
      %shift_right_arithmetic3A_1077 = vector.broadcast %shift_right_arithmetic3A_1076 : i32 to vector<16xi32>
      %shift_right_arithmetic3A_1078 = arith.shrsi %get3A_1068, %shift_right_arithmetic3A_1077 : vector<16xi32>
      %add3A_1079 = arith.addi %broadcast_in_dim3A_3, %shift_right_arithmetic3A_1078 : vector<16xi32>
      %get3A_1080 = arith.constant 3 : i32
      %get3A_1081 = arith.index_cast %get3A_1080 : i32 to index
      %get3A_1082 = arith.constant 16 : index
      %get3A_1083 = tpu.vector_load %arg6[%get3A_1081, %get3A_1082] {strides = array<i32>} : memref<8x208xi32, #tpu.memory_space<vmem>>, vector<1x16xi32>,
      %get3A_1084 = vector.shape_cast %get3A_1083 : vector<1x16xi32> to vector<16xi32>
      %shift_left3A_1085 = arith.constant 16 : i32
      %shift_left3A_1086 = vector.broadcast %shift_left3A_1085 : i32 to vector<16xi32>
      %shift_left3A_1087 = arith.shli %get3A_1084, %shift_left3A_1086 : vector<16xi32>
      %shift_right_arithmetic3A_1088 = arith.constant 16 : i32
      %shift_right_arithmetic3A_1089 = vector.broadcast %shift_right_arithmetic3A_1088 : i32 to vector<16xi32>
      %shift_right_arithmetic3A_1090 = arith.shrsi %shift_left3A_1087, %shift_right_arithmetic3A_1089 : vector<16xi32>
      %add3A_1091 = arith.addi %add3A_1075, %shift_right_arithmetic3A_1090 : vector<16xi32>
      %shift_right_arithmetic3A_1092 = arith.constant 16 : i32
      %shift_right_arithmetic3A_1093 = vector.broadcast %shift_right_arithmetic3A_1092 : i32 to vector<16xi32>
      %shift_right_arithmetic3A_1094 = arith.shrsi %get3A_1084, %shift_right_arithmetic3A_1093 : vector<16xi32>
      %add3A_1095 = arith.addi %add3A_1079, %shift_right_arithmetic3A_1094 : vector<16xi32>
      %get3A_1096 = arith.constant 3 : i32
      %get3A_1097 = arith.index_cast %get3A_1096 : i32 to index
      %get3A_1098 = arith.constant 32 : index
      %get3A_1099 = tpu.vector_load %arg6[%get3A_1097, %get3A_1098] {strides = array<i32>} : memref<8x208xi32, #tpu.memory_space<vmem>>, vector<1x16xi32>,
      %get3A_1100 = vector.shape_cast %get3A_1099 : vector<1x16xi32> to vector<16xi32>
      %shift_left3A_1101 = arith.constant 16 : i32
      %shift_left3A_1102 = vector.broadcast %shift_left3A_1101 : i32 to vector<16xi32>
      %shift_left3A_1103 = arith.shli %get3A_1100, %shift_left3A_1102 : vector<16xi32>
      %shift_right_arithmetic3A_1104 = arith.constant 16 : i32
      %shift_right_arithmetic3A_1105 = vector.broadcast %shift_right_arithmetic3A_1104 : i32 to vector<16xi32>
      %shift_right_arithmetic3A_1106 = arith.shrsi %shift_left3A_1103, %shift_right_arithmetic3A_1105 : vector<16xi32>
      %add3A_1107 = arith.addi %add3A_1091, %shift_right_arithmetic3A_1106 : vector<16xi32>
      %shift_right_arithmetic3A_1108 = arith.constant 16 : i32
      %shift_right_arithmetic3A_1109 = vector.broadcast %shift_right_arithmetic3A_1108 : i32 to vector<16xi32>
      %shift_right_arithmetic3A_1110 = arith.shrsi %get3A_1100, %shift_right_arithmetic3A_1109 : vector<16xi32>
      %add3A_1111 = arith.addi %add3A_1095, %shift_right_arithmetic3A_1110 : vector<16xi32>
      %get3A_1112 = arith.constant 3 : i32
      %get3A_1113 = arith.index_cast %get3A_1112 : i32 to index
      %get3A_1114 = arith.constant 48 : index
      %get3A_1115 = tpu.vector_load %arg6[%get3A_1113, %get3A_1114] {strides = array<i32>} : memref<8x208xi32, #tpu.memory_space<vmem>>, vector<1x16xi32>,
      %get3A_1116 = vector.shape_cast %get3A_1115 : vector<1x16xi32> to vector<16xi32>
      %shift_left3A_1117 = arith.constant 16 : i32
      %shift_left3A_1118 = vector.broadcast %shift_left3A_1117 : i32 to vector<16xi32>
      %shift_left3A_1119 = arith.shli %get3A_1116, %shift_left3A_1118 : vector<16xi32>
      %shift_right_arithmetic3A_1120 = arith.constant 16 : i32
      %shift_right_arithmetic3A_1121 = vector.broadcast %shift_right_arithmetic3A_1120 : i32 to vector<16xi32>
      %shift_right_arithmetic3A_1122 = arith.shrsi %shift_left3A_1119, %shift_right_arithmetic3A_1121 : vector<16xi32>
      %add3A_1123 = arith.addi %add3A_1107, %shift_right_arithmetic3A_1122 : vector<16xi32>
      %shift_right_arithmetic3A_1124 = arith.constant 16 : i32
      %shift_right_arithmetic3A_1125 = vector.broadcast %shift_right_arithmetic3A_1124 : i32 to vector<16xi32>
      %shift_right_arithmetic3A_1126 = arith.shrsi %get3A_1116, %shift_right_arithmetic3A_1125 : vector<16xi32>
      %add3A_1127 = arith.addi %add3A_1111, %shift_right_arithmetic3A_1126 : vector<16xi32>
      %get3A_1128 = arith.constant 3 : i32
      %get3A_1129 = arith.index_cast %get3A_1128 : i32 to index
      %get3A_1130 = arith.constant 64 : index
      %get3A_1131 = tpu.vector_load %arg6[%get3A_1129, %get3A_1130] {strides = array<i32>} : memref<8x208xi32, #tpu.memory_space<vmem>>, vector<1x16xi32>,
      %get3A_1132 = vector.shape_cast %get3A_1131 : vector<1x16xi32> to vector<16xi32>
      %shift_left3A_1133 = arith.constant 16 : i32
      %shift_left3A_1134 = vector.broadcast %shift_left3A_1133 : i32 to vector<16xi32>
      %shift_left3A_1135 = arith.shli %get3A_1132, %shift_left3A_1134 : vector<16xi32>
      %shift_right_arithmetic3A_1136 = arith.constant 16 : i32
      %shift_right_arithmetic3A_1137 = vector.broadcast %shift_right_arithmetic3A_1136 : i32 to vector<16xi32>
      %shift_right_arithmetic3A_1138 = arith.shrsi %shift_left3A_1135, %shift_right_arithmetic3A_1137 : vector<16xi32>
      %add3A_1139 = arith.addi %add3A_1123, %shift_right_arithmetic3A_1138 : vector<16xi32>
      %shift_right_arithmetic3A_1140 = arith.constant 16 : i32
      %shift_right_arithmetic3A_1141 = vector.broadcast %shift_right_arithmetic3A_1140 : i32 to vector<16xi32>
      %shift_right_arithmetic3A_1142 = arith.shrsi %get3A_1132, %shift_right_arithmetic3A_1141 : vector<16xi32>
      %add3A_1143 = arith.addi %add3A_1127, %shift_right_arithmetic3A_1142 : vector<16xi32>
      %get3A_1144 = arith.constant 3 : i32
      %get3A_1145 = arith.index_cast %get3A_1144 : i32 to index
      %get3A_1146 = arith.constant 80 : index
      %get3A_1147 = tpu.vector_load %arg6[%get3A_1145, %get3A_1146] {strides = array<i32>} : memref<8x208xi32, #tpu.memory_space<vmem>>, vector<1x16xi32>,
      %get3A_1148 = vector.shape_cast %get3A_1147 : vector<1x16xi32> to vector<16xi32>
      %shift_left3A_1149 = arith.constant 16 : i32
      %shift_left3A_1150 = vector.broadcast %shift_left3A_1149 : i32 to vector<16xi32>
      %shift_left3A_1151 = arith.shli %get3A_1148, %shift_left3A_1150 : vector<16xi32>
      %shift_right_arithmetic3A_1152 = arith.constant 16 : i32
      %shift_right_arithmetic3A_1153 = vector.broadcast %shift_right_arithmetic3A_1152 : i32 to vector<16xi32>
      %shift_right_arithmetic3A_1154 = arith.shrsi %shift_left3A_1151, %shift_right_arithmetic3A_1153 : vector<16xi32>
      %add3A_1155 = arith.addi %add3A_1139, %shift_right_arithmetic3A_1154 : vector<16xi32>
      %shift_right_arithmetic3A_1156 = arith.constant 16 : i32
      %shift_right_arithmetic3A_1157 = vector.broadcast %shift_right_arithmetic3A_1156 : i32 to vector<16xi32>
      %shift_right_arithmetic3A_1158 = arith.shrsi %get3A_1148, %shift_right_arithmetic3A_1157 : vector<16xi32>
      %add3A_1159 = arith.addi %add3A_1143, %shift_right_arithmetic3A_1158 : vector<16xi32>
      %get3A_1160 = arith.constant 3 : i32
      %get3A_1161 = arith.index_cast %get3A_1160 : i32 to index
      %get3A_1162 = arith.constant 96 : index
      %get3A_1163 = tpu.vector_load %arg6[%get3A_1161, %get3A_1162] {strides = array<i32>} : memref<8x208xi32, #tpu.memory_space<vmem>>, vector<1x16xi32>,
      %get3A_1164 = vector.shape_cast %get3A_1163 : vector<1x16xi32> to vector<16xi32>
      %shift_left3A_1165 = arith.constant 16 : i32
      %shift_left3A_1166 = vector.broadcast %shift_left3A_1165 : i32 to vector<16xi32>
      %shift_left3A_1167 = arith.shli %get3A_1164, %shift_left3A_1166 : vector<16xi32>
      %shift_right_arithmetic3A_1168 = arith.constant 16 : i32
      %shift_right_arithmetic3A_1169 = vector.broadcast %shift_right_arithmetic3A_1168 : i32 to vector<16xi32>
      %shift_right_arithmetic3A_1170 = arith.shrsi %shift_left3A_1167, %shift_right_arithmetic3A_1169 : vector<16xi32>
      %add3A_1171 = arith.addi %add3A_1155, %shift_right_arithmetic3A_1170 : vector<16xi32>
      %shift_right_arithmetic3A_1172 = arith.constant 16 : i32
      %shift_right_arithmetic3A_1173 = vector.broadcast %shift_right_arithmetic3A_1172 : i32 to vector<16xi32>
      %shift_right_arithmetic3A_1174 = arith.shrsi %get3A_1164, %shift_right_arithmetic3A_1173 : vector<16xi32>
      %add3A_1175 = arith.addi %add3A_1159, %shift_right_arithmetic3A_1174 : vector<16xi32>
      %get3A_1176 = arith.constant 3 : i32
      %get3A_1177 = arith.index_cast %get3A_1176 : i32 to index
      %get3A_1178 = arith.constant 112 : index
      %get3A_1179 = tpu.vector_load %arg6[%get3A_1177, %get3A_1178] {strides = array<i32>} : memref<8x208xi32, #tpu.memory_space<vmem>>, vector<1x16xi32>,
      %get3A_1180 = vector.shape_cast %get3A_1179 : vector<1x16xi32> to vector<16xi32>
      %shift_left3A_1181 = arith.constant 16 : i32
      %shift_left3A_1182 = vector.broadcast %shift_left3A_1181 : i32 to vector<16xi32>
      %shift_left3A_1183 = arith.shli %get3A_1180, %shift_left3A_1182 : vector<16xi32>
      %shift_right_arithmetic3A_1184 = arith.constant 16 : i32
      %shift_right_arithmetic3A_1185 = vector.broadcast %shift_right_arithmetic3A_1184 : i32 to vector<16xi32>
      %shift_right_arithmetic3A_1186 = arith.shrsi %shift_left3A_1183, %shift_right_arithmetic3A_1185 : vector<16xi32>
      %add3A_1187 = arith.addi %add3A_1171, %shift_right_arithmetic3A_1186 : vector<16xi32>
      %shift_right_arithmetic3A_1188 = arith.constant 16 : i32
      %shift_right_arithmetic3A_1189 = vector.broadcast %shift_right_arithmetic3A_1188 : i32 to vector<16xi32>
      %shift_right_arithmetic3A_1190 = arith.shrsi %get3A_1180, %shift_right_arithmetic3A_1189 : vector<16xi32>
      %add3A_1191 = arith.addi %add3A_1175, %shift_right_arithmetic3A_1190 : vector<16xi32>
      %get3A_1192 = arith.constant 3 : i32
      %get3A_1193 = arith.index_cast %get3A_1192 : i32 to index
      %get3A_1194 = arith.constant 128 : index
      %get3A_1195 = tpu.vector_load %arg6[%get3A_1193, %get3A_1194] {strides = array<i32>} : memref<8x208xi32, #tpu.memory_space<vmem>>, vector<1x16xi32>,
      %get3A_1196 = vector.shape_cast %get3A_1195 : vector<1x16xi32> to vector<16xi32>
      %shift_left3A_1197 = arith.constant 16 : i32
      %shift_left3A_1198 = vector.broadcast %shift_left3A_1197 : i32 to vector<16xi32>
      %shift_left3A_1199 = arith.shli %get3A_1196, %shift_left3A_1198 : vector<16xi32>
      %shift_right_arithmetic3A_1200 = arith.constant 16 : i32
      %shift_right_arithmetic3A_1201 = vector.broadcast %shift_right_arithmetic3A_1200 : i32 to vector<16xi32>
      %shift_right_arithmetic3A_1202 = arith.shrsi %shift_left3A_1199, %shift_right_arithmetic3A_1201 : vector<16xi32>
      %add3A_1203 = arith.addi %add3A_1187, %shift_right_arithmetic3A_1202 : vector<16xi32>
      %shift_right_arithmetic3A_1204 = arith.constant 16 : i32
      %shift_right_arithmetic3A_1205 = vector.broadcast %shift_right_arithmetic3A_1204 : i32 to vector<16xi32>
      %shift_right_arithmetic3A_1206 = arith.shrsi %get3A_1196, %shift_right_arithmetic3A_1205 : vector<16xi32>
      %add3A_1207 = arith.addi %add3A_1191, %shift_right_arithmetic3A_1206 : vector<16xi32>
      %get3A_1208 = arith.constant 3 : i32
      %get3A_1209 = arith.index_cast %get3A_1208 : i32 to index
      %get3A_1210 = arith.constant 144 : index
      %get3A_1211 = tpu.vector_load %arg6[%get3A_1209, %get3A_1210] {strides = array<i32>} : memref<8x208xi32, #tpu.memory_space<vmem>>, vector<1x16xi32>,
      %get3A_1212 = vector.shape_cast %get3A_1211 : vector<1x16xi32> to vector<16xi32>
      %shift_left3A_1213 = arith.constant 16 : i32
      %shift_left3A_1214 = vector.broadcast %shift_left3A_1213 : i32 to vector<16xi32>
      %shift_left3A_1215 = arith.shli %get3A_1212, %shift_left3A_1214 : vector<16xi32>
      %shift_right_arithmetic3A_1216 = arith.constant 16 : i32
      %shift_right_arithmetic3A_1217 = vector.broadcast %shift_right_arithmetic3A_1216 : i32 to vector<16xi32>
      %shift_right_arithmetic3A_1218 = arith.shrsi %shift_left3A_1215, %shift_right_arithmetic3A_1217 : vector<16xi32>
      %add3A_1219 = arith.addi %add3A_1203, %shift_right_arithmetic3A_1218 : vector<16xi32>
      %shift_right_arithmetic3A_1220 = arith.constant 16 : i32
      %shift_right_arithmetic3A_1221 = vector.broadcast %shift_right_arithmetic3A_1220 : i32 to vector<16xi32>
      %shift_right_arithmetic3A_1222 = arith.shrsi %get3A_1212, %shift_right_arithmetic3A_1221 : vector<16xi32>
      %add3A_1223 = arith.addi %add3A_1207, %shift_right_arithmetic3A_1222 : vector<16xi32>
      %get3A_1224 = arith.constant 3 : i32
      %get3A_1225 = arith.index_cast %get3A_1224 : i32 to index
      %get3A_1226 = arith.constant 160 : index
      %get3A_1227 = tpu.vector_load %arg6[%get3A_1225, %get3A_1226] {strides = array<i32>} : memref<8x208xi32, #tpu.memory_space<vmem>>, vector<1x16xi32>,
      %get3A_1228 = vector.shape_cast %get3A_1227 : vector<1x16xi32> to vector<16xi32>
      %shift_left3A_1229 = arith.constant 16 : i32
      %shift_left3A_1230 = vector.broadcast %shift_left3A_1229 : i32 to vector<16xi32>
      %shift_left3A_1231 = arith.shli %get3A_1228, %shift_left3A_1230 : vector<16xi32>
      %shift_right_arithmetic3A_1232 = arith.constant 16 : i32
      %shift_right_arithmetic3A_1233 = vector.broadcast %shift_right_arithmetic3A_1232 : i32 to vector<16xi32>
      %shift_right_arithmetic3A_1234 = arith.shrsi %shift_left3A_1231, %shift_right_arithmetic3A_1233 : vector<16xi32>
      %add3A_1235 = arith.addi %add3A_1219, %shift_right_arithmetic3A_1234 : vector<16xi32>
      %shift_right_arithmetic3A_1236 = arith.constant 16 : i32
      %shift_right_arithmetic3A_1237 = vector.broadcast %shift_right_arithmetic3A_1236 : i32 to vector<16xi32>
      %shift_right_arithmetic3A_1238 = arith.shrsi %get3A_1228, %shift_right_arithmetic3A_1237 : vector<16xi32>
      %add3A_1239 = arith.addi %add3A_1223, %shift_right_arithmetic3A_1238 : vector<16xi32>
      %get3A_1240 = arith.constant 3 : i32
      %get3A_1241 = arith.index_cast %get3A_1240 : i32 to index
      %get3A_1242 = arith.constant 176 : index
      %get3A_1243 = tpu.vector_load %arg6[%get3A_1241, %get3A_1242] {strides = array<i32>} : memref<8x208xi32, #tpu.memory_space<vmem>>, vector<1x16xi32>,
      %get3A_1244 = vector.shape_cast %get3A_1243 : vector<1x16xi32> to vector<16xi32>
      %shift_left3A_1245 = arith.constant 16 : i32
      %shift_left3A_1246 = vector.broadcast %shift_left3A_1245 : i32 to vector<16xi32>
      %shift_left3A_1247 = arith.shli %get3A_1244, %shift_left3A_1246 : vector<16xi32>
      %shift_right_arithmetic3A_1248 = arith.constant 16 : i32
      %shift_right_arithmetic3A_1249 = vector.broadcast %shift_right_arithmetic3A_1248 : i32 to vector<16xi32>
      %shift_right_arithmetic3A_1250 = arith.shrsi %shift_left3A_1247, %shift_right_arithmetic3A_1249 : vector<16xi32>
      %add3A_1251 = arith.addi %add3A_1235, %shift_right_arithmetic3A_1250 : vector<16xi32>
      %shift_right_arithmetic3A_1252 = arith.constant 16 : i32
      %shift_right_arithmetic3A_1253 = vector.broadcast %shift_right_arithmetic3A_1252 : i32 to vector<16xi32>
      %shift_right_arithmetic3A_1254 = arith.shrsi %get3A_1244, %shift_right_arithmetic3A_1253 : vector<16xi32>
      %add3A_1255 = arith.addi %add3A_1239, %shift_right_arithmetic3A_1254 : vector<16xi32>
      %get3A_1256 = arith.constant 3 : i32
      %get3A_1257 = arith.index_cast %get3A_1256 : i32 to index
      %get3A_1258 = arith.constant 192 : index
      %get3A_1259 = tpu.vector_load %arg6[%get3A_1257, %get3A_1258] {strides = array<i32>} : memref<8x208xi32, #tpu.memory_space<vmem>>, vector<1x16xi32>,
      %get3A_1260 = vector.shape_cast %get3A_1259 : vector<1x16xi32> to vector<16xi32>
      %shift_left3A_1261 = arith.constant 16 : i32
      %shift_left3A_1262 = vector.broadcast %shift_left3A_1261 : i32 to vector<16xi32>
      %shift_left3A_1263 = arith.shli %get3A_1260, %shift_left3A_1262 : vector<16xi32>
      %shift_right_arithmetic3A_1264 = arith.constant 16 : i32
      %shift_right_arithmetic3A_1265 = vector.broadcast %shift_right_arithmetic3A_1264 : i32 to vector<16xi32>
      %shift_right_arithmetic3A_1266 = arith.shrsi %shift_left3A_1263, %shift_right_arithmetic3A_1265 : vector<16xi32>
      %add3A_1267 = arith.addi %add3A_1251, %shift_right_arithmetic3A_1266 : vector<16xi32>
      %shift_right_arithmetic3A_1268 = arith.constant 16 : i32
      %shift_right_arithmetic3A_1269 = vector.broadcast %shift_right_arithmetic3A_1268 : i32 to vector<16xi32>
      %shift_right_arithmetic3A_1270 = arith.shrsi %get3A_1260, %shift_right_arithmetic3A_1269 : vector<16xi32>
      %add3A_1271 = arith.addi %add3A_1255, %shift_right_arithmetic3A_1270 : vector<16xi32>
      %swap3A_1272 = arith.index_cast %add3A_1037 : i32 to index
      %swap3A_1273 = arith.constant 0 : index
      %swap3A_1274 = tpu.vector_load %arg7[%swap3A_1272, %swap3A_1273] {strides = array<i32>} : memref<128x32xi32, #tpu.memory_space<vmem>>, vector<1x16xi32>,
      %swap3A_1275 = vector.shape_cast %swap3A_1274 : vector<1x16xi32> to vector<16xi32>
      %swap3A_1276 = vector.shape_cast %add3A_1267 : vector<16xi32> to vector<1x16xi32>
      tpu.vector_store %arg7[%swap3A_1272, %swap3A_1273], %swap3A_1276 {strides = array<i32>} : memref<128x32xi32, #tpu.memory_space<vmem>>, vector<1x16xi32>,
      %swap3A_1277 = arith.index_cast %add3A_1037 : i32 to index
      %swap3A_1278 = arith.constant 16 : index
      %swap3A_1279 = tpu.vector_load %arg7[%swap3A_1277, %swap3A_1278] {strides = array<i32>} : memref<128x32xi32, #tpu.memory_space<vmem>>, vector<1x16xi32>,
      %swap3A_1280 = vector.shape_cast %swap3A_1279 : vector<1x16xi32> to vector<16xi32>
      %swap3A_1281 = vector.shape_cast %add3A_1271 : vector<16xi32> to vector<1x16xi32>
      tpu.vector_store %arg7[%swap3A_1277, %swap3A_1278], %swap3A_1281 {strides = array<i32>} : memref<128x32xi32, #tpu.memory_space<vmem>>, vector<1x16xi32>,
      %lt3A_1282 = arith.constant 15 : i32
      %lt3A_1283 = arith.cmpi slt, %scan3A_280, %lt3A_1282 : i32
      %convert_element_type3A_1284 = arith.extui %lt3A_1283 : i1 to i32
      %cond3A_1285 = arith.constant 0 : i32
      %cond3A_1286 = arith.cmpi ne, %convert_element_type3A_1284, %cond3A_1285 : i32
      scf.if %cond3A_1286 {
        %add3A_2300 = arith.constant 8 : i32
        %add3A_2301 = arith.addi %add3A_1037, %add3A_2300 : i32
        %dma_start3A_2302 = arith.constant 3 : i32
        %dma_start3A_2303 = arith.constant 0 : i32
        %dma_start3A_2304 = tpu.memref_slice %arg6[%dma_start3A_2302, %dma_start3A_2303] : memref<8x208xi32, #tpu.memory_space<vmem>> -> memref<1x208xi32, #tpu.memory_space<vmem>>
        %dma_start3A_2305 = tpu.memref_squeeze %dma_start3A_2304 : memref<1x208xi32, #tpu.memory_space<vmem>> -> memref<208xi32, #tpu.memory_space<vmem>>
        %dma_start3A_2306 = arith.constant 0 : i32
        %dma_start3A_2307 = tpu.memref_slice %dma_start3A_2305[%dma_start3A_2306] : memref<208xi32, #tpu.memory_space<vmem>> -> memref<104xi32, #tpu.memory_space<vmem>>
        %dma_start3A_2308 = arith.constant 0 : i32
        %dma_start3A_2309 = tpu.memref_slice %arg5[%add3A_2301, %dma_start3A_2308] : memref<128x200xi32, #tpu.memory_space<vmem>> -> memref<1x200xi32, #tpu.memory_space<vmem>>
        %dma_start3A_2310 = tpu.memref_squeeze %dma_start3A_2309 : memref<1x200xi32, #tpu.memory_space<vmem>> -> memref<200xi32, #tpu.memory_space<vmem>>
        %dma_start3A_2311 = arith.constant 0 : i32
        %dma_start3A_2312 = tpu.memref_slice %dma_start3A_2310[%dma_start3A_2311] : memref<200xi32, #tpu.memory_space<vmem>> -> memref<104xi32, #tpu.memory_space<vmem>>
        %dma_start3A_2313 = arith.constant 0 : i32
        %dma_start3A_2314 = tpu.memref_slice %arg3[%dma_start3A_2313] : memref<1000000xi32, #tpu.memory_space<hbm>> -> memref<1000000xi32, #tpu.memory_space<hbm>>
        tpu.enqueue_indirect_dma source(%dma_start3A_2314 : memref<1000000xi32, #tpu.memory_space<hbm>>) target(%dma_start3A_2307 : memref<104xi32, #tpu.memory_space<vmem>>) offsets(%dma_start3A_2312 : memref<104xi32, #tpu.memory_space<vmem>>) semaphore(%arg11 : memref<!tpu.dma_semaphore, #tpu.memory_space<semaphore_mem>>)
        %dma_start3A_2315 = arith.constant 3 : i32
        %dma_start3A_2316 = arith.constant 0 : i32
        %dma_start3A_2317 = tpu.memref_slice %arg6[%dma_start3A_2315, %dma_start3A_2316] : memref<8x208xi32, #tpu.memory_space<vmem>> -> memref<1x208xi32, #tpu.memory_space<vmem>>
        %dma_start3A_2318 = tpu.memref_squeeze %dma_start3A_2317 : memref<1x208xi32, #tpu.memory_space<vmem>> -> memref<208xi32, #tpu.memory_space<vmem>>
        %dma_start3A_2319 = arith.constant 104 : i32
        %dma_start3A_2320 = tpu.memref_slice %dma_start3A_2318[%dma_start3A_2319] : memref<208xi32, #tpu.memory_space<vmem>> -> memref<96xi32, #tpu.memory_space<vmem>>
        %dma_start3A_2321 = arith.constant 0 : i32
        %dma_start3A_2322 = tpu.memref_slice %arg5[%add3A_2301, %dma_start3A_2321] : memref<128x200xi32, #tpu.memory_space<vmem>> -> memref<1x200xi32, #tpu.memory_space<vmem>>
        %dma_start3A_2323 = tpu.memref_squeeze %dma_start3A_2322 : memref<1x200xi32, #tpu.memory_space<vmem>> -> memref<200xi32, #tpu.memory_space<vmem>>
        %dma_start3A_2324 = arith.constant 104 : i32
        %dma_start3A_2325 = tpu.memref_slice %dma_start3A_2323[%dma_start3A_2324] : memref<200xi32, #tpu.memory_space<vmem>> -> memref<96xi32, #tpu.memory_space<vmem>>
        %dma_start3A_2326 = arith.constant 0 : i32
        %dma_start3A_2327 = tpu.memref_slice %arg3[%dma_start3A_2326] : memref<1000000xi32, #tpu.memory_space<hbm>> -> memref<1000000xi32, #tpu.memory_space<hbm>>
        tpu.enqueue_indirect_dma source(%dma_start3A_2327 : memref<1000000xi32, #tpu.memory_space<hbm>>) target(%dma_start3A_2320 : memref<96xi32, #tpu.memory_space<vmem>>) offsets(%dma_start3A_2325 : memref<96xi32, #tpu.memory_space<vmem>>) semaphore(%arg11 : memref<!tpu.dma_semaphore, #tpu.memory_space<semaphore_mem>>)
      } else {
      }
      %mul3A_1287 = arith.constant 8 : i32
      %mul3A_1288 = arith.muli %mul3A_1287, %scan3A_280 : i32
      %add3A_1289 = arith.constant 4 : i32
      %add3A_1290 = arith.addi %mul3A_1288, %add3A_1289 : i32
      %dma_wait3A_1291 = arith.constant 4 : i32
      %dma_wait3A_1292 = arith.constant 0 : i32
      %dma_wait3A_1293 = tpu.memref_slice %arg6[%dma_wait3A_1291, %dma_wait3A_1292] : memref<8x208xi32, #tpu.memory_space<vmem>> -> memref<1x208xi32, #tpu.memory_space<vmem>>
      %dma_wait3A_1294 = tpu.memref_squeeze %dma_wait3A_1293 : memref<1x208xi32, #tpu.memory_space<vmem>> -> memref<208xi32, #tpu.memory_space<vmem>>
      %dma_wait3A_1295 = arith.constant 0 : i32
      %dma_wait3A_1296 = tpu.memref_slice %dma_wait3A_1294[%dma_wait3A_1295] : memref<208xi32, #tpu.memory_space<vmem>> -> memref<104xi32, #tpu.memory_space<vmem>>
      %dma_wait3A_1297 = arith.constant 0 : i32
      %dma_wait3A_1298 = tpu.memref_slice %arg5[%add3A_1290, %dma_wait3A_1297] : memref<128x200xi32, #tpu.memory_space<vmem>> -> memref<1x200xi32, #tpu.memory_space<vmem>>
      %dma_wait3A_1299 = tpu.memref_squeeze %dma_wait3A_1298 : memref<1x200xi32, #tpu.memory_space<vmem>> -> memref<200xi32, #tpu.memory_space<vmem>>
      %dma_wait3A_1300 = arith.constant 0 : i32
      %dma_wait3A_1301 = tpu.memref_slice %dma_wait3A_1299[%dma_wait3A_1300] : memref<200xi32, #tpu.memory_space<vmem>> -> memref<104xi32, #tpu.memory_space<vmem>>
      %dma_wait3A_1302 = arith.constant 0 : i32
      %dma_wait3A_1303 = tpu.memref_slice %arg3[%dma_wait3A_1302] : memref<1000000xi32, #tpu.memory_space<hbm>> -> memref<1000000xi32, #tpu.memory_space<hbm>>
      tpu.wait_indirect_dma semaphore(%arg12 : memref<!tpu.dma_semaphore, #tpu.memory_space<semaphore_mem>>) src(%dma_wait3A_1303 : memref<1000000xi32, #tpu.memory_space<hbm>>) dst(%dma_wait3A_1296 : memref<104xi32, #tpu.memory_space<vmem>>)
      %dma_wait3A_1304 = arith.constant 4 : i32
      %dma_wait3A_1305 = arith.constant 0 : i32
      %dma_wait3A_1306 = tpu.memref_slice %arg6[%dma_wait3A_1304, %dma_wait3A_1305] : memref<8x208xi32, #tpu.memory_space<vmem>> -> memref<1x208xi32, #tpu.memory_space<vmem>>
      %dma_wait3A_1307 = tpu.memref_squeeze %dma_wait3A_1306 : memref<1x208xi32, #tpu.memory_space<vmem>> -> memref<208xi32, #tpu.memory_space<vmem>>
      %dma_wait3A_1308 = arith.constant 104 : i32
      %dma_wait3A_1309 = tpu.memref_slice %dma_wait3A_1307[%dma_wait3A_1308] : memref<208xi32, #tpu.memory_space<vmem>> -> memref<96xi32, #tpu.memory_space<vmem>>
      %dma_wait3A_1310 = arith.constant 0 : i32
      %dma_wait3A_1311 = tpu.memref_slice %arg5[%add3A_1290, %dma_wait3A_1310] : memref<128x200xi32, #tpu.memory_space<vmem>> -> memref<1x200xi32, #tpu.memory_space<vmem>>
      %dma_wait3A_1312 = tpu.memref_squeeze %dma_wait3A_1311 : memref<1x200xi32, #tpu.memory_space<vmem>> -> memref<200xi32, #tpu.memory_space<vmem>>
      %dma_wait3A_1313 = arith.constant 104 : i32
      %dma_wait3A_1314 = tpu.memref_slice %dma_wait3A_1312[%dma_wait3A_1313] : memref<200xi32, #tpu.memory_space<vmem>> -> memref<96xi32, #tpu.memory_space<vmem>>
      %dma_wait3A_1315 = arith.constant 0 : i32
      %dma_wait3A_1316 = tpu.memref_slice %arg3[%dma_wait3A_1315] : memref<1000000xi32, #tpu.memory_space<hbm>> -> memref<1000000xi32, #tpu.memory_space<hbm>>
      tpu.wait_indirect_dma semaphore(%arg12 : memref<!tpu.dma_semaphore, #tpu.memory_space<semaphore_mem>>) src(%dma_wait3A_1316 : memref<1000000xi32, #tpu.memory_space<hbm>>) dst(%dma_wait3A_1309 : memref<96xi32, #tpu.memory_space<vmem>>)
      %get3A_1317 = arith.constant 4 : i32
      %get3A_1318 = arith.index_cast %get3A_1317 : i32 to index
      %get3A_1319 = arith.constant 0 : index
      %get3A_1320 = tpu.vector_load %arg6[%get3A_1318, %get3A_1319] {strides = array<i32>} : memref<8x208xi32, #tpu.memory_space<vmem>>, vector<1x16xi32>,
      %get3A_1321 = vector.shape_cast %get3A_1320 : vector<1x16xi32> to vector<16xi32>
      %shift_left3A_1322 = arith.constant 16 : i32
      %shift_left3A_1323 = vector.broadcast %shift_left3A_1322 : i32 to vector<16xi32>
      %shift_left3A_1324 = arith.shli %get3A_1321, %shift_left3A_1323 : vector<16xi32>
      %shift_right_arithmetic3A_1325 = arith.constant 16 : i32
      %shift_right_arithmetic3A_1326 = vector.broadcast %shift_right_arithmetic3A_1325 : i32 to vector<16xi32>
      %shift_right_arithmetic3A_1327 = arith.shrsi %shift_left3A_1324, %shift_right_arithmetic3A_1326 : vector<16xi32>
      %add3A_1328 = arith.addi %broadcast_in_dim3A_3, %shift_right_arithmetic3A_1327 : vector<16xi32>
      %shift_right_arithmetic3A_1329 = arith.constant 16 : i32
      %shift_right_arithmetic3A_1330 = vector.broadcast %shift_right_arithmetic3A_1329 : i32 to vector<16xi32>
      %shift_right_arithmetic3A_1331 = arith.shrsi %get3A_1321, %shift_right_arithmetic3A_1330 : vector<16xi32>
      %add3A_1332 = arith.addi %broadcast_in_dim3A_3, %shift_right_arithmetic3A_1331 : vector<16xi32>
      %get3A_1333 = arith.constant 4 : i32
      %get3A_1334 = arith.index_cast %get3A_1333 : i32 to index
      %get3A_1335 = arith.constant 16 : index
      %get3A_1336 = tpu.vector_load %arg6[%get3A_1334, %get3A_1335] {strides = array<i32>} : memref<8x208xi32, #tpu.memory_space<vmem>>, vector<1x16xi32>,
      %get3A_1337 = vector.shape_cast %get3A_1336 : vector<1x16xi32> to vector<16xi32>
      %shift_left3A_1338 = arith.constant 16 : i32
      %shift_left3A_1339 = vector.broadcast %shift_left3A_1338 : i32 to vector<16xi32>
      %shift_left3A_1340 = arith.shli %get3A_1337, %shift_left3A_1339 : vector<16xi32>
      %shift_right_arithmetic3A_1341 = arith.constant 16 : i32
      %shift_right_arithmetic3A_1342 = vector.broadcast %shift_right_arithmetic3A_1341 : i32 to vector<16xi32>
      %shift_right_arithmetic3A_1343 = arith.shrsi %shift_left3A_1340, %shift_right_arithmetic3A_1342 : vector<16xi32>
      %add3A_1344 = arith.addi %add3A_1328, %shift_right_arithmetic3A_1343 : vector<16xi32>
      %shift_right_arithmetic3A_1345 = arith.constant 16 : i32
      %shift_right_arithmetic3A_1346 = vector.broadcast %shift_right_arithmetic3A_1345 : i32 to vector<16xi32>
      %shift_right_arithmetic3A_1347 = arith.shrsi %get3A_1337, %shift_right_arithmetic3A_1346 : vector<16xi32>
      %add3A_1348 = arith.addi %add3A_1332, %shift_right_arithmetic3A_1347 : vector<16xi32>
      %get3A_1349 = arith.constant 4 : i32
      %get3A_1350 = arith.index_cast %get3A_1349 : i32 to index
      %get3A_1351 = arith.constant 32 : index
      %get3A_1352 = tpu.vector_load %arg6[%get3A_1350, %get3A_1351] {strides = array<i32>} : memref<8x208xi32, #tpu.memory_space<vmem>>, vector<1x16xi32>,
      %get3A_1353 = vector.shape_cast %get3A_1352 : vector<1x16xi32> to vector<16xi32>
      %shift_left3A_1354 = arith.constant 16 : i32
      %shift_left3A_1355 = vector.broadcast %shift_left3A_1354 : i32 to vector<16xi32>
      %shift_left3A_1356 = arith.shli %get3A_1353, %shift_left3A_1355 : vector<16xi32>
      %shift_right_arithmetic3A_1357 = arith.constant 16 : i32
      %shift_right_arithmetic3A_1358 = vector.broadcast %shift_right_arithmetic3A_1357 : i32 to vector<16xi32>
      %shift_right_arithmetic3A_1359 = arith.shrsi %shift_left3A_1356, %shift_right_arithmetic3A_1358 : vector<16xi32>
      %add3A_1360 = arith.addi %add3A_1344, %shift_right_arithmetic3A_1359 : vector<16xi32>
      %shift_right_arithmetic3A_1361 = arith.constant 16 : i32
      %shift_right_arithmetic3A_1362 = vector.broadcast %shift_right_arithmetic3A_1361 : i32 to vector<16xi32>
      %shift_right_arithmetic3A_1363 = arith.shrsi %get3A_1353, %shift_right_arithmetic3A_1362 : vector<16xi32>
      %add3A_1364 = arith.addi %add3A_1348, %shift_right_arithmetic3A_1363 : vector<16xi32>
      %get3A_1365 = arith.constant 4 : i32
      %get3A_1366 = arith.index_cast %get3A_1365 : i32 to index
      %get3A_1367 = arith.constant 48 : index
      %get3A_1368 = tpu.vector_load %arg6[%get3A_1366, %get3A_1367] {strides = array<i32>} : memref<8x208xi32, #tpu.memory_space<vmem>>, vector<1x16xi32>,
      %get3A_1369 = vector.shape_cast %get3A_1368 : vector<1x16xi32> to vector<16xi32>
      %shift_left3A_1370 = arith.constant 16 : i32
      %shift_left3A_1371 = vector.broadcast %shift_left3A_1370 : i32 to vector<16xi32>
      %shift_left3A_1372 = arith.shli %get3A_1369, %shift_left3A_1371 : vector<16xi32>
      %shift_right_arithmetic3A_1373 = arith.constant 16 : i32
      %shift_right_arithmetic3A_1374 = vector.broadcast %shift_right_arithmetic3A_1373 : i32 to vector<16xi32>
      %shift_right_arithmetic3A_1375 = arith.shrsi %shift_left3A_1372, %shift_right_arithmetic3A_1374 : vector<16xi32>
      %add3A_1376 = arith.addi %add3A_1360, %shift_right_arithmetic3A_1375 : vector<16xi32>
      %shift_right_arithmetic3A_1377 = arith.constant 16 : i32
      %shift_right_arithmetic3A_1378 = vector.broadcast %shift_right_arithmetic3A_1377 : i32 to vector<16xi32>
      %shift_right_arithmetic3A_1379 = arith.shrsi %get3A_1369, %shift_right_arithmetic3A_1378 : vector<16xi32>
      %add3A_1380 = arith.addi %add3A_1364, %shift_right_arithmetic3A_1379 : vector<16xi32>
      %get3A_1381 = arith.constant 4 : i32
      %get3A_1382 = arith.index_cast %get3A_1381 : i32 to index
      %get3A_1383 = arith.constant 64 : index
      %get3A_1384 = tpu.vector_load %arg6[%get3A_1382, %get3A_1383] {strides = array<i32>} : memref<8x208xi32, #tpu.memory_space<vmem>>, vector<1x16xi32>,
      %get3A_1385 = vector.shape_cast %get3A_1384 : vector<1x16xi32> to vector<16xi32>
      %shift_left3A_1386 = arith.constant 16 : i32
      %shift_left3A_1387 = vector.broadcast %shift_left3A_1386 : i32 to vector<16xi32>
      %shift_left3A_1388 = arith.shli %get3A_1385, %shift_left3A_1387 : vector<16xi32>
      %shift_right_arithmetic3A_1389 = arith.constant 16 : i32
      %shift_right_arithmetic3A_1390 = vector.broadcast %shift_right_arithmetic3A_1389 : i32 to vector<16xi32>
      %shift_right_arithmetic3A_1391 = arith.shrsi %shift_left3A_1388, %shift_right_arithmetic3A_1390 : vector<16xi32>
      %add3A_1392 = arith.addi %add3A_1376, %shift_right_arithmetic3A_1391 : vector<16xi32>
      %shift_right_arithmetic3A_1393 = arith.constant 16 : i32
      %shift_right_arithmetic3A_1394 = vector.broadcast %shift_right_arithmetic3A_1393 : i32 to vector<16xi32>
      %shift_right_arithmetic3A_1395 = arith.shrsi %get3A_1385, %shift_right_arithmetic3A_1394 : vector<16xi32>
      %add3A_1396 = arith.addi %add3A_1380, %shift_right_arithmetic3A_1395 : vector<16xi32>
      %get3A_1397 = arith.constant 4 : i32
      %get3A_1398 = arith.index_cast %get3A_1397 : i32 to index
      %get3A_1399 = arith.constant 80 : index
      %get3A_1400 = tpu.vector_load %arg6[%get3A_1398, %get3A_1399] {strides = array<i32>} : memref<8x208xi32, #tpu.memory_space<vmem>>, vector<1x16xi32>,
      %get3A_1401 = vector.shape_cast %get3A_1400 : vector<1x16xi32> to vector<16xi32>
      %shift_left3A_1402 = arith.constant 16 : i32
      %shift_left3A_1403 = vector.broadcast %shift_left3A_1402 : i32 to vector<16xi32>
      %shift_left3A_1404 = arith.shli %get3A_1401, %shift_left3A_1403 : vector<16xi32>
      %shift_right_arithmetic3A_1405 = arith.constant 16 : i32
      %shift_right_arithmetic3A_1406 = vector.broadcast %shift_right_arithmetic3A_1405 : i32 to vector<16xi32>
      %shift_right_arithmetic3A_1407 = arith.shrsi %shift_left3A_1404, %shift_right_arithmetic3A_1406 : vector<16xi32>
      %add3A_1408 = arith.addi %add3A_1392, %shift_right_arithmetic3A_1407 : vector<16xi32>
      %shift_right_arithmetic3A_1409 = arith.constant 16 : i32
      %shift_right_arithmetic3A_1410 = vector.broadcast %shift_right_arithmetic3A_1409 : i32 to vector<16xi32>
      %shift_right_arithmetic3A_1411 = arith.shrsi %get3A_1401, %shift_right_arithmetic3A_1410 : vector<16xi32>
      %add3A_1412 = arith.addi %add3A_1396, %shift_right_arithmetic3A_1411 : vector<16xi32>
      %get3A_1413 = arith.constant 4 : i32
      %get3A_1414 = arith.index_cast %get3A_1413 : i32 to index
      %get3A_1415 = arith.constant 96 : index
      %get3A_1416 = tpu.vector_load %arg6[%get3A_1414, %get3A_1415] {strides = array<i32>} : memref<8x208xi32, #tpu.memory_space<vmem>>, vector<1x16xi32>,
      %get3A_1417 = vector.shape_cast %get3A_1416 : vector<1x16xi32> to vector<16xi32>
      %shift_left3A_1418 = arith.constant 16 : i32
      %shift_left3A_1419 = vector.broadcast %shift_left3A_1418 : i32 to vector<16xi32>
      %shift_left3A_1420 = arith.shli %get3A_1417, %shift_left3A_1419 : vector<16xi32>
      %shift_right_arithmetic3A_1421 = arith.constant 16 : i32
      %shift_right_arithmetic3A_1422 = vector.broadcast %shift_right_arithmetic3A_1421 : i32 to vector<16xi32>
      %shift_right_arithmetic3A_1423 = arith.shrsi %shift_left3A_1420, %shift_right_arithmetic3A_1422 : vector<16xi32>
      %add3A_1424 = arith.addi %add3A_1408, %shift_right_arithmetic3A_1423 : vector<16xi32>
      %shift_right_arithmetic3A_1425 = arith.constant 16 : i32
      %shift_right_arithmetic3A_1426 = vector.broadcast %shift_right_arithmetic3A_1425 : i32 to vector<16xi32>
      %shift_right_arithmetic3A_1427 = arith.shrsi %get3A_1417, %shift_right_arithmetic3A_1426 : vector<16xi32>
      %add3A_1428 = arith.addi %add3A_1412, %shift_right_arithmetic3A_1427 : vector<16xi32>
      %get3A_1429 = arith.constant 4 : i32
      %get3A_1430 = arith.index_cast %get3A_1429 : i32 to index
      %get3A_1431 = arith.constant 112 : index
      %get3A_1432 = tpu.vector_load %arg6[%get3A_1430, %get3A_1431] {strides = array<i32>} : memref<8x208xi32, #tpu.memory_space<vmem>>, vector<1x16xi32>,
      %get3A_1433 = vector.shape_cast %get3A_1432 : vector<1x16xi32> to vector<16xi32>
      %shift_left3A_1434 = arith.constant 16 : i32
      %shift_left3A_1435 = vector.broadcast %shift_left3A_1434 : i32 to vector<16xi32>
      %shift_left3A_1436 = arith.shli %get3A_1433, %shift_left3A_1435 : vector<16xi32>
      %shift_right_arithmetic3A_1437 = arith.constant 16 : i32
      %shift_right_arithmetic3A_1438 = vector.broadcast %shift_right_arithmetic3A_1437 : i32 to vector<16xi32>
      %shift_right_arithmetic3A_1439 = arith.shrsi %shift_left3A_1436, %shift_right_arithmetic3A_1438 : vector<16xi32>
      %add3A_1440 = arith.addi %add3A_1424, %shift_right_arithmetic3A_1439 : vector<16xi32>
      %shift_right_arithmetic3A_1441 = arith.constant 16 : i32
      %shift_right_arithmetic3A_1442 = vector.broadcast %shift_right_arithmetic3A_1441 : i32 to vector<16xi32>
      %shift_right_arithmetic3A_1443 = arith.shrsi %get3A_1433, %shift_right_arithmetic3A_1442 : vector<16xi32>
      %add3A_1444 = arith.addi %add3A_1428, %shift_right_arithmetic3A_1443 : vector<16xi32>
      %get3A_1445 = arith.constant 4 : i32
      %get3A_1446 = arith.index_cast %get3A_1445 : i32 to index
      %get3A_1447 = arith.constant 128 : index
      %get3A_1448 = tpu.vector_load %arg6[%get3A_1446, %get3A_1447] {strides = array<i32>} : memref<8x208xi32, #tpu.memory_space<vmem>>, vector<1x16xi32>,
      %get3A_1449 = vector.shape_cast %get3A_1448 : vector<1x16xi32> to vector<16xi32>
      %shift_left3A_1450 = arith.constant 16 : i32
      %shift_left3A_1451 = vector.broadcast %shift_left3A_1450 : i32 to vector<16xi32>
      %shift_left3A_1452 = arith.shli %get3A_1449, %shift_left3A_1451 : vector<16xi32>
      %shift_right_arithmetic3A_1453 = arith.constant 16 : i32
      %shift_right_arithmetic3A_1454 = vector.broadcast %shift_right_arithmetic3A_1453 : i32 to vector<16xi32>
      %shift_right_arithmetic3A_1455 = arith.shrsi %shift_left3A_1452, %shift_right_arithmetic3A_1454 : vector<16xi32>
      %add3A_1456 = arith.addi %add3A_1440, %shift_right_arithmetic3A_1455 : vector<16xi32>
      %shift_right_arithmetic3A_1457 = arith.constant 16 : i32
      %shift_right_arithmetic3A_1458 = vector.broadcast %shift_right_arithmetic3A_1457 : i32 to vector<16xi32>
      %shift_right_arithmetic3A_1459 = arith.shrsi %get3A_1449, %shift_right_arithmetic3A_1458 : vector<16xi32>
      %add3A_1460 = arith.addi %add3A_1444, %shift_right_arithmetic3A_1459 : vector<16xi32>
      %get3A_1461 = arith.constant 4 : i32
      %get3A_1462 = arith.index_cast %get3A_1461 : i32 to index
      %get3A_1463 = arith.constant 144 : index
      %get3A_1464 = tpu.vector_load %arg6[%get3A_1462, %get3A_1463] {strides = array<i32>} : memref<8x208xi32, #tpu.memory_space<vmem>>, vector<1x16xi32>,
      %get3A_1465 = vector.shape_cast %get3A_1464 : vector<1x16xi32> to vector<16xi32>
      %shift_left3A_1466 = arith.constant 16 : i32
      %shift_left3A_1467 = vector.broadcast %shift_left3A_1466 : i32 to vector<16xi32>
      %shift_left3A_1468 = arith.shli %get3A_1465, %shift_left3A_1467 : vector<16xi32>
      %shift_right_arithmetic3A_1469 = arith.constant 16 : i32
      %shift_right_arithmetic3A_1470 = vector.broadcast %shift_right_arithmetic3A_1469 : i32 to vector<16xi32>
      %shift_right_arithmetic3A_1471 = arith.shrsi %shift_left3A_1468, %shift_right_arithmetic3A_1470 : vector<16xi32>
      %add3A_1472 = arith.addi %add3A_1456, %shift_right_arithmetic3A_1471 : vector<16xi32>
      %shift_right_arithmetic3A_1473 = arith.constant 16 : i32
      %shift_right_arithmetic3A_1474 = vector.broadcast %shift_right_arithmetic3A_1473 : i32 to vector<16xi32>
      %shift_right_arithmetic3A_1475 = arith.shrsi %get3A_1465, %shift_right_arithmetic3A_1474 : vector<16xi32>
      %add3A_1476 = arith.addi %add3A_1460, %shift_right_arithmetic3A_1475 : vector<16xi32>
      %get3A_1477 = arith.constant 4 : i32
      %get3A_1478 = arith.index_cast %get3A_1477 : i32 to index
      %get3A_1479 = arith.constant 160 : index
      %get3A_1480 = tpu.vector_load %arg6[%get3A_1478, %get3A_1479] {strides = array<i32>} : memref<8x208xi32, #tpu.memory_space<vmem>>, vector<1x16xi32>,
      %get3A_1481 = vector.shape_cast %get3A_1480 : vector<1x16xi32> to vector<16xi32>
      %shift_left3A_1482 = arith.constant 16 : i32
      %shift_left3A_1483 = vector.broadcast %shift_left3A_1482 : i32 to vector<16xi32>
      %shift_left3A_1484 = arith.shli %get3A_1481, %shift_left3A_1483 : vector<16xi32>
      %shift_right_arithmetic3A_1485 = arith.constant 16 : i32
      %shift_right_arithmetic3A_1486 = vector.broadcast %shift_right_arithmetic3A_1485 : i32 to vector<16xi32>
      %shift_right_arithmetic3A_1487 = arith.shrsi %shift_left3A_1484, %shift_right_arithmetic3A_1486 : vector<16xi32>
      %add3A_1488 = arith.addi %add3A_1472, %shift_right_arithmetic3A_1487 : vector<16xi32>
      %shift_right_arithmetic3A_1489 = arith.constant 16 : i32
      %shift_right_arithmetic3A_1490 = vector.broadcast %shift_right_arithmetic3A_1489 : i32 to vector<16xi32>
      %shift_right_arithmetic3A_1491 = arith.shrsi %get3A_1481, %shift_right_arithmetic3A_1490 : vector<16xi32>
      %add3A_1492 = arith.addi %add3A_1476, %shift_right_arithmetic3A_1491 : vector<16xi32>
      %get3A_1493 = arith.constant 4 : i32
      %get3A_1494 = arith.index_cast %get3A_1493 : i32 to index
      %get3A_1495 = arith.constant 176 : index
      %get3A_1496 = tpu.vector_load %arg6[%get3A_1494, %get3A_1495] {strides = array<i32>} : memref<8x208xi32, #tpu.memory_space<vmem>>, vector<1x16xi32>,
      %get3A_1497 = vector.shape_cast %get3A_1496 : vector<1x16xi32> to vector<16xi32>
      %shift_left3A_1498 = arith.constant 16 : i32
      %shift_left3A_1499 = vector.broadcast %shift_left3A_1498 : i32 to vector<16xi32>
      %shift_left3A_1500 = arith.shli %get3A_1497, %shift_left3A_1499 : vector<16xi32>
      %shift_right_arithmetic3A_1501 = arith.constant 16 : i32
      %shift_right_arithmetic3A_1502 = vector.broadcast %shift_right_arithmetic3A_1501 : i32 to vector<16xi32>
      %shift_right_arithmetic3A_1503 = arith.shrsi %shift_left3A_1500, %shift_right_arithmetic3A_1502 : vector<16xi32>
      %add3A_1504 = arith.addi %add3A_1488, %shift_right_arithmetic3A_1503 : vector<16xi32>
      %shift_right_arithmetic3A_1505 = arith.constant 16 : i32
      %shift_right_arithmetic3A_1506 = vector.broadcast %shift_right_arithmetic3A_1505 : i32 to vector<16xi32>
      %shift_right_arithmetic3A_1507 = arith.shrsi %get3A_1497, %shift_right_arithmetic3A_1506 : vector<16xi32>
      %add3A_1508 = arith.addi %add3A_1492, %shift_right_arithmetic3A_1507 : vector<16xi32>
      %get3A_1509 = arith.constant 4 : i32
      %get3A_1510 = arith.index_cast %get3A_1509 : i32 to index
      %get3A_1511 = arith.constant 192 : index
      %get3A_1512 = tpu.vector_load %arg6[%get3A_1510, %get3A_1511] {strides = array<i32>} : memref<8x208xi32, #tpu.memory_space<vmem>>, vector<1x16xi32>,
      %get3A_1513 = vector.shape_cast %get3A_1512 : vector<1x16xi32> to vector<16xi32>
      %shift_left3A_1514 = arith.constant 16 : i32
      %shift_left3A_1515 = vector.broadcast %shift_left3A_1514 : i32 to vector<16xi32>
      %shift_left3A_1516 = arith.shli %get3A_1513, %shift_left3A_1515 : vector<16xi32>
      %shift_right_arithmetic3A_1517 = arith.constant 16 : i32
      %shift_right_arithmetic3A_1518 = vector.broadcast %shift_right_arithmetic3A_1517 : i32 to vector<16xi32>
      %shift_right_arithmetic3A_1519 = arith.shrsi %shift_left3A_1516, %shift_right_arithmetic3A_1518 : vector<16xi32>
      %add3A_1520 = arith.addi %add3A_1504, %shift_right_arithmetic3A_1519 : vector<16xi32>
      %shift_right_arithmetic3A_1521 = arith.constant 16 : i32
      %shift_right_arithmetic3A_1522 = vector.broadcast %shift_right_arithmetic3A_1521 : i32 to vector<16xi32>
      %shift_right_arithmetic3A_1523 = arith.shrsi %get3A_1513, %shift_right_arithmetic3A_1522 : vector<16xi32>
      %add3A_1524 = arith.addi %add3A_1508, %shift_right_arithmetic3A_1523 : vector<16xi32>
      %swap3A_1525 = arith.index_cast %add3A_1290 : i32 to index
      %swap3A_1526 = arith.constant 0 : index
      %swap3A_1527 = tpu.vector_load %arg7[%swap3A_1525, %swap3A_1526] {strides = array<i32>} : memref<128x32xi32, #tpu.memory_space<vmem>>, vector<1x16xi32>,
      %swap3A_1528 = vector.shape_cast %swap3A_1527 : vector<1x16xi32> to vector<16xi32>
      %swap3A_1529 = vector.shape_cast %add3A_1520 : vector<16xi32> to vector<1x16xi32>
      tpu.vector_store %arg7[%swap3A_1525, %swap3A_1526], %swap3A_1529 {strides = array<i32>} : memref<128x32xi32, #tpu.memory_space<vmem>>, vector<1x16xi32>,
      %swap3A_1530 = arith.index_cast %add3A_1290 : i32 to index
      %swap3A_1531 = arith.constant 16 : index
      %swap3A_1532 = tpu.vector_load %arg7[%swap3A_1530, %swap3A_1531] {strides = array<i32>} : memref<128x32xi32, #tpu.memory_space<vmem>>, vector<1x16xi32>,
      %swap3A_1533 = vector.shape_cast %swap3A_1532 : vector<1x16xi32> to vector<16xi32>
      %swap3A_1534 = vector.shape_cast %add3A_1524 : vector<16xi32> to vector<1x16xi32>
      tpu.vector_store %arg7[%swap3A_1530, %swap3A_1531], %swap3A_1534 {strides = array<i32>} : memref<128x32xi32, #tpu.memory_space<vmem>>, vector<1x16xi32>,
      %lt3A_1535 = arith.constant 15 : i32
      %lt3A_1536 = arith.cmpi slt, %scan3A_280, %lt3A_1535 : i32
      %convert_element_type3A_1537 = arith.extui %lt3A_1536 : i1 to i32
      %cond3A_1538 = arith.constant 0 : i32
      %cond3A_1539 = arith.cmpi ne, %convert_element_type3A_1537, %cond3A_1538 : i32
      scf.if %cond3A_1539 {
        %add3A_2300 = arith.constant 8 : i32
        %add3A_2301 = arith.addi %add3A_1290, %add3A_2300 : i32
        %dma_start3A_2302 = arith.constant 4 : i32
        %dma_start3A_2303 = arith.constant 0 : i32
        %dma_start3A_2304 = tpu.memref_slice %arg6[%dma_start3A_2302, %dma_start3A_2303] : memref<8x208xi32, #tpu.memory_space<vmem>> -> memref<1x208xi32, #tpu.memory_space<vmem>>
        %dma_start3A_2305 = tpu.memref_squeeze %dma_start3A_2304 : memref<1x208xi32, #tpu.memory_space<vmem>> -> memref<208xi32, #tpu.memory_space<vmem>>
        %dma_start3A_2306 = arith.constant 0 : i32
        %dma_start3A_2307 = tpu.memref_slice %dma_start3A_2305[%dma_start3A_2306] : memref<208xi32, #tpu.memory_space<vmem>> -> memref<104xi32, #tpu.memory_space<vmem>>
        %dma_start3A_2308 = arith.constant 0 : i32
        %dma_start3A_2309 = tpu.memref_slice %arg5[%add3A_2301, %dma_start3A_2308] : memref<128x200xi32, #tpu.memory_space<vmem>> -> memref<1x200xi32, #tpu.memory_space<vmem>>
        %dma_start3A_2310 = tpu.memref_squeeze %dma_start3A_2309 : memref<1x200xi32, #tpu.memory_space<vmem>> -> memref<200xi32, #tpu.memory_space<vmem>>
        %dma_start3A_2311 = arith.constant 0 : i32
        %dma_start3A_2312 = tpu.memref_slice %dma_start3A_2310[%dma_start3A_2311] : memref<200xi32, #tpu.memory_space<vmem>> -> memref<104xi32, #tpu.memory_space<vmem>>
        %dma_start3A_2313 = arith.constant 0 : i32
        %dma_start3A_2314 = tpu.memref_slice %arg3[%dma_start3A_2313] : memref<1000000xi32, #tpu.memory_space<hbm>> -> memref<1000000xi32, #tpu.memory_space<hbm>>
        tpu.enqueue_indirect_dma source(%dma_start3A_2314 : memref<1000000xi32, #tpu.memory_space<hbm>>) target(%dma_start3A_2307 : memref<104xi32, #tpu.memory_space<vmem>>) offsets(%dma_start3A_2312 : memref<104xi32, #tpu.memory_space<vmem>>) semaphore(%arg12 : memref<!tpu.dma_semaphore, #tpu.memory_space<semaphore_mem>>)
        %dma_start3A_2315 = arith.constant 4 : i32
        %dma_start3A_2316 = arith.constant 0 : i32
        %dma_start3A_2317 = tpu.memref_slice %arg6[%dma_start3A_2315, %dma_start3A_2316] : memref<8x208xi32, #tpu.memory_space<vmem>> -> memref<1x208xi32, #tpu.memory_space<vmem>>
        %dma_start3A_2318 = tpu.memref_squeeze %dma_start3A_2317 : memref<1x208xi32, #tpu.memory_space<vmem>> -> memref<208xi32, #tpu.memory_space<vmem>>
        %dma_start3A_2319 = arith.constant 104 : i32
        %dma_start3A_2320 = tpu.memref_slice %dma_start3A_2318[%dma_start3A_2319] : memref<208xi32, #tpu.memory_space<vmem>> -> memref<96xi32, #tpu.memory_space<vmem>>
        %dma_start3A_2321 = arith.constant 0 : i32
        %dma_start3A_2322 = tpu.memref_slice %arg5[%add3A_2301, %dma_start3A_2321] : memref<128x200xi32, #tpu.memory_space<vmem>> -> memref<1x200xi32, #tpu.memory_space<vmem>>
        %dma_start3A_2323 = tpu.memref_squeeze %dma_start3A_2322 : memref<1x200xi32, #tpu.memory_space<vmem>> -> memref<200xi32, #tpu.memory_space<vmem>>
        %dma_start3A_2324 = arith.constant 104 : i32
        %dma_start3A_2325 = tpu.memref_slice %dma_start3A_2323[%dma_start3A_2324] : memref<200xi32, #tpu.memory_space<vmem>> -> memref<96xi32, #tpu.memory_space<vmem>>
        %dma_start3A_2326 = arith.constant 0 : i32
        %dma_start3A_2327 = tpu.memref_slice %arg3[%dma_start3A_2326] : memref<1000000xi32, #tpu.memory_space<hbm>> -> memref<1000000xi32, #tpu.memory_space<hbm>>
        tpu.enqueue_indirect_dma source(%dma_start3A_2327 : memref<1000000xi32, #tpu.memory_space<hbm>>) target(%dma_start3A_2320 : memref<96xi32, #tpu.memory_space<vmem>>) offsets(%dma_start3A_2325 : memref<96xi32, #tpu.memory_space<vmem>>) semaphore(%arg12 : memref<!tpu.dma_semaphore, #tpu.memory_space<semaphore_mem>>)
      } else {
      }
      %mul3A_1540 = arith.constant 8 : i32
      %mul3A_1541 = arith.muli %mul3A_1540, %scan3A_280 : i32
      %add3A_1542 = arith.constant 5 : i32
      %add3A_1543 = arith.addi %mul3A_1541, %add3A_1542 : i32
      %dma_wait3A_1544 = arith.constant 5 : i32
      %dma_wait3A_1545 = arith.constant 0 : i32
      %dma_wait3A_1546 = tpu.memref_slice %arg6[%dma_wait3A_1544, %dma_wait3A_1545] : memref<8x208xi32, #tpu.memory_space<vmem>> -> memref<1x208xi32, #tpu.memory_space<vmem>>
      %dma_wait3A_1547 = tpu.memref_squeeze %dma_wait3A_1546 : memref<1x208xi32, #tpu.memory_space<vmem>> -> memref<208xi32, #tpu.memory_space<vmem>>
      %dma_wait3A_1548 = arith.constant 0 : i32
      %dma_wait3A_1549 = tpu.memref_slice %dma_wait3A_1547[%dma_wait3A_1548] : memref<208xi32, #tpu.memory_space<vmem>> -> memref<104xi32, #tpu.memory_space<vmem>>
      %dma_wait3A_1550 = arith.constant 0 : i32
      %dma_wait3A_1551 = tpu.memref_slice %arg5[%add3A_1543, %dma_wait3A_1550] : memref<128x200xi32, #tpu.memory_space<vmem>> -> memref<1x200xi32, #tpu.memory_space<vmem>>
      %dma_wait3A_1552 = tpu.memref_squeeze %dma_wait3A_1551 : memref<1x200xi32, #tpu.memory_space<vmem>> -> memref<200xi32, #tpu.memory_space<vmem>>
      %dma_wait3A_1553 = arith.constant 0 : i32
      %dma_wait3A_1554 = tpu.memref_slice %dma_wait3A_1552[%dma_wait3A_1553] : memref<200xi32, #tpu.memory_space<vmem>> -> memref<104xi32, #tpu.memory_space<vmem>>
      %dma_wait3A_1555 = arith.constant 0 : i32
      %dma_wait3A_1556 = tpu.memref_slice %arg3[%dma_wait3A_1555] : memref<1000000xi32, #tpu.memory_space<hbm>> -> memref<1000000xi32, #tpu.memory_space<hbm>>
      tpu.wait_indirect_dma semaphore(%arg13 : memref<!tpu.dma_semaphore, #tpu.memory_space<semaphore_mem>>) src(%dma_wait3A_1556 : memref<1000000xi32, #tpu.memory_space<hbm>>) dst(%dma_wait3A_1549 : memref<104xi32, #tpu.memory_space<vmem>>)
      %dma_wait3A_1557 = arith.constant 5 : i32
      %dma_wait3A_1558 = arith.constant 0 : i32
      %dma_wait3A_1559 = tpu.memref_slice %arg6[%dma_wait3A_1557, %dma_wait3A_1558] : memref<8x208xi32, #tpu.memory_space<vmem>> -> memref<1x208xi32, #tpu.memory_space<vmem>>
      %dma_wait3A_1560 = tpu.memref_squeeze %dma_wait3A_1559 : memref<1x208xi32, #tpu.memory_space<vmem>> -> memref<208xi32, #tpu.memory_space<vmem>>
      %dma_wait3A_1561 = arith.constant 104 : i32
      %dma_wait3A_1562 = tpu.memref_slice %dma_wait3A_1560[%dma_wait3A_1561] : memref<208xi32, #tpu.memory_space<vmem>> -> memref<96xi32, #tpu.memory_space<vmem>>
      %dma_wait3A_1563 = arith.constant 0 : i32
      %dma_wait3A_1564 = tpu.memref_slice %arg5[%add3A_1543, %dma_wait3A_1563] : memref<128x200xi32, #tpu.memory_space<vmem>> -> memref<1x200xi32, #tpu.memory_space<vmem>>
      %dma_wait3A_1565 = tpu.memref_squeeze %dma_wait3A_1564 : memref<1x200xi32, #tpu.memory_space<vmem>> -> memref<200xi32, #tpu.memory_space<vmem>>
      %dma_wait3A_1566 = arith.constant 104 : i32
      %dma_wait3A_1567 = tpu.memref_slice %dma_wait3A_1565[%dma_wait3A_1566] : memref<200xi32, #tpu.memory_space<vmem>> -> memref<96xi32, #tpu.memory_space<vmem>>
      %dma_wait3A_1568 = arith.constant 0 : i32
      %dma_wait3A_1569 = tpu.memref_slice %arg3[%dma_wait3A_1568] : memref<1000000xi32, #tpu.memory_space<hbm>> -> memref<1000000xi32, #tpu.memory_space<hbm>>
      tpu.wait_indirect_dma semaphore(%arg13 : memref<!tpu.dma_semaphore, #tpu.memory_space<semaphore_mem>>) src(%dma_wait3A_1569 : memref<1000000xi32, #tpu.memory_space<hbm>>) dst(%dma_wait3A_1562 : memref<96xi32, #tpu.memory_space<vmem>>)
      %get3A_1570 = arith.constant 5 : i32
      %get3A_1571 = arith.index_cast %get3A_1570 : i32 to index
      %get3A_1572 = arith.constant 0 : index
      %get3A_1573 = tpu.vector_load %arg6[%get3A_1571, %get3A_1572] {strides = array<i32>} : memref<8x208xi32, #tpu.memory_space<vmem>>, vector<1x16xi32>,
      %get3A_1574 = vector.shape_cast %get3A_1573 : vector<1x16xi32> to vector<16xi32>
      %shift_left3A_1575 = arith.constant 16 : i32
      %shift_left3A_1576 = vector.broadcast %shift_left3A_1575 : i32 to vector<16xi32>
      %shift_left3A_1577 = arith.shli %get3A_1574, %shift_left3A_1576 : vector<16xi32>
      %shift_right_arithmetic3A_1578 = arith.constant 16 : i32
      %shift_right_arithmetic3A_1579 = vector.broadcast %shift_right_arithmetic3A_1578 : i32 to vector<16xi32>
      %shift_right_arithmetic3A_1580 = arith.shrsi %shift_left3A_1577, %shift_right_arithmetic3A_1579 : vector<16xi32>
      %add3A_1581 = arith.addi %broadcast_in_dim3A_3, %shift_right_arithmetic3A_1580 : vector<16xi32>
      %shift_right_arithmetic3A_1582 = arith.constant 16 : i32
      %shift_right_arithmetic3A_1583 = vector.broadcast %shift_right_arithmetic3A_1582 : i32 to vector<16xi32>
      %shift_right_arithmetic3A_1584 = arith.shrsi %get3A_1574, %shift_right_arithmetic3A_1583 : vector<16xi32>
      %add3A_1585 = arith.addi %broadcast_in_dim3A_3, %shift_right_arithmetic3A_1584 : vector<16xi32>
      %get3A_1586 = arith.constant 5 : i32
      %get3A_1587 = arith.index_cast %get3A_1586 : i32 to index
      %get3A_1588 = arith.constant 16 : index
      %get3A_1589 = tpu.vector_load %arg6[%get3A_1587, %get3A_1588] {strides = array<i32>} : memref<8x208xi32, #tpu.memory_space<vmem>>, vector<1x16xi32>,
      %get3A_1590 = vector.shape_cast %get3A_1589 : vector<1x16xi32> to vector<16xi32>
      %shift_left3A_1591 = arith.constant 16 : i32
      %shift_left3A_1592 = vector.broadcast %shift_left3A_1591 : i32 to vector<16xi32>
      %shift_left3A_1593 = arith.shli %get3A_1590, %shift_left3A_1592 : vector<16xi32>
      %shift_right_arithmetic3A_1594 = arith.constant 16 : i32
      %shift_right_arithmetic3A_1595 = vector.broadcast %shift_right_arithmetic3A_1594 : i32 to vector<16xi32>
      %shift_right_arithmetic3A_1596 = arith.shrsi %shift_left3A_1593, %shift_right_arithmetic3A_1595 : vector<16xi32>
      %add3A_1597 = arith.addi %add3A_1581, %shift_right_arithmetic3A_1596 : vector<16xi32>
      %shift_right_arithmetic3A_1598 = arith.constant 16 : i32
      %shift_right_arithmetic3A_1599 = vector.broadcast %shift_right_arithmetic3A_1598 : i32 to vector<16xi32>
      %shift_right_arithmetic3A_1600 = arith.shrsi %get3A_1590, %shift_right_arithmetic3A_1599 : vector<16xi32>
      %add3A_1601 = arith.addi %add3A_1585, %shift_right_arithmetic3A_1600 : vector<16xi32>
      %get3A_1602 = arith.constant 5 : i32
      %get3A_1603 = arith.index_cast %get3A_1602 : i32 to index
      %get3A_1604 = arith.constant 32 : index
      %get3A_1605 = tpu.vector_load %arg6[%get3A_1603, %get3A_1604] {strides = array<i32>} : memref<8x208xi32, #tpu.memory_space<vmem>>, vector<1x16xi32>,
      %get3A_1606 = vector.shape_cast %get3A_1605 : vector<1x16xi32> to vector<16xi32>
      %shift_left3A_1607 = arith.constant 16 : i32
      %shift_left3A_1608 = vector.broadcast %shift_left3A_1607 : i32 to vector<16xi32>
      %shift_left3A_1609 = arith.shli %get3A_1606, %shift_left3A_1608 : vector<16xi32>
      %shift_right_arithmetic3A_1610 = arith.constant 16 : i32
      %shift_right_arithmetic3A_1611 = vector.broadcast %shift_right_arithmetic3A_1610 : i32 to vector<16xi32>
      %shift_right_arithmetic3A_1612 = arith.shrsi %shift_left3A_1609, %shift_right_arithmetic3A_1611 : vector<16xi32>
      %add3A_1613 = arith.addi %add3A_1597, %shift_right_arithmetic3A_1612 : vector<16xi32>
      %shift_right_arithmetic3A_1614 = arith.constant 16 : i32
      %shift_right_arithmetic3A_1615 = vector.broadcast %shift_right_arithmetic3A_1614 : i32 to vector<16xi32>
      %shift_right_arithmetic3A_1616 = arith.shrsi %get3A_1606, %shift_right_arithmetic3A_1615 : vector<16xi32>
      %add3A_1617 = arith.addi %add3A_1601, %shift_right_arithmetic3A_1616 : vector<16xi32>
      %get3A_1618 = arith.constant 5 : i32
      %get3A_1619 = arith.index_cast %get3A_1618 : i32 to index
      %get3A_1620 = arith.constant 48 : index
      %get3A_1621 = tpu.vector_load %arg6[%get3A_1619, %get3A_1620] {strides = array<i32>} : memref<8x208xi32, #tpu.memory_space<vmem>>, vector<1x16xi32>,
      %get3A_1622 = vector.shape_cast %get3A_1621 : vector<1x16xi32> to vector<16xi32>
      %shift_left3A_1623 = arith.constant 16 : i32
      %shift_left3A_1624 = vector.broadcast %shift_left3A_1623 : i32 to vector<16xi32>
      %shift_left3A_1625 = arith.shli %get3A_1622, %shift_left3A_1624 : vector<16xi32>
      %shift_right_arithmetic3A_1626 = arith.constant 16 : i32
      %shift_right_arithmetic3A_1627 = vector.broadcast %shift_right_arithmetic3A_1626 : i32 to vector<16xi32>
      %shift_right_arithmetic3A_1628 = arith.shrsi %shift_left3A_1625, %shift_right_arithmetic3A_1627 : vector<16xi32>
      %add3A_1629 = arith.addi %add3A_1613, %shift_right_arithmetic3A_1628 : vector<16xi32>
      %shift_right_arithmetic3A_1630 = arith.constant 16 : i32
      %shift_right_arithmetic3A_1631 = vector.broadcast %shift_right_arithmetic3A_1630 : i32 to vector<16xi32>
      %shift_right_arithmetic3A_1632 = arith.shrsi %get3A_1622, %shift_right_arithmetic3A_1631 : vector<16xi32>
      %add3A_1633 = arith.addi %add3A_1617, %shift_right_arithmetic3A_1632 : vector<16xi32>
      %get3A_1634 = arith.constant 5 : i32
      %get3A_1635 = arith.index_cast %get3A_1634 : i32 to index
      %get3A_1636 = arith.constant 64 : index
      %get3A_1637 = tpu.vector_load %arg6[%get3A_1635, %get3A_1636] {strides = array<i32>} : memref<8x208xi32, #tpu.memory_space<vmem>>, vector<1x16xi32>,
      %get3A_1638 = vector.shape_cast %get3A_1637 : vector<1x16xi32> to vector<16xi32>
      %shift_left3A_1639 = arith.constant 16 : i32
      %shift_left3A_1640 = vector.broadcast %shift_left3A_1639 : i32 to vector<16xi32>
      %shift_left3A_1641 = arith.shli %get3A_1638, %shift_left3A_1640 : vector<16xi32>
      %shift_right_arithmetic3A_1642 = arith.constant 16 : i32
      %shift_right_arithmetic3A_1643 = vector.broadcast %shift_right_arithmetic3A_1642 : i32 to vector<16xi32>
      %shift_right_arithmetic3A_1644 = arith.shrsi %shift_left3A_1641, %shift_right_arithmetic3A_1643 : vector<16xi32>
      %add3A_1645 = arith.addi %add3A_1629, %shift_right_arithmetic3A_1644 : vector<16xi32>
      %shift_right_arithmetic3A_1646 = arith.constant 16 : i32
      %shift_right_arithmetic3A_1647 = vector.broadcast %shift_right_arithmetic3A_1646 : i32 to vector<16xi32>
      %shift_right_arithmetic3A_1648 = arith.shrsi %get3A_1638, %shift_right_arithmetic3A_1647 : vector<16xi32>
      %add3A_1649 = arith.addi %add3A_1633, %shift_right_arithmetic3A_1648 : vector<16xi32>
      %get3A_1650 = arith.constant 5 : i32
      %get3A_1651 = arith.index_cast %get3A_1650 : i32 to index
      %get3A_1652 = arith.constant 80 : index
      %get3A_1653 = tpu.vector_load %arg6[%get3A_1651, %get3A_1652] {strides = array<i32>} : memref<8x208xi32, #tpu.memory_space<vmem>>, vector<1x16xi32>,
      %get3A_1654 = vector.shape_cast %get3A_1653 : vector<1x16xi32> to vector<16xi32>
      %shift_left3A_1655 = arith.constant 16 : i32
      %shift_left3A_1656 = vector.broadcast %shift_left3A_1655 : i32 to vector<16xi32>
      %shift_left3A_1657 = arith.shli %get3A_1654, %shift_left3A_1656 : vector<16xi32>
      %shift_right_arithmetic3A_1658 = arith.constant 16 : i32
      %shift_right_arithmetic3A_1659 = vector.broadcast %shift_right_arithmetic3A_1658 : i32 to vector<16xi32>
      %shift_right_arithmetic3A_1660 = arith.shrsi %shift_left3A_1657, %shift_right_arithmetic3A_1659 : vector<16xi32>
      %add3A_1661 = arith.addi %add3A_1645, %shift_right_arithmetic3A_1660 : vector<16xi32>
      %shift_right_arithmetic3A_1662 = arith.constant 16 : i32
      %shift_right_arithmetic3A_1663 = vector.broadcast %shift_right_arithmetic3A_1662 : i32 to vector<16xi32>
      %shift_right_arithmetic3A_1664 = arith.shrsi %get3A_1654, %shift_right_arithmetic3A_1663 : vector<16xi32>
      %add3A_1665 = arith.addi %add3A_1649, %shift_right_arithmetic3A_1664 : vector<16xi32>
      %get3A_1666 = arith.constant 5 : i32
      %get3A_1667 = arith.index_cast %get3A_1666 : i32 to index
      %get3A_1668 = arith.constant 96 : index
      %get3A_1669 = tpu.vector_load %arg6[%get3A_1667, %get3A_1668] {strides = array<i32>} : memref<8x208xi32, #tpu.memory_space<vmem>>, vector<1x16xi32>,
      %get3A_1670 = vector.shape_cast %get3A_1669 : vector<1x16xi32> to vector<16xi32>
      %shift_left3A_1671 = arith.constant 16 : i32
      %shift_left3A_1672 = vector.broadcast %shift_left3A_1671 : i32 to vector<16xi32>
      %shift_left3A_1673 = arith.shli %get3A_1670, %shift_left3A_1672 : vector<16xi32>
      %shift_right_arithmetic3A_1674 = arith.constant 16 : i32
      %shift_right_arithmetic3A_1675 = vector.broadcast %shift_right_arithmetic3A_1674 : i32 to vector<16xi32>
      %shift_right_arithmetic3A_1676 = arith.shrsi %shift_left3A_1673, %shift_right_arithmetic3A_1675 : vector<16xi32>
      %add3A_1677 = arith.addi %add3A_1661, %shift_right_arithmetic3A_1676 : vector<16xi32>
      %shift_right_arithmetic3A_1678 = arith.constant 16 : i32
      %shift_right_arithmetic3A_1679 = vector.broadcast %shift_right_arithmetic3A_1678 : i32 to vector<16xi32>
      %shift_right_arithmetic3A_1680 = arith.shrsi %get3A_1670, %shift_right_arithmetic3A_1679 : vector<16xi32>
      %add3A_1681 = arith.addi %add3A_1665, %shift_right_arithmetic3A_1680 : vector<16xi32>
      %get3A_1682 = arith.constant 5 : i32
      %get3A_1683 = arith.index_cast %get3A_1682 : i32 to index
      %get3A_1684 = arith.constant 112 : index
      %get3A_1685 = tpu.vector_load %arg6[%get3A_1683, %get3A_1684] {strides = array<i32>} : memref<8x208xi32, #tpu.memory_space<vmem>>, vector<1x16xi32>,
      %get3A_1686 = vector.shape_cast %get3A_1685 : vector<1x16xi32> to vector<16xi32>
      %shift_left3A_1687 = arith.constant 16 : i32
      %shift_left3A_1688 = vector.broadcast %shift_left3A_1687 : i32 to vector<16xi32>
      %shift_left3A_1689 = arith.shli %get3A_1686, %shift_left3A_1688 : vector<16xi32>
      %shift_right_arithmetic3A_1690 = arith.constant 16 : i32
      %shift_right_arithmetic3A_1691 = vector.broadcast %shift_right_arithmetic3A_1690 : i32 to vector<16xi32>
      %shift_right_arithmetic3A_1692 = arith.shrsi %shift_left3A_1689, %shift_right_arithmetic3A_1691 : vector<16xi32>
      %add3A_1693 = arith.addi %add3A_1677, %shift_right_arithmetic3A_1692 : vector<16xi32>
      %shift_right_arithmetic3A_1694 = arith.constant 16 : i32
      %shift_right_arithmetic3A_1695 = vector.broadcast %shift_right_arithmetic3A_1694 : i32 to vector<16xi32>
      %shift_right_arithmetic3A_1696 = arith.shrsi %get3A_1686, %shift_right_arithmetic3A_1695 : vector<16xi32>
      %add3A_1697 = arith.addi %add3A_1681, %shift_right_arithmetic3A_1696 : vector<16xi32>
      %get3A_1698 = arith.constant 5 : i32
      %get3A_1699 = arith.index_cast %get3A_1698 : i32 to index
      %get3A_1700 = arith.constant 128 : index
      %get3A_1701 = tpu.vector_load %arg6[%get3A_1699, %get3A_1700] {strides = array<i32>} : memref<8x208xi32, #tpu.memory_space<vmem>>, vector<1x16xi32>,
      %get3A_1702 = vector.shape_cast %get3A_1701 : vector<1x16xi32> to vector<16xi32>
      %shift_left3A_1703 = arith.constant 16 : i32
      %shift_left3A_1704 = vector.broadcast %shift_left3A_1703 : i32 to vector<16xi32>
      %shift_left3A_1705 = arith.shli %get3A_1702, %shift_left3A_1704 : vector<16xi32>
      %shift_right_arithmetic3A_1706 = arith.constant 16 : i32
      %shift_right_arithmetic3A_1707 = vector.broadcast %shift_right_arithmetic3A_1706 : i32 to vector<16xi32>
      %shift_right_arithmetic3A_1708 = arith.shrsi %shift_left3A_1705, %shift_right_arithmetic3A_1707 : vector<16xi32>
      %add3A_1709 = arith.addi %add3A_1693, %shift_right_arithmetic3A_1708 : vector<16xi32>
      %shift_right_arithmetic3A_1710 = arith.constant 16 : i32
      %shift_right_arithmetic3A_1711 = vector.broadcast %shift_right_arithmetic3A_1710 : i32 to vector<16xi32>
      %shift_right_arithmetic3A_1712 = arith.shrsi %get3A_1702, %shift_right_arithmetic3A_1711 : vector<16xi32>
      %add3A_1713 = arith.addi %add3A_1697, %shift_right_arithmetic3A_1712 : vector<16xi32>
      %get3A_1714 = arith.constant 5 : i32
      %get3A_1715 = arith.index_cast %get3A_1714 : i32 to index
      %get3A_1716 = arith.constant 144 : index
      %get3A_1717 = tpu.vector_load %arg6[%get3A_1715, %get3A_1716] {strides = array<i32>} : memref<8x208xi32, #tpu.memory_space<vmem>>, vector<1x16xi32>,
      %get3A_1718 = vector.shape_cast %get3A_1717 : vector<1x16xi32> to vector<16xi32>
      %shift_left3A_1719 = arith.constant 16 : i32
      %shift_left3A_1720 = vector.broadcast %shift_left3A_1719 : i32 to vector<16xi32>
      %shift_left3A_1721 = arith.shli %get3A_1718, %shift_left3A_1720 : vector<16xi32>
      %shift_right_arithmetic3A_1722 = arith.constant 16 : i32
      %shift_right_arithmetic3A_1723 = vector.broadcast %shift_right_arithmetic3A_1722 : i32 to vector<16xi32>
      %shift_right_arithmetic3A_1724 = arith.shrsi %shift_left3A_1721, %shift_right_arithmetic3A_1723 : vector<16xi32>
      %add3A_1725 = arith.addi %add3A_1709, %shift_right_arithmetic3A_1724 : vector<16xi32>
      %shift_right_arithmetic3A_1726 = arith.constant 16 : i32
      %shift_right_arithmetic3A_1727 = vector.broadcast %shift_right_arithmetic3A_1726 : i32 to vector<16xi32>
      %shift_right_arithmetic3A_1728 = arith.shrsi %get3A_1718, %shift_right_arithmetic3A_1727 : vector<16xi32>
      %add3A_1729 = arith.addi %add3A_1713, %shift_right_arithmetic3A_1728 : vector<16xi32>
      %get3A_1730 = arith.constant 5 : i32
      %get3A_1731 = arith.index_cast %get3A_1730 : i32 to index
      %get3A_1732 = arith.constant 160 : index
      %get3A_1733 = tpu.vector_load %arg6[%get3A_1731, %get3A_1732] {strides = array<i32>} : memref<8x208xi32, #tpu.memory_space<vmem>>, vector<1x16xi32>,
      %get3A_1734 = vector.shape_cast %get3A_1733 : vector<1x16xi32> to vector<16xi32>
      %shift_left3A_1735 = arith.constant 16 : i32
      %shift_left3A_1736 = vector.broadcast %shift_left3A_1735 : i32 to vector<16xi32>
      %shift_left3A_1737 = arith.shli %get3A_1734, %shift_left3A_1736 : vector<16xi32>
      %shift_right_arithmetic3A_1738 = arith.constant 16 : i32
      %shift_right_arithmetic3A_1739 = vector.broadcast %shift_right_arithmetic3A_1738 : i32 to vector<16xi32>
      %shift_right_arithmetic3A_1740 = arith.shrsi %shift_left3A_1737, %shift_right_arithmetic3A_1739 : vector<16xi32>
      %add3A_1741 = arith.addi %add3A_1725, %shift_right_arithmetic3A_1740 : vector<16xi32>
      %shift_right_arithmetic3A_1742 = arith.constant 16 : i32
      %shift_right_arithmetic3A_1743 = vector.broadcast %shift_right_arithmetic3A_1742 : i32 to vector<16xi32>
      %shift_right_arithmetic3A_1744 = arith.shrsi %get3A_1734, %shift_right_arithmetic3A_1743 : vector<16xi32>
      %add3A_1745 = arith.addi %add3A_1729, %shift_right_arithmetic3A_1744 : vector<16xi32>
      %get3A_1746 = arith.constant 5 : i32
      %get3A_1747 = arith.index_cast %get3A_1746 : i32 to index
      %get3A_1748 = arith.constant 176 : index
      %get3A_1749 = tpu.vector_load %arg6[%get3A_1747, %get3A_1748] {strides = array<i32>} : memref<8x208xi32, #tpu.memory_space<vmem>>, vector<1x16xi32>,
      %get3A_1750 = vector.shape_cast %get3A_1749 : vector<1x16xi32> to vector<16xi32>
      %shift_left3A_1751 = arith.constant 16 : i32
      %shift_left3A_1752 = vector.broadcast %shift_left3A_1751 : i32 to vector<16xi32>
      %shift_left3A_1753 = arith.shli %get3A_1750, %shift_left3A_1752 : vector<16xi32>
      %shift_right_arithmetic3A_1754 = arith.constant 16 : i32
      %shift_right_arithmetic3A_1755 = vector.broadcast %shift_right_arithmetic3A_1754 : i32 to vector<16xi32>
      %shift_right_arithmetic3A_1756 = arith.shrsi %shift_left3A_1753, %shift_right_arithmetic3A_1755 : vector<16xi32>
      %add3A_1757 = arith.addi %add3A_1741, %shift_right_arithmetic3A_1756 : vector<16xi32>
      %shift_right_arithmetic3A_1758 = arith.constant 16 : i32
      %shift_right_arithmetic3A_1759 = vector.broadcast %shift_right_arithmetic3A_1758 : i32 to vector<16xi32>
      %shift_right_arithmetic3A_1760 = arith.shrsi %get3A_1750, %shift_right_arithmetic3A_1759 : vector<16xi32>
      %add3A_1761 = arith.addi %add3A_1745, %shift_right_arithmetic3A_1760 : vector<16xi32>
      %get3A_1762 = arith.constant 5 : i32
      %get3A_1763 = arith.index_cast %get3A_1762 : i32 to index
      %get3A_1764 = arith.constant 192 : index
      %get3A_1765 = tpu.vector_load %arg6[%get3A_1763, %get3A_1764] {strides = array<i32>} : memref<8x208xi32, #tpu.memory_space<vmem>>, vector<1x16xi32>,
      %get3A_1766 = vector.shape_cast %get3A_1765 : vector<1x16xi32> to vector<16xi32>
      %shift_left3A_1767 = arith.constant 16 : i32
      %shift_left3A_1768 = vector.broadcast %shift_left3A_1767 : i32 to vector<16xi32>
      %shift_left3A_1769 = arith.shli %get3A_1766, %shift_left3A_1768 : vector<16xi32>
      %shift_right_arithmetic3A_1770 = arith.constant 16 : i32
      %shift_right_arithmetic3A_1771 = vector.broadcast %shift_right_arithmetic3A_1770 : i32 to vector<16xi32>
      %shift_right_arithmetic3A_1772 = arith.shrsi %shift_left3A_1769, %shift_right_arithmetic3A_1771 : vector<16xi32>
      %add3A_1773 = arith.addi %add3A_1757, %shift_right_arithmetic3A_1772 : vector<16xi32>
      %shift_right_arithmetic3A_1774 = arith.constant 16 : i32
      %shift_right_arithmetic3A_1775 = vector.broadcast %shift_right_arithmetic3A_1774 : i32 to vector<16xi32>
      %shift_right_arithmetic3A_1776 = arith.shrsi %get3A_1766, %shift_right_arithmetic3A_1775 : vector<16xi32>
      %add3A_1777 = arith.addi %add3A_1761, %shift_right_arithmetic3A_1776 : vector<16xi32>
      %swap3A_1778 = arith.index_cast %add3A_1543 : i32 to index
      %swap3A_1779 = arith.constant 0 : index
      %swap3A_1780 = tpu.vector_load %arg7[%swap3A_1778, %swap3A_1779] {strides = array<i32>} : memref<128x32xi32, #tpu.memory_space<vmem>>, vector<1x16xi32>,
      %swap3A_1781 = vector.shape_cast %swap3A_1780 : vector<1x16xi32> to vector<16xi32>
      %swap3A_1782 = vector.shape_cast %add3A_1773 : vector<16xi32> to vector<1x16xi32>
      tpu.vector_store %arg7[%swap3A_1778, %swap3A_1779], %swap3A_1782 {strides = array<i32>} : memref<128x32xi32, #tpu.memory_space<vmem>>, vector<1x16xi32>,
      %swap3A_1783 = arith.index_cast %add3A_1543 : i32 to index
      %swap3A_1784 = arith.constant 16 : index
      %swap3A_1785 = tpu.vector_load %arg7[%swap3A_1783, %swap3A_1784] {strides = array<i32>} : memref<128x32xi32, #tpu.memory_space<vmem>>, vector<1x16xi32>,
      %swap3A_1786 = vector.shape_cast %swap3A_1785 : vector<1x16xi32> to vector<16xi32>
      %swap3A_1787 = vector.shape_cast %add3A_1777 : vector<16xi32> to vector<1x16xi32>
      tpu.vector_store %arg7[%swap3A_1783, %swap3A_1784], %swap3A_1787 {strides = array<i32>} : memref<128x32xi32, #tpu.memory_space<vmem>>, vector<1x16xi32>,
      %lt3A_1788 = arith.constant 15 : i32
      %lt3A_1789 = arith.cmpi slt, %scan3A_280, %lt3A_1788 : i32
      %convert_element_type3A_1790 = arith.extui %lt3A_1789 : i1 to i32
      %cond3A_1791 = arith.constant 0 : i32
      %cond3A_1792 = arith.cmpi ne, %convert_element_type3A_1790, %cond3A_1791 : i32
      scf.if %cond3A_1792 {
        %add3A_2300 = arith.constant 8 : i32
        %add3A_2301 = arith.addi %add3A_1543, %add3A_2300 : i32
        %dma_start3A_2302 = arith.constant 5 : i32
        %dma_start3A_2303 = arith.constant 0 : i32
        %dma_start3A_2304 = tpu.memref_slice %arg6[%dma_start3A_2302, %dma_start3A_2303] : memref<8x208xi32, #tpu.memory_space<vmem>> -> memref<1x208xi32, #tpu.memory_space<vmem>>
        %dma_start3A_2305 = tpu.memref_squeeze %dma_start3A_2304 : memref<1x208xi32, #tpu.memory_space<vmem>> -> memref<208xi32, #tpu.memory_space<vmem>>
        %dma_start3A_2306 = arith.constant 0 : i32
        %dma_start3A_2307 = tpu.memref_slice %dma_start3A_2305[%dma_start3A_2306] : memref<208xi32, #tpu.memory_space<vmem>> -> memref<104xi32, #tpu.memory_space<vmem>>
        %dma_start3A_2308 = arith.constant 0 : i32
        %dma_start3A_2309 = tpu.memref_slice %arg5[%add3A_2301, %dma_start3A_2308] : memref<128x200xi32, #tpu.memory_space<vmem>> -> memref<1x200xi32, #tpu.memory_space<vmem>>
        %dma_start3A_2310 = tpu.memref_squeeze %dma_start3A_2309 : memref<1x200xi32, #tpu.memory_space<vmem>> -> memref<200xi32, #tpu.memory_space<vmem>>
        %dma_start3A_2311 = arith.constant 0 : i32
        %dma_start3A_2312 = tpu.memref_slice %dma_start3A_2310[%dma_start3A_2311] : memref<200xi32, #tpu.memory_space<vmem>> -> memref<104xi32, #tpu.memory_space<vmem>>
        %dma_start3A_2313 = arith.constant 0 : i32
        %dma_start3A_2314 = tpu.memref_slice %arg3[%dma_start3A_2313] : memref<1000000xi32, #tpu.memory_space<hbm>> -> memref<1000000xi32, #tpu.memory_space<hbm>>
        tpu.enqueue_indirect_dma source(%dma_start3A_2314 : memref<1000000xi32, #tpu.memory_space<hbm>>) target(%dma_start3A_2307 : memref<104xi32, #tpu.memory_space<vmem>>) offsets(%dma_start3A_2312 : memref<104xi32, #tpu.memory_space<vmem>>) semaphore(%arg13 : memref<!tpu.dma_semaphore, #tpu.memory_space<semaphore_mem>>)
        %dma_start3A_2315 = arith.constant 5 : i32
        %dma_start3A_2316 = arith.constant 0 : i32
        %dma_start3A_2317 = tpu.memref_slice %arg6[%dma_start3A_2315, %dma_start3A_2316] : memref<8x208xi32, #tpu.memory_space<vmem>> -> memref<1x208xi32, #tpu.memory_space<vmem>>
        %dma_start3A_2318 = tpu.memref_squeeze %dma_start3A_2317 : memref<1x208xi32, #tpu.memory_space<vmem>> -> memref<208xi32, #tpu.memory_space<vmem>>
        %dma_start3A_2319 = arith.constant 104 : i32
        %dma_start3A_2320 = tpu.memref_slice %dma_start3A_2318[%dma_start3A_2319] : memref<208xi32, #tpu.memory_space<vmem>> -> memref<96xi32, #tpu.memory_space<vmem>>
        %dma_start3A_2321 = arith.constant 0 : i32
        %dma_start3A_2322 = tpu.memref_slice %arg5[%add3A_2301, %dma_start3A_2321] : memref<128x200xi32, #tpu.memory_space<vmem>> -> memref<1x200xi32, #tpu.memory_space<vmem>>
        %dma_start3A_2323 = tpu.memref_squeeze %dma_start3A_2322 : memref<1x200xi32, #tpu.memory_space<vmem>> -> memref<200xi32, #tpu.memory_space<vmem>>
        %dma_start3A_2324 = arith.constant 104 : i32
        %dma_start3A_2325 = tpu.memref_slice %dma_start3A_2323[%dma_start3A_2324] : memref<200xi32, #tpu.memory_space<vmem>> -> memref<96xi32, #tpu.memory_space<vmem>>
        %dma_start3A_2326 = arith.constant 0 : i32
        %dma_start3A_2327 = tpu.memref_slice %arg3[%dma_start3A_2326] : memref<1000000xi32, #tpu.memory_space<hbm>> -> memref<1000000xi32, #tpu.memory_space<hbm>>
        tpu.enqueue_indirect_dma source(%dma_start3A_2327 : memref<1000000xi32, #tpu.memory_space<hbm>>) target(%dma_start3A_2320 : memref<96xi32, #tpu.memory_space<vmem>>) offsets(%dma_start3A_2325 : memref<96xi32, #tpu.memory_space<vmem>>) semaphore(%arg13 : memref<!tpu.dma_semaphore, #tpu.memory_space<semaphore_mem>>)
      } else {
      }
      %mul3A_1793 = arith.constant 8 : i32
      %mul3A_1794 = arith.muli %mul3A_1793, %scan3A_280 : i32
      %add3A_1795 = arith.constant 6 : i32
      %add3A_1796 = arith.addi %mul3A_1794, %add3A_1795 : i32
      %dma_wait3A_1797 = arith.constant 6 : i32
      %dma_wait3A_1798 = arith.constant 0 : i32
      %dma_wait3A_1799 = tpu.memref_slice %arg6[%dma_wait3A_1797, %dma_wait3A_1798] : memref<8x208xi32, #tpu.memory_space<vmem>> -> memref<1x208xi32, #tpu.memory_space<vmem>>
      %dma_wait3A_1800 = tpu.memref_squeeze %dma_wait3A_1799 : memref<1x208xi32, #tpu.memory_space<vmem>> -> memref<208xi32, #tpu.memory_space<vmem>>
      %dma_wait3A_1801 = arith.constant 0 : i32
      %dma_wait3A_1802 = tpu.memref_slice %dma_wait3A_1800[%dma_wait3A_1801] : memref<208xi32, #tpu.memory_space<vmem>> -> memref<104xi32, #tpu.memory_space<vmem>>
      %dma_wait3A_1803 = arith.constant 0 : i32
      %dma_wait3A_1804 = tpu.memref_slice %arg5[%add3A_1796, %dma_wait3A_1803] : memref<128x200xi32, #tpu.memory_space<vmem>> -> memref<1x200xi32, #tpu.memory_space<vmem>>
      %dma_wait3A_1805 = tpu.memref_squeeze %dma_wait3A_1804 : memref<1x200xi32, #tpu.memory_space<vmem>> -> memref<200xi32, #tpu.memory_space<vmem>>
      %dma_wait3A_1806 = arith.constant 0 : i32
      %dma_wait3A_1807 = tpu.memref_slice %dma_wait3A_1805[%dma_wait3A_1806] : memref<200xi32, #tpu.memory_space<vmem>> -> memref<104xi32, #tpu.memory_space<vmem>>
      %dma_wait3A_1808 = arith.constant 0 : i32
      %dma_wait3A_1809 = tpu.memref_slice %arg3[%dma_wait3A_1808] : memref<1000000xi32, #tpu.memory_space<hbm>> -> memref<1000000xi32, #tpu.memory_space<hbm>>
      tpu.wait_indirect_dma semaphore(%arg14 : memref<!tpu.dma_semaphore, #tpu.memory_space<semaphore_mem>>) src(%dma_wait3A_1809 : memref<1000000xi32, #tpu.memory_space<hbm>>) dst(%dma_wait3A_1802 : memref<104xi32, #tpu.memory_space<vmem>>)
      %dma_wait3A_1810 = arith.constant 6 : i32
      %dma_wait3A_1811 = arith.constant 0 : i32
      %dma_wait3A_1812 = tpu.memref_slice %arg6[%dma_wait3A_1810, %dma_wait3A_1811] : memref<8x208xi32, #tpu.memory_space<vmem>> -> memref<1x208xi32, #tpu.memory_space<vmem>>
      %dma_wait3A_1813 = tpu.memref_squeeze %dma_wait3A_1812 : memref<1x208xi32, #tpu.memory_space<vmem>> -> memref<208xi32, #tpu.memory_space<vmem>>
      %dma_wait3A_1814 = arith.constant 104 : i32
      %dma_wait3A_1815 = tpu.memref_slice %dma_wait3A_1813[%dma_wait3A_1814] : memref<208xi32, #tpu.memory_space<vmem>> -> memref<96xi32, #tpu.memory_space<vmem>>
      %dma_wait3A_1816 = arith.constant 0 : i32
      %dma_wait3A_1817 = tpu.memref_slice %arg5[%add3A_1796, %dma_wait3A_1816] : memref<128x200xi32, #tpu.memory_space<vmem>> -> memref<1x200xi32, #tpu.memory_space<vmem>>
      %dma_wait3A_1818 = tpu.memref_squeeze %dma_wait3A_1817 : memref<1x200xi32, #tpu.memory_space<vmem>> -> memref<200xi32, #tpu.memory_space<vmem>>
      %dma_wait3A_1819 = arith.constant 104 : i32
      %dma_wait3A_1820 = tpu.memref_slice %dma_wait3A_1818[%dma_wait3A_1819] : memref<200xi32, #tpu.memory_space<vmem>> -> memref<96xi32, #tpu.memory_space<vmem>>
      %dma_wait3A_1821 = arith.constant 0 : i32
      %dma_wait3A_1822 = tpu.memref_slice %arg3[%dma_wait3A_1821] : memref<1000000xi32, #tpu.memory_space<hbm>> -> memref<1000000xi32, #tpu.memory_space<hbm>>
      tpu.wait_indirect_dma semaphore(%arg14 : memref<!tpu.dma_semaphore, #tpu.memory_space<semaphore_mem>>) src(%dma_wait3A_1822 : memref<1000000xi32, #tpu.memory_space<hbm>>) dst(%dma_wait3A_1815 : memref<96xi32, #tpu.memory_space<vmem>>)
      %get3A_1823 = arith.constant 6 : i32
      %get3A_1824 = arith.index_cast %get3A_1823 : i32 to index
      %get3A_1825 = arith.constant 0 : index
      %get3A_1826 = tpu.vector_load %arg6[%get3A_1824, %get3A_1825] {strides = array<i32>} : memref<8x208xi32, #tpu.memory_space<vmem>>, vector<1x16xi32>,
      %get3A_1827 = vector.shape_cast %get3A_1826 : vector<1x16xi32> to vector<16xi32>
      %shift_left3A_1828 = arith.constant 16 : i32
      %shift_left3A_1829 = vector.broadcast %shift_left3A_1828 : i32 to vector<16xi32>
      %shift_left3A_1830 = arith.shli %get3A_1827, %shift_left3A_1829 : vector<16xi32>
      %shift_right_arithmetic3A_1831 = arith.constant 16 : i32
      %shift_right_arithmetic3A_1832 = vector.broadcast %shift_right_arithmetic3A_1831 : i32 to vector<16xi32>
      %shift_right_arithmetic3A_1833 = arith.shrsi %shift_left3A_1830, %shift_right_arithmetic3A_1832 : vector<16xi32>
      %add3A_1834 = arith.addi %broadcast_in_dim3A_3, %shift_right_arithmetic3A_1833 : vector<16xi32>
      %shift_right_arithmetic3A_1835 = arith.constant 16 : i32
      %shift_right_arithmetic3A_1836 = vector.broadcast %shift_right_arithmetic3A_1835 : i32 to vector<16xi32>
      %shift_right_arithmetic3A_1837 = arith.shrsi %get3A_1827, %shift_right_arithmetic3A_1836 : vector<16xi32>
      %add3A_1838 = arith.addi %broadcast_in_dim3A_3, %shift_right_arithmetic3A_1837 : vector<16xi32>
      %get3A_1839 = arith.constant 6 : i32
      %get3A_1840 = arith.index_cast %get3A_1839 : i32 to index
      %get3A_1841 = arith.constant 16 : index
      %get3A_1842 = tpu.vector_load %arg6[%get3A_1840, %get3A_1841] {strides = array<i32>} : memref<8x208xi32, #tpu.memory_space<vmem>>, vector<1x16xi32>,
      %get3A_1843 = vector.shape_cast %get3A_1842 : vector<1x16xi32> to vector<16xi32>
      %shift_left3A_1844 = arith.constant 16 : i32
      %shift_left3A_1845 = vector.broadcast %shift_left3A_1844 : i32 to vector<16xi32>
      %shift_left3A_1846 = arith.shli %get3A_1843, %shift_left3A_1845 : vector<16xi32>
      %shift_right_arithmetic3A_1847 = arith.constant 16 : i32
      %shift_right_arithmetic3A_1848 = vector.broadcast %shift_right_arithmetic3A_1847 : i32 to vector<16xi32>
      %shift_right_arithmetic3A_1849 = arith.shrsi %shift_left3A_1846, %shift_right_arithmetic3A_1848 : vector<16xi32>
      %add3A_1850 = arith.addi %add3A_1834, %shift_right_arithmetic3A_1849 : vector<16xi32>
      %shift_right_arithmetic3A_1851 = arith.constant 16 : i32
      %shift_right_arithmetic3A_1852 = vector.broadcast %shift_right_arithmetic3A_1851 : i32 to vector<16xi32>
      %shift_right_arithmetic3A_1853 = arith.shrsi %get3A_1843, %shift_right_arithmetic3A_1852 : vector<16xi32>
      %add3A_1854 = arith.addi %add3A_1838, %shift_right_arithmetic3A_1853 : vector<16xi32>
      %get3A_1855 = arith.constant 6 : i32
      %get3A_1856 = arith.index_cast %get3A_1855 : i32 to index
      %get3A_1857 = arith.constant 32 : index
      %get3A_1858 = tpu.vector_load %arg6[%get3A_1856, %get3A_1857] {strides = array<i32>} : memref<8x208xi32, #tpu.memory_space<vmem>>, vector<1x16xi32>,
      %get3A_1859 = vector.shape_cast %get3A_1858 : vector<1x16xi32> to vector<16xi32>
      %shift_left3A_1860 = arith.constant 16 : i32
      %shift_left3A_1861 = vector.broadcast %shift_left3A_1860 : i32 to vector<16xi32>
      %shift_left3A_1862 = arith.shli %get3A_1859, %shift_left3A_1861 : vector<16xi32>
      %shift_right_arithmetic3A_1863 = arith.constant 16 : i32
      %shift_right_arithmetic3A_1864 = vector.broadcast %shift_right_arithmetic3A_1863 : i32 to vector<16xi32>
      %shift_right_arithmetic3A_1865 = arith.shrsi %shift_left3A_1862, %shift_right_arithmetic3A_1864 : vector<16xi32>
      %add3A_1866 = arith.addi %add3A_1850, %shift_right_arithmetic3A_1865 : vector<16xi32>
      %shift_right_arithmetic3A_1867 = arith.constant 16 : i32
      %shift_right_arithmetic3A_1868 = vector.broadcast %shift_right_arithmetic3A_1867 : i32 to vector<16xi32>
      %shift_right_arithmetic3A_1869 = arith.shrsi %get3A_1859, %shift_right_arithmetic3A_1868 : vector<16xi32>
      %add3A_1870 = arith.addi %add3A_1854, %shift_right_arithmetic3A_1869 : vector<16xi32>
      %get3A_1871 = arith.constant 6 : i32
      %get3A_1872 = arith.index_cast %get3A_1871 : i32 to index
      %get3A_1873 = arith.constant 48 : index
      %get3A_1874 = tpu.vector_load %arg6[%get3A_1872, %get3A_1873] {strides = array<i32>} : memref<8x208xi32, #tpu.memory_space<vmem>>, vector<1x16xi32>,
      %get3A_1875 = vector.shape_cast %get3A_1874 : vector<1x16xi32> to vector<16xi32>
      %shift_left3A_1876 = arith.constant 16 : i32
      %shift_left3A_1877 = vector.broadcast %shift_left3A_1876 : i32 to vector<16xi32>
      %shift_left3A_1878 = arith.shli %get3A_1875, %shift_left3A_1877 : vector<16xi32>
      %shift_right_arithmetic3A_1879 = arith.constant 16 : i32
      %shift_right_arithmetic3A_1880 = vector.broadcast %shift_right_arithmetic3A_1879 : i32 to vector<16xi32>
      %shift_right_arithmetic3A_1881 = arith.shrsi %shift_left3A_1878, %shift_right_arithmetic3A_1880 : vector<16xi32>
      %add3A_1882 = arith.addi %add3A_1866, %shift_right_arithmetic3A_1881 : vector<16xi32>
      %shift_right_arithmetic3A_1883 = arith.constant 16 : i32
      %shift_right_arithmetic3A_1884 = vector.broadcast %shift_right_arithmetic3A_1883 : i32 to vector<16xi32>
      %shift_right_arithmetic3A_1885 = arith.shrsi %get3A_1875, %shift_right_arithmetic3A_1884 : vector<16xi32>
      %add3A_1886 = arith.addi %add3A_1870, %shift_right_arithmetic3A_1885 : vector<16xi32>
      %get3A_1887 = arith.constant 6 : i32
      %get3A_1888 = arith.index_cast %get3A_1887 : i32 to index
      %get3A_1889 = arith.constant 64 : index
      %get3A_1890 = tpu.vector_load %arg6[%get3A_1888, %get3A_1889] {strides = array<i32>} : memref<8x208xi32, #tpu.memory_space<vmem>>, vector<1x16xi32>,
      %get3A_1891 = vector.shape_cast %get3A_1890 : vector<1x16xi32> to vector<16xi32>
      %shift_left3A_1892 = arith.constant 16 : i32
      %shift_left3A_1893 = vector.broadcast %shift_left3A_1892 : i32 to vector<16xi32>
      %shift_left3A_1894 = arith.shli %get3A_1891, %shift_left3A_1893 : vector<16xi32>
      %shift_right_arithmetic3A_1895 = arith.constant 16 : i32
      %shift_right_arithmetic3A_1896 = vector.broadcast %shift_right_arithmetic3A_1895 : i32 to vector<16xi32>
      %shift_right_arithmetic3A_1897 = arith.shrsi %shift_left3A_1894, %shift_right_arithmetic3A_1896 : vector<16xi32>
      %add3A_1898 = arith.addi %add3A_1882, %shift_right_arithmetic3A_1897 : vector<16xi32>
      %shift_right_arithmetic3A_1899 = arith.constant 16 : i32
      %shift_right_arithmetic3A_1900 = vector.broadcast %shift_right_arithmetic3A_1899 : i32 to vector<16xi32>
      %shift_right_arithmetic3A_1901 = arith.shrsi %get3A_1891, %shift_right_arithmetic3A_1900 : vector<16xi32>
      %add3A_1902 = arith.addi %add3A_1886, %shift_right_arithmetic3A_1901 : vector<16xi32>
      %get3A_1903 = arith.constant 6 : i32
      %get3A_1904 = arith.index_cast %get3A_1903 : i32 to index
      %get3A_1905 = arith.constant 80 : index
      %get3A_1906 = tpu.vector_load %arg6[%get3A_1904, %get3A_1905] {strides = array<i32>} : memref<8x208xi32, #tpu.memory_space<vmem>>, vector<1x16xi32>,
      %get3A_1907 = vector.shape_cast %get3A_1906 : vector<1x16xi32> to vector<16xi32>
      %shift_left3A_1908 = arith.constant 16 : i32
      %shift_left3A_1909 = vector.broadcast %shift_left3A_1908 : i32 to vector<16xi32>
      %shift_left3A_1910 = arith.shli %get3A_1907, %shift_left3A_1909 : vector<16xi32>
      %shift_right_arithmetic3A_1911 = arith.constant 16 : i32
      %shift_right_arithmetic3A_1912 = vector.broadcast %shift_right_arithmetic3A_1911 : i32 to vector<16xi32>
      %shift_right_arithmetic3A_1913 = arith.shrsi %shift_left3A_1910, %shift_right_arithmetic3A_1912 : vector<16xi32>
      %add3A_1914 = arith.addi %add3A_1898, %shift_right_arithmetic3A_1913 : vector<16xi32>
      %shift_right_arithmetic3A_1915 = arith.constant 16 : i32
      %shift_right_arithmetic3A_1916 = vector.broadcast %shift_right_arithmetic3A_1915 : i32 to vector<16xi32>
      %shift_right_arithmetic3A_1917 = arith.shrsi %get3A_1907, %shift_right_arithmetic3A_1916 : vector<16xi32>
      %add3A_1918 = arith.addi %add3A_1902, %shift_right_arithmetic3A_1917 : vector<16xi32>
      %get3A_1919 = arith.constant 6 : i32
      %get3A_1920 = arith.index_cast %get3A_1919 : i32 to index
      %get3A_1921 = arith.constant 96 : index
      %get3A_1922 = tpu.vector_load %arg6[%get3A_1920, %get3A_1921] {strides = array<i32>} : memref<8x208xi32, #tpu.memory_space<vmem>>, vector<1x16xi32>,
      %get3A_1923 = vector.shape_cast %get3A_1922 : vector<1x16xi32> to vector<16xi32>
      %shift_left3A_1924 = arith.constant 16 : i32
      %shift_left3A_1925 = vector.broadcast %shift_left3A_1924 : i32 to vector<16xi32>
      %shift_left3A_1926 = arith.shli %get3A_1923, %shift_left3A_1925 : vector<16xi32>
      %shift_right_arithmetic3A_1927 = arith.constant 16 : i32
      %shift_right_arithmetic3A_1928 = vector.broadcast %shift_right_arithmetic3A_1927 : i32 to vector<16xi32>
      %shift_right_arithmetic3A_1929 = arith.shrsi %shift_left3A_1926, %shift_right_arithmetic3A_1928 : vector<16xi32>
      %add3A_1930 = arith.addi %add3A_1914, %shift_right_arithmetic3A_1929 : vector<16xi32>
      %shift_right_arithmetic3A_1931 = arith.constant 16 : i32
      %shift_right_arithmetic3A_1932 = vector.broadcast %shift_right_arithmetic3A_1931 : i32 to vector<16xi32>
      %shift_right_arithmetic3A_1933 = arith.shrsi %get3A_1923, %shift_right_arithmetic3A_1932 : vector<16xi32>
      %add3A_1934 = arith.addi %add3A_1918, %shift_right_arithmetic3A_1933 : vector<16xi32>
      %get3A_1935 = arith.constant 6 : i32
      %get3A_1936 = arith.index_cast %get3A_1935 : i32 to index
      %get3A_1937 = arith.constant 112 : index
      %get3A_1938 = tpu.vector_load %arg6[%get3A_1936, %get3A_1937] {strides = array<i32>} : memref<8x208xi32, #tpu.memory_space<vmem>>, vector<1x16xi32>,
      %get3A_1939 = vector.shape_cast %get3A_1938 : vector<1x16xi32> to vector<16xi32>
      %shift_left3A_1940 = arith.constant 16 : i32
      %shift_left3A_1941 = vector.broadcast %shift_left3A_1940 : i32 to vector<16xi32>
      %shift_left3A_1942 = arith.shli %get3A_1939, %shift_left3A_1941 : vector<16xi32>
      %shift_right_arithmetic3A_1943 = arith.constant 16 : i32
      %shift_right_arithmetic3A_1944 = vector.broadcast %shift_right_arithmetic3A_1943 : i32 to vector<16xi32>
      %shift_right_arithmetic3A_1945 = arith.shrsi %shift_left3A_1942, %shift_right_arithmetic3A_1944 : vector<16xi32>
      %add3A_1946 = arith.addi %add3A_1930, %shift_right_arithmetic3A_1945 : vector<16xi32>
      %shift_right_arithmetic3A_1947 = arith.constant 16 : i32
      %shift_right_arithmetic3A_1948 = vector.broadcast %shift_right_arithmetic3A_1947 : i32 to vector<16xi32>
      %shift_right_arithmetic3A_1949 = arith.shrsi %get3A_1939, %shift_right_arithmetic3A_1948 : vector<16xi32>
      %add3A_1950 = arith.addi %add3A_1934, %shift_right_arithmetic3A_1949 : vector<16xi32>
      %get3A_1951 = arith.constant 6 : i32
      %get3A_1952 = arith.index_cast %get3A_1951 : i32 to index
      %get3A_1953 = arith.constant 128 : index
      %get3A_1954 = tpu.vector_load %arg6[%get3A_1952, %get3A_1953] {strides = array<i32>} : memref<8x208xi32, #tpu.memory_space<vmem>>, vector<1x16xi32>,
      %get3A_1955 = vector.shape_cast %get3A_1954 : vector<1x16xi32> to vector<16xi32>
      %shift_left3A_1956 = arith.constant 16 : i32
      %shift_left3A_1957 = vector.broadcast %shift_left3A_1956 : i32 to vector<16xi32>
      %shift_left3A_1958 = arith.shli %get3A_1955, %shift_left3A_1957 : vector<16xi32>
      %shift_right_arithmetic3A_1959 = arith.constant 16 : i32
      %shift_right_arithmetic3A_1960 = vector.broadcast %shift_right_arithmetic3A_1959 : i32 to vector<16xi32>
      %shift_right_arithmetic3A_1961 = arith.shrsi %shift_left3A_1958, %shift_right_arithmetic3A_1960 : vector<16xi32>
      %add3A_1962 = arith.addi %add3A_1946, %shift_right_arithmetic3A_1961 : vector<16xi32>
      %shift_right_arithmetic3A_1963 = arith.constant 16 : i32
      %shift_right_arithmetic3A_1964 = vector.broadcast %shift_right_arithmetic3A_1963 : i32 to vector<16xi32>
      %shift_right_arithmetic3A_1965 = arith.shrsi %get3A_1955, %shift_right_arithmetic3A_1964 : vector<16xi32>
      %add3A_1966 = arith.addi %add3A_1950, %shift_right_arithmetic3A_1965 : vector<16xi32>
      %get3A_1967 = arith.constant 6 : i32
      %get3A_1968 = arith.index_cast %get3A_1967 : i32 to index
      %get3A_1969 = arith.constant 144 : index
      %get3A_1970 = tpu.vector_load %arg6[%get3A_1968, %get3A_1969] {strides = array<i32>} : memref<8x208xi32, #tpu.memory_space<vmem>>, vector<1x16xi32>,
      %get3A_1971 = vector.shape_cast %get3A_1970 : vector<1x16xi32> to vector<16xi32>
      %shift_left3A_1972 = arith.constant 16 : i32
      %shift_left3A_1973 = vector.broadcast %shift_left3A_1972 : i32 to vector<16xi32>
      %shift_left3A_1974 = arith.shli %get3A_1971, %shift_left3A_1973 : vector<16xi32>
      %shift_right_arithmetic3A_1975 = arith.constant 16 : i32
      %shift_right_arithmetic3A_1976 = vector.broadcast %shift_right_arithmetic3A_1975 : i32 to vector<16xi32>
      %shift_right_arithmetic3A_1977 = arith.shrsi %shift_left3A_1974, %shift_right_arithmetic3A_1976 : vector<16xi32>
      %add3A_1978 = arith.addi %add3A_1962, %shift_right_arithmetic3A_1977 : vector<16xi32>
      %shift_right_arithmetic3A_1979 = arith.constant 16 : i32
      %shift_right_arithmetic3A_1980 = vector.broadcast %shift_right_arithmetic3A_1979 : i32 to vector<16xi32>
      %shift_right_arithmetic3A_1981 = arith.shrsi %get3A_1971, %shift_right_arithmetic3A_1980 : vector<16xi32>
      %add3A_1982 = arith.addi %add3A_1966, %shift_right_arithmetic3A_1981 : vector<16xi32>
      %get3A_1983 = arith.constant 6 : i32
      %get3A_1984 = arith.index_cast %get3A_1983 : i32 to index
      %get3A_1985 = arith.constant 160 : index
      %get3A_1986 = tpu.vector_load %arg6[%get3A_1984, %get3A_1985] {strides = array<i32>} : memref<8x208xi32, #tpu.memory_space<vmem>>, vector<1x16xi32>,
      %get3A_1987 = vector.shape_cast %get3A_1986 : vector<1x16xi32> to vector<16xi32>
      %shift_left3A_1988 = arith.constant 16 : i32
      %shift_left3A_1989 = vector.broadcast %shift_left3A_1988 : i32 to vector<16xi32>
      %shift_left3A_1990 = arith.shli %get3A_1987, %shift_left3A_1989 : vector<16xi32>
      %shift_right_arithmetic3A_1991 = arith.constant 16 : i32
      %shift_right_arithmetic3A_1992 = vector.broadcast %shift_right_arithmetic3A_1991 : i32 to vector<16xi32>
      %shift_right_arithmetic3A_1993 = arith.shrsi %shift_left3A_1990, %shift_right_arithmetic3A_1992 : vector<16xi32>
      %add3A_1994 = arith.addi %add3A_1978, %shift_right_arithmetic3A_1993 : vector<16xi32>
      %shift_right_arithmetic3A_1995 = arith.constant 16 : i32
      %shift_right_arithmetic3A_1996 = vector.broadcast %shift_right_arithmetic3A_1995 : i32 to vector<16xi32>
      %shift_right_arithmetic3A_1997 = arith.shrsi %get3A_1987, %shift_right_arithmetic3A_1996 : vector<16xi32>
      %add3A_1998 = arith.addi %add3A_1982, %shift_right_arithmetic3A_1997 : vector<16xi32>
      %get3A_1999 = arith.constant 6 : i32
      %get3A_2000 = arith.index_cast %get3A_1999 : i32 to index
      %get3A_2001 = arith.constant 176 : index
      %get3A_2002 = tpu.vector_load %arg6[%get3A_2000, %get3A_2001] {strides = array<i32>} : memref<8x208xi32, #tpu.memory_space<vmem>>, vector<1x16xi32>,
      %get3A_2003 = vector.shape_cast %get3A_2002 : vector<1x16xi32> to vector<16xi32>
      %shift_left3A_2004 = arith.constant 16 : i32
      %shift_left3A_2005 = vector.broadcast %shift_left3A_2004 : i32 to vector<16xi32>
      %shift_left3A_2006 = arith.shli %get3A_2003, %shift_left3A_2005 : vector<16xi32>
      %shift_right_arithmetic3A_2007 = arith.constant 16 : i32
      %shift_right_arithmetic3A_2008 = vector.broadcast %shift_right_arithmetic3A_2007 : i32 to vector<16xi32>
      %shift_right_arithmetic3A_2009 = arith.shrsi %shift_left3A_2006, %shift_right_arithmetic3A_2008 : vector<16xi32>
      %add3A_2010 = arith.addi %add3A_1994, %shift_right_arithmetic3A_2009 : vector<16xi32>
      %shift_right_arithmetic3A_2011 = arith.constant 16 : i32
      %shift_right_arithmetic3A_2012 = vector.broadcast %shift_right_arithmetic3A_2011 : i32 to vector<16xi32>
      %shift_right_arithmetic3A_2013 = arith.shrsi %get3A_2003, %shift_right_arithmetic3A_2012 : vector<16xi32>
      %add3A_2014 = arith.addi %add3A_1998, %shift_right_arithmetic3A_2013 : vector<16xi32>
      %get3A_2015 = arith.constant 6 : i32
      %get3A_2016 = arith.index_cast %get3A_2015 : i32 to index
      %get3A_2017 = arith.constant 192 : index
      %get3A_2018 = tpu.vector_load %arg6[%get3A_2016, %get3A_2017] {strides = array<i32>} : memref<8x208xi32, #tpu.memory_space<vmem>>, vector<1x16xi32>,
      %get3A_2019 = vector.shape_cast %get3A_2018 : vector<1x16xi32> to vector<16xi32>
      %shift_left3A_2020 = arith.constant 16 : i32
      %shift_left3A_2021 = vector.broadcast %shift_left3A_2020 : i32 to vector<16xi32>
      %shift_left3A_2022 = arith.shli %get3A_2019, %shift_left3A_2021 : vector<16xi32>
      %shift_right_arithmetic3A_2023 = arith.constant 16 : i32
      %shift_right_arithmetic3A_2024 = vector.broadcast %shift_right_arithmetic3A_2023 : i32 to vector<16xi32>
      %shift_right_arithmetic3A_2025 = arith.shrsi %shift_left3A_2022, %shift_right_arithmetic3A_2024 : vector<16xi32>
      %add3A_2026 = arith.addi %add3A_2010, %shift_right_arithmetic3A_2025 : vector<16xi32>
      %shift_right_arithmetic3A_2027 = arith.constant 16 : i32
      %shift_right_arithmetic3A_2028 = vector.broadcast %shift_right_arithmetic3A_2027 : i32 to vector<16xi32>
      %shift_right_arithmetic3A_2029 = arith.shrsi %get3A_2019, %shift_right_arithmetic3A_2028 : vector<16xi32>
      %add3A_2030 = arith.addi %add3A_2014, %shift_right_arithmetic3A_2029 : vector<16xi32>
      %swap3A_2031 = arith.index_cast %add3A_1796 : i32 to index
      %swap3A_2032 = arith.constant 0 : index
      %swap3A_2033 = tpu.vector_load %arg7[%swap3A_2031, %swap3A_2032] {strides = array<i32>} : memref<128x32xi32, #tpu.memory_space<vmem>>, vector<1x16xi32>,
      %swap3A_2034 = vector.shape_cast %swap3A_2033 : vector<1x16xi32> to vector<16xi32>
      %swap3A_2035 = vector.shape_cast %add3A_2026 : vector<16xi32> to vector<1x16xi32>
      tpu.vector_store %arg7[%swap3A_2031, %swap3A_2032], %swap3A_2035 {strides = array<i32>} : memref<128x32xi32, #tpu.memory_space<vmem>>, vector<1x16xi32>,
      %swap3A_2036 = arith.index_cast %add3A_1796 : i32 to index
      %swap3A_2037 = arith.constant 16 : index
      %swap3A_2038 = tpu.vector_load %arg7[%swap3A_2036, %swap3A_2037] {strides = array<i32>} : memref<128x32xi32, #tpu.memory_space<vmem>>, vector<1x16xi32>,
      %swap3A_2039 = vector.shape_cast %swap3A_2038 : vector<1x16xi32> to vector<16xi32>
      %swap3A_2040 = vector.shape_cast %add3A_2030 : vector<16xi32> to vector<1x16xi32>
      tpu.vector_store %arg7[%swap3A_2036, %swap3A_2037], %swap3A_2040 {strides = array<i32>} : memref<128x32xi32, #tpu.memory_space<vmem>>, vector<1x16xi32>,
      %lt3A_2041 = arith.constant 15 : i32
      %lt3A_2042 = arith.cmpi slt, %scan3A_280, %lt3A_2041 : i32
      %convert_element_type3A_2043 = arith.extui %lt3A_2042 : i1 to i32
      %cond3A_2044 = arith.constant 0 : i32
      %cond3A_2045 = arith.cmpi ne, %convert_element_type3A_2043, %cond3A_2044 : i32
      scf.if %cond3A_2045 {
        %add3A_2300 = arith.constant 8 : i32
        %add3A_2301 = arith.addi %add3A_1796, %add3A_2300 : i32
        %dma_start3A_2302 = arith.constant 6 : i32
        %dma_start3A_2303 = arith.constant 0 : i32
        %dma_start3A_2304 = tpu.memref_slice %arg6[%dma_start3A_2302, %dma_start3A_2303] : memref<8x208xi32, #tpu.memory_space<vmem>> -> memref<1x208xi32, #tpu.memory_space<vmem>>
        %dma_start3A_2305 = tpu.memref_squeeze %dma_start3A_2304 : memref<1x208xi32, #tpu.memory_space<vmem>> -> memref<208xi32, #tpu.memory_space<vmem>>
        %dma_start3A_2306 = arith.constant 0 : i32
        %dma_start3A_2307 = tpu.memref_slice %dma_start3A_2305[%dma_start3A_2306] : memref<208xi32, #tpu.memory_space<vmem>> -> memref<104xi32, #tpu.memory_space<vmem>>
        %dma_start3A_2308 = arith.constant 0 : i32
        %dma_start3A_2309 = tpu.memref_slice %arg5[%add3A_2301, %dma_start3A_2308] : memref<128x200xi32, #tpu.memory_space<vmem>> -> memref<1x200xi32, #tpu.memory_space<vmem>>
        %dma_start3A_2310 = tpu.memref_squeeze %dma_start3A_2309 : memref<1x200xi32, #tpu.memory_space<vmem>> -> memref<200xi32, #tpu.memory_space<vmem>>
        %dma_start3A_2311 = arith.constant 0 : i32
        %dma_start3A_2312 = tpu.memref_slice %dma_start3A_2310[%dma_start3A_2311] : memref<200xi32, #tpu.memory_space<vmem>> -> memref<104xi32, #tpu.memory_space<vmem>>
        %dma_start3A_2313 = arith.constant 0 : i32
        %dma_start3A_2314 = tpu.memref_slice %arg3[%dma_start3A_2313] : memref<1000000xi32, #tpu.memory_space<hbm>> -> memref<1000000xi32, #tpu.memory_space<hbm>>
        tpu.enqueue_indirect_dma source(%dma_start3A_2314 : memref<1000000xi32, #tpu.memory_space<hbm>>) target(%dma_start3A_2307 : memref<104xi32, #tpu.memory_space<vmem>>) offsets(%dma_start3A_2312 : memref<104xi32, #tpu.memory_space<vmem>>) semaphore(%arg14 : memref<!tpu.dma_semaphore, #tpu.memory_space<semaphore_mem>>)
        %dma_start3A_2315 = arith.constant 6 : i32
        %dma_start3A_2316 = arith.constant 0 : i32
        %dma_start3A_2317 = tpu.memref_slice %arg6[%dma_start3A_2315, %dma_start3A_2316] : memref<8x208xi32, #tpu.memory_space<vmem>> -> memref<1x208xi32, #tpu.memory_space<vmem>>
        %dma_start3A_2318 = tpu.memref_squeeze %dma_start3A_2317 : memref<1x208xi32, #tpu.memory_space<vmem>> -> memref<208xi32, #tpu.memory_space<vmem>>
        %dma_start3A_2319 = arith.constant 104 : i32
        %dma_start3A_2320 = tpu.memref_slice %dma_start3A_2318[%dma_start3A_2319] : memref<208xi32, #tpu.memory_space<vmem>> -> memref<96xi32, #tpu.memory_space<vmem>>
        %dma_start3A_2321 = arith.constant 0 : i32
        %dma_start3A_2322 = tpu.memref_slice %arg5[%add3A_2301, %dma_start3A_2321] : memref<128x200xi32, #tpu.memory_space<vmem>> -> memref<1x200xi32, #tpu.memory_space<vmem>>
        %dma_start3A_2323 = tpu.memref_squeeze %dma_start3A_2322 : memref<1x200xi32, #tpu.memory_space<vmem>> -> memref<200xi32, #tpu.memory_space<vmem>>
        %dma_start3A_2324 = arith.constant 104 : i32
        %dma_start3A_2325 = tpu.memref_slice %dma_start3A_2323[%dma_start3A_2324] : memref<200xi32, #tpu.memory_space<vmem>> -> memref<96xi32, #tpu.memory_space<vmem>>
        %dma_start3A_2326 = arith.constant 0 : i32
        %dma_start3A_2327 = tpu.memref_slice %arg3[%dma_start3A_2326] : memref<1000000xi32, #tpu.memory_space<hbm>> -> memref<1000000xi32, #tpu.memory_space<hbm>>
        tpu.enqueue_indirect_dma source(%dma_start3A_2327 : memref<1000000xi32, #tpu.memory_space<hbm>>) target(%dma_start3A_2320 : memref<96xi32, #tpu.memory_space<vmem>>) offsets(%dma_start3A_2325 : memref<96xi32, #tpu.memory_space<vmem>>) semaphore(%arg14 : memref<!tpu.dma_semaphore, #tpu.memory_space<semaphore_mem>>)
      } else {
      }
      %mul3A_2046 = arith.constant 8 : i32
      %mul3A_2047 = arith.muli %mul3A_2046, %scan3A_280 : i32
      %add3A_2048 = arith.constant 7 : i32
      %add3A_2049 = arith.addi %mul3A_2047, %add3A_2048 : i32
      %dma_wait3A_2050 = arith.constant 7 : i32
      %dma_wait3A_2051 = arith.constant 0 : i32
      %dma_wait3A_2052 = tpu.memref_slice %arg6[%dma_wait3A_2050, %dma_wait3A_2051] : memref<8x208xi32, #tpu.memory_space<vmem>> -> memref<1x208xi32, #tpu.memory_space<vmem>>
      %dma_wait3A_2053 = tpu.memref_squeeze %dma_wait3A_2052 : memref<1x208xi32, #tpu.memory_space<vmem>> -> memref<208xi32, #tpu.memory_space<vmem>>
      %dma_wait3A_2054 = arith.constant 0 : i32
      %dma_wait3A_2055 = tpu.memref_slice %dma_wait3A_2053[%dma_wait3A_2054] : memref<208xi32, #tpu.memory_space<vmem>> -> memref<104xi32, #tpu.memory_space<vmem>>
      %dma_wait3A_2056 = arith.constant 0 : i32
      %dma_wait3A_2057 = tpu.memref_slice %arg5[%add3A_2049, %dma_wait3A_2056] : memref<128x200xi32, #tpu.memory_space<vmem>> -> memref<1x200xi32, #tpu.memory_space<vmem>>
      %dma_wait3A_2058 = tpu.memref_squeeze %dma_wait3A_2057 : memref<1x200xi32, #tpu.memory_space<vmem>> -> memref<200xi32, #tpu.memory_space<vmem>>
      %dma_wait3A_2059 = arith.constant 0 : i32
      %dma_wait3A_2060 = tpu.memref_slice %dma_wait3A_2058[%dma_wait3A_2059] : memref<200xi32, #tpu.memory_space<vmem>> -> memref<104xi32, #tpu.memory_space<vmem>>
      %dma_wait3A_2061 = arith.constant 0 : i32
      %dma_wait3A_2062 = tpu.memref_slice %arg3[%dma_wait3A_2061] : memref<1000000xi32, #tpu.memory_space<hbm>> -> memref<1000000xi32, #tpu.memory_space<hbm>>
      tpu.wait_indirect_dma semaphore(%arg15 : memref<!tpu.dma_semaphore, #tpu.memory_space<semaphore_mem>>) src(%dma_wait3A_2062 : memref<1000000xi32, #tpu.memory_space<hbm>>) dst(%dma_wait3A_2055 : memref<104xi32, #tpu.memory_space<vmem>>)
      %dma_wait3A_2063 = arith.constant 7 : i32
      %dma_wait3A_2064 = arith.constant 0 : i32
      %dma_wait3A_2065 = tpu.memref_slice %arg6[%dma_wait3A_2063, %dma_wait3A_2064] : memref<8x208xi32, #tpu.memory_space<vmem>> -> memref<1x208xi32, #tpu.memory_space<vmem>>
      %dma_wait3A_2066 = tpu.memref_squeeze %dma_wait3A_2065 : memref<1x208xi32, #tpu.memory_space<vmem>> -> memref<208xi32, #tpu.memory_space<vmem>>
      %dma_wait3A_2067 = arith.constant 104 : i32
      %dma_wait3A_2068 = tpu.memref_slice %dma_wait3A_2066[%dma_wait3A_2067] : memref<208xi32, #tpu.memory_space<vmem>> -> memref<96xi32, #tpu.memory_space<vmem>>
      %dma_wait3A_2069 = arith.constant 0 : i32
      %dma_wait3A_2070 = tpu.memref_slice %arg5[%add3A_2049, %dma_wait3A_2069] : memref<128x200xi32, #tpu.memory_space<vmem>> -> memref<1x200xi32, #tpu.memory_space<vmem>>
      %dma_wait3A_2071 = tpu.memref_squeeze %dma_wait3A_2070 : memref<1x200xi32, #tpu.memory_space<vmem>> -> memref<200xi32, #tpu.memory_space<vmem>>
      %dma_wait3A_2072 = arith.constant 104 : i32
      %dma_wait3A_2073 = tpu.memref_slice %dma_wait3A_2071[%dma_wait3A_2072] : memref<200xi32, #tpu.memory_space<vmem>> -> memref<96xi32, #tpu.memory_space<vmem>>
      %dma_wait3A_2074 = arith.constant 0 : i32
      %dma_wait3A_2075 = tpu.memref_slice %arg3[%dma_wait3A_2074] : memref<1000000xi32, #tpu.memory_space<hbm>> -> memref<1000000xi32, #tpu.memory_space<hbm>>
      tpu.wait_indirect_dma semaphore(%arg15 : memref<!tpu.dma_semaphore, #tpu.memory_space<semaphore_mem>>) src(%dma_wait3A_2075 : memref<1000000xi32, #tpu.memory_space<hbm>>) dst(%dma_wait3A_2068 : memref<96xi32, #tpu.memory_space<vmem>>)
      %get3A_2076 = arith.constant 7 : i32
      %get3A_2077 = arith.index_cast %get3A_2076 : i32 to index
      %get3A_2078 = arith.constant 0 : index
      %get3A_2079 = tpu.vector_load %arg6[%get3A_2077, %get3A_2078] {strides = array<i32>} : memref<8x208xi32, #tpu.memory_space<vmem>>, vector<1x16xi32>,
      %get3A_2080 = vector.shape_cast %get3A_2079 : vector<1x16xi32> to vector<16xi32>
      %shift_left3A_2081 = arith.constant 16 : i32
      %shift_left3A_2082 = vector.broadcast %shift_left3A_2081 : i32 to vector<16xi32>
      %shift_left3A_2083 = arith.shli %get3A_2080, %shift_left3A_2082 : vector<16xi32>
      %shift_right_arithmetic3A_2084 = arith.constant 16 : i32
      %shift_right_arithmetic3A_2085 = vector.broadcast %shift_right_arithmetic3A_2084 : i32 to vector<16xi32>
      %shift_right_arithmetic3A_2086 = arith.shrsi %shift_left3A_2083, %shift_right_arithmetic3A_2085 : vector<16xi32>
      %add3A_2087 = arith.addi %broadcast_in_dim3A_3, %shift_right_arithmetic3A_2086 : vector<16xi32>
      %shift_right_arithmetic3A_2088 = arith.constant 16 : i32
      %shift_right_arithmetic3A_2089 = vector.broadcast %shift_right_arithmetic3A_2088 : i32 to vector<16xi32>
      %shift_right_arithmetic3A_2090 = arith.shrsi %get3A_2080, %shift_right_arithmetic3A_2089 : vector<16xi32>
      %add3A_2091 = arith.addi %broadcast_in_dim3A_3, %shift_right_arithmetic3A_2090 : vector<16xi32>
      %get3A_2092 = arith.constant 7 : i32
      %get3A_2093 = arith.index_cast %get3A_2092 : i32 to index
      %get3A_2094 = arith.constant 16 : index
      %get3A_2095 = tpu.vector_load %arg6[%get3A_2093, %get3A_2094] {strides = array<i32>} : memref<8x208xi32, #tpu.memory_space<vmem>>, vector<1x16xi32>,
      %get3A_2096 = vector.shape_cast %get3A_2095 : vector<1x16xi32> to vector<16xi32>
      %shift_left3A_2097 = arith.constant 16 : i32
      %shift_left3A_2098 = vector.broadcast %shift_left3A_2097 : i32 to vector<16xi32>
      %shift_left3A_2099 = arith.shli %get3A_2096, %shift_left3A_2098 : vector<16xi32>
      %shift_right_arithmetic3A_2100 = arith.constant 16 : i32
      %shift_right_arithmetic3A_2101 = vector.broadcast %shift_right_arithmetic3A_2100 : i32 to vector<16xi32>
      %shift_right_arithmetic3A_2102 = arith.shrsi %shift_left3A_2099, %shift_right_arithmetic3A_2101 : vector<16xi32>
      %add3A_2103 = arith.addi %add3A_2087, %shift_right_arithmetic3A_2102 : vector<16xi32>
      %shift_right_arithmetic3A_2104 = arith.constant 16 : i32
      %shift_right_arithmetic3A_2105 = vector.broadcast %shift_right_arithmetic3A_2104 : i32 to vector<16xi32>
      %shift_right_arithmetic3A_2106 = arith.shrsi %get3A_2096, %shift_right_arithmetic3A_2105 : vector<16xi32>
      %add3A_2107 = arith.addi %add3A_2091, %shift_right_arithmetic3A_2106 : vector<16xi32>
      %get3A_2108 = arith.constant 7 : i32
      %get3A_2109 = arith.index_cast %get3A_2108 : i32 to index
      %get3A_2110 = arith.constant 32 : index
      %get3A_2111 = tpu.vector_load %arg6[%get3A_2109, %get3A_2110] {strides = array<i32>} : memref<8x208xi32, #tpu.memory_space<vmem>>, vector<1x16xi32>,
      %get3A_2112 = vector.shape_cast %get3A_2111 : vector<1x16xi32> to vector<16xi32>
      %shift_left3A_2113 = arith.constant 16 : i32
      %shift_left3A_2114 = vector.broadcast %shift_left3A_2113 : i32 to vector<16xi32>
      %shift_left3A_2115 = arith.shli %get3A_2112, %shift_left3A_2114 : vector<16xi32>
      %shift_right_arithmetic3A_2116 = arith.constant 16 : i32
      %shift_right_arithmetic3A_2117 = vector.broadcast %shift_right_arithmetic3A_2116 : i32 to vector<16xi32>
      %shift_right_arithmetic3A_2118 = arith.shrsi %shift_left3A_2115, %shift_right_arithmetic3A_2117 : vector<16xi32>
      %add3A_2119 = arith.addi %add3A_2103, %shift_right_arithmetic3A_2118 : vector<16xi32>
      %shift_right_arithmetic3A_2120 = arith.constant 16 : i32
      %shift_right_arithmetic3A_2121 = vector.broadcast %shift_right_arithmetic3A_2120 : i32 to vector<16xi32>
      %shift_right_arithmetic3A_2122 = arith.shrsi %get3A_2112, %shift_right_arithmetic3A_2121 : vector<16xi32>
      %add3A_2123 = arith.addi %add3A_2107, %shift_right_arithmetic3A_2122 : vector<16xi32>
      %get3A_2124 = arith.constant 7 : i32
      %get3A_2125 = arith.index_cast %get3A_2124 : i32 to index
      %get3A_2126 = arith.constant 48 : index
      %get3A_2127 = tpu.vector_load %arg6[%get3A_2125, %get3A_2126] {strides = array<i32>} : memref<8x208xi32, #tpu.memory_space<vmem>>, vector<1x16xi32>,
      %get3A_2128 = vector.shape_cast %get3A_2127 : vector<1x16xi32> to vector<16xi32>
      %shift_left3A_2129 = arith.constant 16 : i32
      %shift_left3A_2130 = vector.broadcast %shift_left3A_2129 : i32 to vector<16xi32>
      %shift_left3A_2131 = arith.shli %get3A_2128, %shift_left3A_2130 : vector<16xi32>
      %shift_right_arithmetic3A_2132 = arith.constant 16 : i32
      %shift_right_arithmetic3A_2133 = vector.broadcast %shift_right_arithmetic3A_2132 : i32 to vector<16xi32>
      %shift_right_arithmetic3A_2134 = arith.shrsi %shift_left3A_2131, %shift_right_arithmetic3A_2133 : vector<16xi32>
      %add3A_2135 = arith.addi %add3A_2119, %shift_right_arithmetic3A_2134 : vector<16xi32>
      %shift_right_arithmetic3A_2136 = arith.constant 16 : i32
      %shift_right_arithmetic3A_2137 = vector.broadcast %shift_right_arithmetic3A_2136 : i32 to vector<16xi32>
      %shift_right_arithmetic3A_2138 = arith.shrsi %get3A_2128, %shift_right_arithmetic3A_2137 : vector<16xi32>
      %add3A_2139 = arith.addi %add3A_2123, %shift_right_arithmetic3A_2138 : vector<16xi32>
      %get3A_2140 = arith.constant 7 : i32
      %get3A_2141 = arith.index_cast %get3A_2140 : i32 to index
      %get3A_2142 = arith.constant 64 : index
      %get3A_2143 = tpu.vector_load %arg6[%get3A_2141, %get3A_2142] {strides = array<i32>} : memref<8x208xi32, #tpu.memory_space<vmem>>, vector<1x16xi32>,
      %get3A_2144 = vector.shape_cast %get3A_2143 : vector<1x16xi32> to vector<16xi32>
      %shift_left3A_2145 = arith.constant 16 : i32
      %shift_left3A_2146 = vector.broadcast %shift_left3A_2145 : i32 to vector<16xi32>
      %shift_left3A_2147 = arith.shli %get3A_2144, %shift_left3A_2146 : vector<16xi32>
      %shift_right_arithmetic3A_2148 = arith.constant 16 : i32
      %shift_right_arithmetic3A_2149 = vector.broadcast %shift_right_arithmetic3A_2148 : i32 to vector<16xi32>
      %shift_right_arithmetic3A_2150 = arith.shrsi %shift_left3A_2147, %shift_right_arithmetic3A_2149 : vector<16xi32>
      %add3A_2151 = arith.addi %add3A_2135, %shift_right_arithmetic3A_2150 : vector<16xi32>
      %shift_right_arithmetic3A_2152 = arith.constant 16 : i32
      %shift_right_arithmetic3A_2153 = vector.broadcast %shift_right_arithmetic3A_2152 : i32 to vector<16xi32>
      %shift_right_arithmetic3A_2154 = arith.shrsi %get3A_2144, %shift_right_arithmetic3A_2153 : vector<16xi32>
      %add3A_2155 = arith.addi %add3A_2139, %shift_right_arithmetic3A_2154 : vector<16xi32>
      %get3A_2156 = arith.constant 7 : i32
      %get3A_2157 = arith.index_cast %get3A_2156 : i32 to index
      %get3A_2158 = arith.constant 80 : index
      %get3A_2159 = tpu.vector_load %arg6[%get3A_2157, %get3A_2158] {strides = array<i32>} : memref<8x208xi32, #tpu.memory_space<vmem>>, vector<1x16xi32>,
      %get3A_2160 = vector.shape_cast %get3A_2159 : vector<1x16xi32> to vector<16xi32>
      %shift_left3A_2161 = arith.constant 16 : i32
      %shift_left3A_2162 = vector.broadcast %shift_left3A_2161 : i32 to vector<16xi32>
      %shift_left3A_2163 = arith.shli %get3A_2160, %shift_left3A_2162 : vector<16xi32>
      %shift_right_arithmetic3A_2164 = arith.constant 16 : i32
      %shift_right_arithmetic3A_2165 = vector.broadcast %shift_right_arithmetic3A_2164 : i32 to vector<16xi32>
      %shift_right_arithmetic3A_2166 = arith.shrsi %shift_left3A_2163, %shift_right_arithmetic3A_2165 : vector<16xi32>
      %add3A_2167 = arith.addi %add3A_2151, %shift_right_arithmetic3A_2166 : vector<16xi32>
      %shift_right_arithmetic3A_2168 = arith.constant 16 : i32
      %shift_right_arithmetic3A_2169 = vector.broadcast %shift_right_arithmetic3A_2168 : i32 to vector<16xi32>
      %shift_right_arithmetic3A_2170 = arith.shrsi %get3A_2160, %shift_right_arithmetic3A_2169 : vector<16xi32>
      %add3A_2171 = arith.addi %add3A_2155, %shift_right_arithmetic3A_2170 : vector<16xi32>
      %get3A_2172 = arith.constant 7 : i32
      %get3A_2173 = arith.index_cast %get3A_2172 : i32 to index
      %get3A_2174 = arith.constant 96 : index
      %get3A_2175 = tpu.vector_load %arg6[%get3A_2173, %get3A_2174] {strides = array<i32>} : memref<8x208xi32, #tpu.memory_space<vmem>>, vector<1x16xi32>,
      %get3A_2176 = vector.shape_cast %get3A_2175 : vector<1x16xi32> to vector<16xi32>
      %shift_left3A_2177 = arith.constant 16 : i32
      %shift_left3A_2178 = vector.broadcast %shift_left3A_2177 : i32 to vector<16xi32>
      %shift_left3A_2179 = arith.shli %get3A_2176, %shift_left3A_2178 : vector<16xi32>
      %shift_right_arithmetic3A_2180 = arith.constant 16 : i32
      %shift_right_arithmetic3A_2181 = vector.broadcast %shift_right_arithmetic3A_2180 : i32 to vector<16xi32>
      %shift_right_arithmetic3A_2182 = arith.shrsi %shift_left3A_2179, %shift_right_arithmetic3A_2181 : vector<16xi32>
      %add3A_2183 = arith.addi %add3A_2167, %shift_right_arithmetic3A_2182 : vector<16xi32>
      %shift_right_arithmetic3A_2184 = arith.constant 16 : i32
      %shift_right_arithmetic3A_2185 = vector.broadcast %shift_right_arithmetic3A_2184 : i32 to vector<16xi32>
      %shift_right_arithmetic3A_2186 = arith.shrsi %get3A_2176, %shift_right_arithmetic3A_2185 : vector<16xi32>
      %add3A_2187 = arith.addi %add3A_2171, %shift_right_arithmetic3A_2186 : vector<16xi32>
      %get3A_2188 = arith.constant 7 : i32
      %get3A_2189 = arith.index_cast %get3A_2188 : i32 to index
      %get3A_2190 = arith.constant 112 : index
      %get3A_2191 = tpu.vector_load %arg6[%get3A_2189, %get3A_2190] {strides = array<i32>} : memref<8x208xi32, #tpu.memory_space<vmem>>, vector<1x16xi32>,
      %get3A_2192 = vector.shape_cast %get3A_2191 : vector<1x16xi32> to vector<16xi32>
      %shift_left3A_2193 = arith.constant 16 : i32
      %shift_left3A_2194 = vector.broadcast %shift_left3A_2193 : i32 to vector<16xi32>
      %shift_left3A_2195 = arith.shli %get3A_2192, %shift_left3A_2194 : vector<16xi32>
      %shift_right_arithmetic3A_2196 = arith.constant 16 : i32
      %shift_right_arithmetic3A_2197 = vector.broadcast %shift_right_arithmetic3A_2196 : i32 to vector<16xi32>
      %shift_right_arithmetic3A_2198 = arith.shrsi %shift_left3A_2195, %shift_right_arithmetic3A_2197 : vector<16xi32>
      %add3A_2199 = arith.addi %add3A_2183, %shift_right_arithmetic3A_2198 : vector<16xi32>
      %shift_right_arithmetic3A_2200 = arith.constant 16 : i32
      %shift_right_arithmetic3A_2201 = vector.broadcast %shift_right_arithmetic3A_2200 : i32 to vector<16xi32>
      %shift_right_arithmetic3A_2202 = arith.shrsi %get3A_2192, %shift_right_arithmetic3A_2201 : vector<16xi32>
      %add3A_2203 = arith.addi %add3A_2187, %shift_right_arithmetic3A_2202 : vector<16xi32>
      %get3A_2204 = arith.constant 7 : i32
      %get3A_2205 = arith.index_cast %get3A_2204 : i32 to index
      %get3A_2206 = arith.constant 128 : index
      %get3A_2207 = tpu.vector_load %arg6[%get3A_2205, %get3A_2206] {strides = array<i32>} : memref<8x208xi32, #tpu.memory_space<vmem>>, vector<1x16xi32>,
      %get3A_2208 = vector.shape_cast %get3A_2207 : vector<1x16xi32> to vector<16xi32>
      %shift_left3A_2209 = arith.constant 16 : i32
      %shift_left3A_2210 = vector.broadcast %shift_left3A_2209 : i32 to vector<16xi32>
      %shift_left3A_2211 = arith.shli %get3A_2208, %shift_left3A_2210 : vector<16xi32>
      %shift_right_arithmetic3A_2212 = arith.constant 16 : i32
      %shift_right_arithmetic3A_2213 = vector.broadcast %shift_right_arithmetic3A_2212 : i32 to vector<16xi32>
      %shift_right_arithmetic3A_2214 = arith.shrsi %shift_left3A_2211, %shift_right_arithmetic3A_2213 : vector<16xi32>
      %add3A_2215 = arith.addi %add3A_2199, %shift_right_arithmetic3A_2214 : vector<16xi32>
      %shift_right_arithmetic3A_2216 = arith.constant 16 : i32
      %shift_right_arithmetic3A_2217 = vector.broadcast %shift_right_arithmetic3A_2216 : i32 to vector<16xi32>
      %shift_right_arithmetic3A_2218 = arith.shrsi %get3A_2208, %shift_right_arithmetic3A_2217 : vector<16xi32>
      %add3A_2219 = arith.addi %add3A_2203, %shift_right_arithmetic3A_2218 : vector<16xi32>
      %get3A_2220 = arith.constant 7 : i32
      %get3A_2221 = arith.index_cast %get3A_2220 : i32 to index
      %get3A_2222 = arith.constant 144 : index
      %get3A_2223 = tpu.vector_load %arg6[%get3A_2221, %get3A_2222] {strides = array<i32>} : memref<8x208xi32, #tpu.memory_space<vmem>>, vector<1x16xi32>,
      %get3A_2224 = vector.shape_cast %get3A_2223 : vector<1x16xi32> to vector<16xi32>
      %shift_left3A_2225 = arith.constant 16 : i32
      %shift_left3A_2226 = vector.broadcast %shift_left3A_2225 : i32 to vector<16xi32>
      %shift_left3A_2227 = arith.shli %get3A_2224, %shift_left3A_2226 : vector<16xi32>
      %shift_right_arithmetic3A_2228 = arith.constant 16 : i32
      %shift_right_arithmetic3A_2229 = vector.broadcast %shift_right_arithmetic3A_2228 : i32 to vector<16xi32>
      %shift_right_arithmetic3A_2230 = arith.shrsi %shift_left3A_2227, %shift_right_arithmetic3A_2229 : vector<16xi32>
      %add3A_2231 = arith.addi %add3A_2215, %shift_right_arithmetic3A_2230 : vector<16xi32>
      %shift_right_arithmetic3A_2232 = arith.constant 16 : i32
      %shift_right_arithmetic3A_2233 = vector.broadcast %shift_right_arithmetic3A_2232 : i32 to vector<16xi32>
      %shift_right_arithmetic3A_2234 = arith.shrsi %get3A_2224, %shift_right_arithmetic3A_2233 : vector<16xi32>
      %add3A_2235 = arith.addi %add3A_2219, %shift_right_arithmetic3A_2234 : vector<16xi32>
      %get3A_2236 = arith.constant 7 : i32
      %get3A_2237 = arith.index_cast %get3A_2236 : i32 to index
      %get3A_2238 = arith.constant 160 : index
      %get3A_2239 = tpu.vector_load %arg6[%get3A_2237, %get3A_2238] {strides = array<i32>} : memref<8x208xi32, #tpu.memory_space<vmem>>, vector<1x16xi32>,
      %get3A_2240 = vector.shape_cast %get3A_2239 : vector<1x16xi32> to vector<16xi32>
      %shift_left3A_2241 = arith.constant 16 : i32
      %shift_left3A_2242 = vector.broadcast %shift_left3A_2241 : i32 to vector<16xi32>
      %shift_left3A_2243 = arith.shli %get3A_2240, %shift_left3A_2242 : vector<16xi32>
      %shift_right_arithmetic3A_2244 = arith.constant 16 : i32
      %shift_right_arithmetic3A_2245 = vector.broadcast %shift_right_arithmetic3A_2244 : i32 to vector<16xi32>
      %shift_right_arithmetic3A_2246 = arith.shrsi %shift_left3A_2243, %shift_right_arithmetic3A_2245 : vector<16xi32>
      %add3A_2247 = arith.addi %add3A_2231, %shift_right_arithmetic3A_2246 : vector<16xi32>
      %shift_right_arithmetic3A_2248 = arith.constant 16 : i32
      %shift_right_arithmetic3A_2249 = vector.broadcast %shift_right_arithmetic3A_2248 : i32 to vector<16xi32>
      %shift_right_arithmetic3A_2250 = arith.shrsi %get3A_2240, %shift_right_arithmetic3A_2249 : vector<16xi32>
      %add3A_2251 = arith.addi %add3A_2235, %shift_right_arithmetic3A_2250 : vector<16xi32>
      %get3A_2252 = arith.constant 7 : i32
      %get3A_2253 = arith.index_cast %get3A_2252 : i32 to index
      %get3A_2254 = arith.constant 176 : index
      %get3A_2255 = tpu.vector_load %arg6[%get3A_2253, %get3A_2254] {strides = array<i32>} : memref<8x208xi32, #tpu.memory_space<vmem>>, vector<1x16xi32>,
      %get3A_2256 = vector.shape_cast %get3A_2255 : vector<1x16xi32> to vector<16xi32>
      %shift_left3A_2257 = arith.constant 16 : i32
      %shift_left3A_2258 = vector.broadcast %shift_left3A_2257 : i32 to vector<16xi32>
      %shift_left3A_2259 = arith.shli %get3A_2256, %shift_left3A_2258 : vector<16xi32>
      %shift_right_arithmetic3A_2260 = arith.constant 16 : i32
      %shift_right_arithmetic3A_2261 = vector.broadcast %shift_right_arithmetic3A_2260 : i32 to vector<16xi32>
      %shift_right_arithmetic3A_2262 = arith.shrsi %shift_left3A_2259, %shift_right_arithmetic3A_2261 : vector<16xi32>
      %add3A_2263 = arith.addi %add3A_2247, %shift_right_arithmetic3A_2262 : vector<16xi32>
      %shift_right_arithmetic3A_2264 = arith.constant 16 : i32
      %shift_right_arithmetic3A_2265 = vector.broadcast %shift_right_arithmetic3A_2264 : i32 to vector<16xi32>
      %shift_right_arithmetic3A_2266 = arith.shrsi %get3A_2256, %shift_right_arithmetic3A_2265 : vector<16xi32>
      %add3A_2267 = arith.addi %add3A_2251, %shift_right_arithmetic3A_2266 : vector<16xi32>
      %get3A_2268 = arith.constant 7 : i32
      %get3A_2269 = arith.index_cast %get3A_2268 : i32 to index
      %get3A_2270 = arith.constant 192 : index
      %get3A_2271 = tpu.vector_load %arg6[%get3A_2269, %get3A_2270] {strides = array<i32>} : memref<8x208xi32, #tpu.memory_space<vmem>>, vector<1x16xi32>,
      %get3A_2272 = vector.shape_cast %get3A_2271 : vector<1x16xi32> to vector<16xi32>
      %shift_left3A_2273 = arith.constant 16 : i32
      %shift_left3A_2274 = vector.broadcast %shift_left3A_2273 : i32 to vector<16xi32>
      %shift_left3A_2275 = arith.shli %get3A_2272, %shift_left3A_2274 : vector<16xi32>
      %shift_right_arithmetic3A_2276 = arith.constant 16 : i32
      %shift_right_arithmetic3A_2277 = vector.broadcast %shift_right_arithmetic3A_2276 : i32 to vector<16xi32>
      %shift_right_arithmetic3A_2278 = arith.shrsi %shift_left3A_2275, %shift_right_arithmetic3A_2277 : vector<16xi32>
      %add3A_2279 = arith.addi %add3A_2263, %shift_right_arithmetic3A_2278 : vector<16xi32>
      %shift_right_arithmetic3A_2280 = arith.constant 16 : i32
      %shift_right_arithmetic3A_2281 = vector.broadcast %shift_right_arithmetic3A_2280 : i32 to vector<16xi32>
      %shift_right_arithmetic3A_2282 = arith.shrsi %get3A_2272, %shift_right_arithmetic3A_2281 : vector<16xi32>
      %add3A_2283 = arith.addi %add3A_2267, %shift_right_arithmetic3A_2282 : vector<16xi32>
      %swap3A_2284 = arith.index_cast %add3A_2049 : i32 to index
      %swap3A_2285 = arith.constant 0 : index
      %swap3A_2286 = tpu.vector_load %arg7[%swap3A_2284, %swap3A_2285] {strides = array<i32>} : memref<128x32xi32, #tpu.memory_space<vmem>>, vector<1x16xi32>,
      %swap3A_2287 = vector.shape_cast %swap3A_2286 : vector<1x16xi32> to vector<16xi32>
      %swap3A_2288 = vector.shape_cast %add3A_2279 : vector<16xi32> to vector<1x16xi32>
      tpu.vector_store %arg7[%swap3A_2284, %swap3A_2285], %swap3A_2288 {strides = array<i32>} : memref<128x32xi32, #tpu.memory_space<vmem>>, vector<1x16xi32>,
      %swap3A_2289 = arith.index_cast %add3A_2049 : i32 to index
      %swap3A_2290 = arith.constant 16 : index
      %swap3A_2291 = tpu.vector_load %arg7[%swap3A_2289, %swap3A_2290] {strides = array<i32>} : memref<128x32xi32, #tpu.memory_space<vmem>>, vector<1x16xi32>,
      %swap3A_2292 = vector.shape_cast %swap3A_2291 : vector<1x16xi32> to vector<16xi32>
      %swap3A_2293 = vector.shape_cast %add3A_2283 : vector<16xi32> to vector<1x16xi32>
      tpu.vector_store %arg7[%swap3A_2289, %swap3A_2290], %swap3A_2293 {strides = array<i32>} : memref<128x32xi32, #tpu.memory_space<vmem>>, vector<1x16xi32>,
      %lt3A_2294 = arith.constant 15 : i32
      %lt3A_2295 = arith.cmpi slt, %scan3A_280, %lt3A_2294 : i32
      %convert_element_type3A_2296 = arith.extui %lt3A_2295 : i1 to i32
      %cond3A_2297 = arith.constant 0 : i32
      %cond3A_2298 = arith.cmpi ne, %convert_element_type3A_2296, %cond3A_2297 : i32
      scf.if %cond3A_2298 {
        %add3A_2300 = arith.constant 8 : i32
        %add3A_2301 = arith.addi %add3A_2049, %add3A_2300 : i32
        %dma_start3A_2302 = arith.constant 7 : i32
        %dma_start3A_2303 = arith.constant 0 : i32
        %dma_start3A_2304 = tpu.memref_slice %arg6[%dma_start3A_2302, %dma_start3A_2303] : memref<8x208xi32, #tpu.memory_space<vmem>> -> memref<1x208xi32, #tpu.memory_space<vmem>>
        %dma_start3A_2305 = tpu.memref_squeeze %dma_start3A_2304 : memref<1x208xi32, #tpu.memory_space<vmem>> -> memref<208xi32, #tpu.memory_space<vmem>>
        %dma_start3A_2306 = arith.constant 0 : i32
        %dma_start3A_2307 = tpu.memref_slice %dma_start3A_2305[%dma_start3A_2306] : memref<208xi32, #tpu.memory_space<vmem>> -> memref<104xi32, #tpu.memory_space<vmem>>
        %dma_start3A_2308 = arith.constant 0 : i32
        %dma_start3A_2309 = tpu.memref_slice %arg5[%add3A_2301, %dma_start3A_2308] : memref<128x200xi32, #tpu.memory_space<vmem>> -> memref<1x200xi32, #tpu.memory_space<vmem>>
        %dma_start3A_2310 = tpu.memref_squeeze %dma_start3A_2309 : memref<1x200xi32, #tpu.memory_space<vmem>> -> memref<200xi32, #tpu.memory_space<vmem>>
        %dma_start3A_2311 = arith.constant 0 : i32
        %dma_start3A_2312 = tpu.memref_slice %dma_start3A_2310[%dma_start3A_2311] : memref<200xi32, #tpu.memory_space<vmem>> -> memref<104xi32, #tpu.memory_space<vmem>>
        %dma_start3A_2313 = arith.constant 0 : i32
        %dma_start3A_2314 = tpu.memref_slice %arg3[%dma_start3A_2313] : memref<1000000xi32, #tpu.memory_space<hbm>> -> memref<1000000xi32, #tpu.memory_space<hbm>>
        tpu.enqueue_indirect_dma source(%dma_start3A_2314 : memref<1000000xi32, #tpu.memory_space<hbm>>) target(%dma_start3A_2307 : memref<104xi32, #tpu.memory_space<vmem>>) offsets(%dma_start3A_2312 : memref<104xi32, #tpu.memory_space<vmem>>) semaphore(%arg15 : memref<!tpu.dma_semaphore, #tpu.memory_space<semaphore_mem>>)
        %dma_start3A_2315 = arith.constant 7 : i32
        %dma_start3A_2316 = arith.constant 0 : i32
        %dma_start3A_2317 = tpu.memref_slice %arg6[%dma_start3A_2315, %dma_start3A_2316] : memref<8x208xi32, #tpu.memory_space<vmem>> -> memref<1x208xi32, #tpu.memory_space<vmem>>
        %dma_start3A_2318 = tpu.memref_squeeze %dma_start3A_2317 : memref<1x208xi32, #tpu.memory_space<vmem>> -> memref<208xi32, #tpu.memory_space<vmem>>
        %dma_start3A_2319 = arith.constant 104 : i32
        %dma_start3A_2320 = tpu.memref_slice %dma_start3A_2318[%dma_start3A_2319] : memref<208xi32, #tpu.memory_space<vmem>> -> memref<96xi32, #tpu.memory_space<vmem>>
        %dma_start3A_2321 = arith.constant 0 : i32
        %dma_start3A_2322 = tpu.memref_slice %arg5[%add3A_2301, %dma_start3A_2321] : memref<128x200xi32, #tpu.memory_space<vmem>> -> memref<1x200xi32, #tpu.memory_space<vmem>>
        %dma_start3A_2323 = tpu.memref_squeeze %dma_start3A_2322 : memref<1x200xi32, #tpu.memory_space<vmem>> -> memref<200xi32, #tpu.memory_space<vmem>>
        %dma_start3A_2324 = arith.constant 104 : i32
        %dma_start3A_2325 = tpu.memref_slice %dma_start3A_2323[%dma_start3A_2324] : memref<200xi32, #tpu.memory_space<vmem>> -> memref<96xi32, #tpu.memory_space<vmem>>
        %dma_start3A_2326 = arith.constant 0 : i32
        %dma_start3A_2327 = tpu.memref_slice %arg3[%dma_start3A_2326] : memref<1000000xi32, #tpu.memory_space<hbm>> -> memref<1000000xi32, #tpu.memory_space<hbm>>
        tpu.enqueue_indirect_dma source(%dma_start3A_2327 : memref<1000000xi32, #tpu.memory_space<hbm>>) target(%dma_start3A_2320 : memref<96xi32, #tpu.memory_space<vmem>>) offsets(%dma_start3A_2325 : memref<96xi32, #tpu.memory_space<vmem>>) semaphore(%arg15 : memref<!tpu.dma_semaphore, #tpu.memory_space<semaphore_mem>>)
      } else {
      }
      %scan3A_2299 = arith.constant 0 : i32
      scf.yield %scan3A_2299 : i32
    }
    %scan3A_279 = arith.constant 16 : i32
    "tpu.region"() ({
      %run_scoped3A = tpu.sem_alloc : memref<!tpu.dma_semaphore, #tpu.memory_space<semaphore_mem>>
      %dma_start3A_280 = arith.constant 0 : i32
      %dma_start3A_281 = tpu.memref_slice %arg4[%mul3A_2, %dma_start3A_280] : memref<4096x32xi32, #tpu.memory_space<hbm>> -> memref<128x32xi32, #tpu.memory_space<hbm>>
      %dma_start3A_282 = arith.constant 0 : i32
      %dma_start3A_283 = tpu.memref_slice %arg4[%mul3A_2, %dma_start3A_282] : memref<4096x32xi32, #tpu.memory_space<hbm>> -> memref<128x32xi32, #tpu.memory_space<hbm>>
      tpu.enqueue_dma source(%arg7 : memref<128x32xi32, #tpu.memory_space<vmem>>) target(%dma_start3A_283 : memref<128x32xi32, #tpu.memory_space<hbm>>) target_semaphore(%run_scoped3A : memref<!tpu.dma_semaphore, #tpu.memory_space<semaphore_mem>>)
      %dma_wait3A = arith.constant 0 : i32
      %dma_wait3A_284 = tpu.memref_slice %arg4[%mul3A_2, %dma_wait3A] : memref<4096x32xi32, #tpu.memory_space<hbm>> -> memref<128x32xi32, #tpu.memory_space<hbm>>
      %dma_wait3A_285 = arith.constant 0 : i32
      %dma_wait3A_286 = tpu.memref_slice %arg4[%mul3A_2, %dma_wait3A_285] : memref<4096x32xi32, #tpu.memory_space<hbm>> -> memref<128x32xi32, #tpu.memory_space<hbm>>
      tpu.wait_dma2 semaphore(%run_scoped3A : memref<!tpu.dma_semaphore, #tpu.memory_space<semaphore_mem>>) src(%arg7 : memref<128x32xi32, #tpu.memory_space<vmem>>) dst(%dma_wait3A_286 : memref<128x32xi32, #tpu.memory_space<hbm>>)
      tpu.yield
    }) : () -> ()
    return
  }
}

module attributes {stable_mosaic.version = 14 : i64} {
  func.func @_proj_body(%arg0: i32, %arg1: memref<2x64xf32, #tpu.memory_space<vmem>>, %arg2: memref<64x32768xf32, #tpu.memory_space<vmem>>, %arg3: memref<32768xi32, #tpu.memory_space<vmem>>) attributes {dimension_semantics = [#tpu.dimension_semantics<arbitrary>], iteration_bounds = array<i64: 31>, scalar_prefetch = 0 : i64, scratch_operands = 0 : i64, tpu.core_type = #tpu.core_type<tc>, window_params = [{pipeline_mode = #tpu.pipeline_mode<synchronous>, transform_indices = @transform_0, window_bounds = array<i64: 2, 64>}, {transform_indices = @transform_1, window_bounds = array<i64: 64, 32768>}, {transform_indices = @transform_2, window_bounds = array<i64: 32768>}]} {
    %get3A = arith.constant 0 : index
    %get3A_0 = arith.constant 0 : index
    %get3A_1 = vector.load %arg1[%get3A, %get3A_0] : memref<2x64xf32, #tpu.memory_space<vmem>>, vector<2x64xf32>
    %get3A_2 = arith.constant 0 : index
    %get3A_3 = arith.constant 0 : index
    %get3A_4 = vector.load %arg2[%get3A_2, %get3A_3] : memref<64x32768xf32, #tpu.memory_space<vmem>>, vector<64x32768xf32>
    %dot_general3A = arith.constant dense<0.000000e+00> : vector<2x32768xf32>
    %dot_general3A_5 = tpu.matmul %get3A_1, %get3A_4, %dot_general3A {dimension_numbers = #tpu.dot_dimension_numbers<[1], [0], [0], [1], [0, 0, 1, 1], [], []>, transpose_lhs_hint = false} : vector<2x64xf32>, vector<64x32768xf32>, vector<2x32768xf32> -> vector<2x32768xf32>
    %round3A = math.roundeven %dot_general3A_5 : vector<2x32768xf32>
    %jit3A = arith.constant -3.276700e+04 : f32
    %jit3A_6 = arith.constant 3.276700e+04 : f32
    %max3A = vector.broadcast %jit3A : f32 to vector<2x32768xf32>
    %max3A_7 = arith.maximumf %max3A, %round3A : vector<2x32768xf32>
    %min3A = vector.broadcast %jit3A_6 : f32 to vector<2x32768xf32>
    %min3A_8 = arith.minimumf %min3A, %max3A_7 : vector<2x32768xf32>
    %convert_element_type3A = arith.fptosi %min3A_8 : vector<2x32768xf32> to vector<2x32768xi32>
    %slice3A = vector.extract_strided_slice %convert_element_type3A {offsets = [0, 0], sizes = [1, 32768], strides = [1, 1]} : vector<2x32768xi32> to vector<1x32768xi32>
    %squeeze3A = vector.shape_cast %slice3A : vector<1x32768xi32> to vector<32768xi32>
    %and3A = arith.constant 65535 : i32
    %and3A_9 = vector.broadcast %and3A : i32 to vector<32768xi32>
    %and3A_10 = arith.andi %squeeze3A, %and3A_9 : vector<32768xi32>
    %slice3A_11 = vector.extract_strided_slice %convert_element_type3A {offsets = [1, 0], sizes = [1, 32768], strides = [1, 1]} : vector<2x32768xi32> to vector<1x32768xi32>
    %squeeze3A_12 = vector.shape_cast %slice3A_11 : vector<1x32768xi32> to vector<32768xi32>
    %shift_left3A = arith.constant 16 : i32
    %shift_left3A_13 = vector.broadcast %shift_left3A : i32 to vector<32768xi32>
    %shift_left3A_14 = arith.shli %squeeze3A_12, %shift_left3A_13 : vector<32768xi32>
    %or3A = arith.ori %and3A_10, %shift_left3A_14 : vector<32768xi32>
    %swap3A = arith.constant 0 : index
    %swap3A_15 = vector.load %arg3[%swap3A] : memref<32768xi32, #tpu.memory_space<vmem>>, vector<32768xi32>
    tpu.vector_store %arg3[%swap3A], %or3A {strides = array<i32>} : memref<32768xi32, #tpu.memory_space<vmem>>, vector<32768xi32>,
    return
  }
  func.func @transform_0(%arg0: i32) -> (i32, i32) {
    %c0_i32 = arith.constant 0 : i32
    %c0_i32_0 = arith.constant 0 : i32
    %c0_i32_1 = arith.constant 0 : i32
    return %c0_i32, %c0_i32_0 : i32, i32
  }
  func.func @transform_1(%arg0: i32) -> (i32, i32) {
    %c0_i32 = arith.constant 0 : i32
    %c0_i32_0 = arith.constant 0 : i32
    return %c0_i32, %arg0 : i32, i32
  }
  func.func @transform_2(%arg0: i32) -> i32 {
    %c0_i32 = arith.constant 0 : i32
    return %arg0 : i32
  }
}

module attributes {stable_mosaic.version = 14 : i64} {
  func.func @_fold_body(%arg0: memref<4096x32xi32, #tpu.memory_space<vmem>>, %arg1: memref<32x2xf32, #tpu.memory_space<vmem>>, %arg2: memref<1x2xf32, #tpu.memory_space<vmem>>, %arg3: memref<4096x2xf32, #tpu.memory_space<vmem>>) attributes {dimension_semantics = [], scalar_prefetch = 0 : i64, scratch_operands = 0 : i64, tpu.core_type = #tpu.core_type<tc>} {
    %get3A = arith.constant 0 : index
    %get3A_0 = arith.constant 0 : index
    %get3A_1 = vector.load %arg0[%get3A, %get3A_0] : memref<4096x32xi32, #tpu.memory_space<vmem>>, vector<4096x32xi32>
    %convert_element_type3A = arith.sitofp %get3A_1 : vector<4096x32xi32> to vector<4096x32xf32>
    %get3A_2 = arith.constant 0 : index
    %get3A_3 = arith.constant 0 : index
    %get3A_4 = vector.load %arg1[%get3A_2, %get3A_3] : memref<32x2xf32, #tpu.memory_space<vmem>>, vector<32x2xf32>
    %dot_general3A = arith.constant dense<0.000000e+00> : vector<4096x2xf32>
    %dot_general3A_5 = tpu.matmul %convert_element_type3A, %get3A_4, %dot_general3A {dimension_numbers = #tpu.dot_dimension_numbers<[1], [0], [0], [1], [0, 0, 1, 1], [], []>, transpose_lhs_hint = false} : vector<4096x32xf32>, vector<32x2xf32>, vector<4096x2xf32> -> vector<4096x2xf32>
    %get3A_6 = arith.constant 0 : index
    %get3A_7 = arith.constant 0 : index
    %get3A_8 = vector.load %arg2[%get3A_6, %get3A_7] : memref<1x2xf32, #tpu.memory_space<vmem>>, vector<1x2xf32>
    %add3A = vector.broadcast %get3A_8 : vector<1x2xf32> to vector<4096x2xf32>
    %add3A_9 = arith.addf %dot_general3A_5, %add3A : vector<4096x2xf32>
    %swap3A = arith.constant 0 : index
    %swap3A_10 = arith.constant 0 : index
    %swap3A_11 = vector.load %arg3[%swap3A, %swap3A_10] : memref<4096x2xf32, #tpu.memory_space<vmem>>, vector<4096x2xf32>
    tpu.vector_store %arg3[%swap3A, %swap3A_10], %add3A_9 {strides = array<i32>} : memref<4096x2xf32, #tpu.memory_space<vmem>>, vector<4096x2xf32>,
    return
  }
}

</mosaic_0001>

<sc_bundles>
// kernel: kernel.5.cloned.1.call-start
scs
__scs_entry_jumppad:
0x0: {  	(pc) =	sbr.rel $0x88, $3  }
0x1: {  	(tag) =	ssettag $0x0;
	lr =	simm.s32 $0x1  }
0x2: {  	[smem:$0x3F9D] =	sst lr;
	_ =	strace $0xD0000000  }
0x3: {  	_ = 	snop  }
0x4: {  	_ = 	snop  }
0x5: {  	_ = 	snop  }
0x6: {  	_ = 	snop  }
0x7: {  	_ = 	snop  }
__scs_overlays_trampoline_lowered:
0x8: {  	[smem:$0x3FAC] =	sst s0  }
0x9: {  	[smem:$0x3FAD] =	sst s1  }
0xa: {  	[smem:$0x3FAE] =	sst s2  }
0xb: {  	[smem:$0x3FAF] =	sst s3  }
0xc: {  	[smem:$0x3FB0] =	sst s4  }
0xd: {  	[smem:$0x3FB1] =	sst s5  }
0xe: {  	[smem:$0x3FB2] =	sst s6  }
0xf: {  	[smem:$0x3FB3] =	sst s7  }
0x10: {  	[smem:$0x3FB4] =	sst s8  }
0x11: {  	[smem:$0x3FB5] =	sst s9;
	s0 =	simm.s32 @!p0 $0x0  }
0x12: {  	s1 =	sld [smem:$0x3F9B];
	s0 =	simm.s32 @p0 $0x1  }
0x13: {  	[smem:$0x3FB6] =	sst s0;
	s0 =	simm.s32 @!p1 $0x0  }
0x14: {  	s2 =	sld [smem:$0x3F9A];
	s0 =	simm.s32 @p1 $0x1  }
0x15: {  	[smem:$0x3FB7] =	sst s0;
	s0 =	simm.s32 @!p2 $0x0  }
0x16: {  	s3 =	sld [smem:$0x3FDB];
	s0 =	simm.s32 @p2 $0x1  }
0x17: {  	s4 =	simm.s32 $0x1BF5;
	[smem:$0x3FB9] =	sst s0  }
0x18: {  	s0 =	sld [smem:$0x3F9C];
	_ =	swait.ge [sflag:s4], $0x0  }
0x19: {  	s7 =	sld [smem:$0x3F9D]  }
0x1a: {  	s8 =	sadd.s32 $0xFFFFE003, lr  }
0x1b: {  	s9 =	sadd.s32 $0xFFFFFEF7, lr;
	s5 =	simm.s32 $0xFFFFFFFF;
	p2 =	slt.u32 s8, $0xFFFFF086  }
0x1c: {  	p1 =	slt.u32 s9, $0xF7A;
	s5 =	simm.s32 @!p2 $0x0  }
0x1d: {  	s5 =	simm.s32 @p1 $0x1;
	p0 =	seq.s32 s7, s2  }
0x1e: {  	s7 =	smul.u32 @!p0 $0xF7A, s2;
	p2 =	seq.s32 @!p0 s5, $0x0  }
0x1f: {  	s9 =	smul.u32 $0xF7A, s1;
	s8 =	simm.s32 @!p0 $0x1BF5;
	p2 =	por !p2, p0  }
0x20: {  	[sflag:s8] =	ssyncset.s32 @!p0 $0xFFFFF086;
	s6 =	sadd.s32 @!p0 s3, s7;
	s7 =	simm.s32 @!p0 $0x108  }
0x21: {  	s3 =	sadd.s32 s3, s9;
	s6 =	sadd.s32 @!p0 $0x88, s6;
	s7 =	simm.s32 @p2 $0x1082  }
0x22: {  	[simem:s7], [sflag:s8] =	dma.local @!p0 [hbm:s6], $0xF7A  }
0x23: {  	s9 =	sor.u32 $0xD0000000, s2;
	s6 =	simm.s32 $0x108;
	_ =	swait.ge @!p0 [sflag:s8], $0x0  }
0x24: {  	s3 =	sadd.s32 $0x88, s3;
	s6 =	simm.s32 @!p1 $0x1082;
	[sflag:s4] =	ssyncset.s32 $0xFFFFF086  }
0x25: {  	[simem:s6], [sflag:s4] =	dma.local [hbm:s3], $0xF7A  }
0x26: {  	[smem:$0x3F9D] =	sst s1;
	(tag) =	ssettag s2;
	_ =	strace s9  }
0x27: {  	s1 =	sld [smem:$0x3FAD]  }
0x28: {  	s2 =	sld [smem:$0x3FAE]  }
0x29: {  	s4 =	sld [smem:$0x3FB0]  }
0x2a: {  	p0 =	seq.s32 s5, $0x0;
	s5 =	sld [smem:$0x3FB1]  }
0x2b: {  	s6 =	sld [smem:$0x3FB2]  }
0x2c: {  	s7 =	sld [smem:$0x3FB3]  }
0x2d: {  	s3 =	simm.s32 $0x108;
	s8 =	sld [smem:$0x3FB4]  }
0x2e: {  	s3 =	simm.s32 @!p0 $0x1082;
	s9 =	sld [smem:$0x3FB5]  }
0x2f: {  	lr =	sadd.s32 s0, s3;
	s0 =	sld [smem:$0x3FAC]  }
0x30: {  	s3 =	sld [smem:$0x3FAF]  }
0x31: {  	[smem:$0x3FB8] =	sst s10  }
0x32: {  	s10 =	sld [smem:$0x3FB6];
	_ =	sdelay $0x3  }
0x33: {  	p0 =	seq.s32 s10, $0x1;
	s10 =	sld [smem:$0x3FB8];
	_ =	sdelay $0x3  }
0x34: {  	[smem:$0x3FB8] =	sst s10  }
0x35: {  	s10 =	sld [smem:$0x3FB7];
	_ =	sdelay $0x3  }
0x36: {  	p1 =	seq.s32 s10, $0x1;
	s10 =	sld [smem:$0x3FB8];
	_ =	sdelay $0x3  }
0x37: {  	[smem:$0x3FB8] =	sst s10  }
0x38: {  	s10 =	sld [smem:$0x3FB9]  }
0x39: {  	_ = 	snop;
	(pc) =	sbr.ind lr, $3  }
0x3a: {  	_ = 	snop  }
0x3b: {  	_ = 	snop  }
0x3c: {  	p2 =	seq.s32 s10, $0x1;
	s10 =	sld [smem:$0x3FB8]  }
0x3d: {  	_ =	shalt  }
0x3e: {  	_ =	shalt  }
0x3f: {  	_ =	shalt  }
0x40: {  	_ =	shalt  }
0x41: {  	_ =	shalt  }
0x42: {  	_ =	shalt  }
0x43: {  	_ =	shalt  }
0x44: {  	_ =	shalt  }
0x45: {  	_ =	shalt  }
0x46: {  	_ =	shalt  }
0x47: {  	_ =	shalt  }
0x48: {  	_ =	shalt  }
0x49: {  	_ =	shalt  }
0x4a: {  	_ =	shalt  }
0x4b: {  	_ =	shalt  }
0x4c: {  	_ =	shalt  }
0x4d: {  	_ =	shalt  }
0x4e: {  	_ =	shalt  }
0x4f: {  	_ =	shalt  }
0x50: {  	_ =	shalt  }
0x51: {  	_ =	shalt  }
0x52: {  	_ =	shalt  }
0x53: {  	_ =	shalt  }
0x54: {  	_ =	shalt  }
0x55: {  	_ =	shalt  }
0x56: {  	_ =	shalt  }
0x57: {  	_ =	shalt  }
0x58: {  	_ =	shalt  }
0x59: {  	_ =	shalt  }
0x5a: {  	_ =	shalt  }
0x5b: {  	_ =	shalt  }
0x5c: {  	_ =	shalt  }
0x5d: {  	_ =	shalt  }
0x5e: {  	_ =	shalt  }
0x5f: {  	_ =	shalt  }
0x60: {  	_ =	shalt  }
0x61: {  	_ =	shalt  }
0x62: {  	_ =	shalt  }
0x63: {  	_ =	shalt  }
0x64: {  	_ =	shalt  }
0x65: {  	_ =	shalt  }
0x66: {  	_ =	shalt  }
0x67: {  	_ =	shalt  }
0x68: {  	_ =	shalt  }
0x69: {  	_ =	shalt  }
0x6a: {  	_ =	shalt  }
0x6b: {  	_ =	shalt  }
0x6c: {  	_ =	shalt  }
0x6d: {  	_ =	shalt  }
0x6e: {  	_ =	shalt  }
0x6f: {  	_ =	shalt  }
0x70: {  	_ =	shalt  }
0x71: {  	_ =	shalt  }
0x72: {  	_ =	shalt  }
0x73: {  	_ =	shalt  }
0x74: {  	_ =	shalt  }
0x75: {  	_ =	shalt  }
0x76: {  	_ =	shalt  }
0x77: {  	_ =	shalt  }
0x78: {  	_ =	shalt  }
0x79: {  	_ =	shalt  }
0x7a: {  	_ =	shalt  }
0x7b: {  	_ =	shalt  }
0x7c: {  	_ =	shalt  }
0x7d: {  	_ =	shalt  }
0x7e: {  	_ =	shalt  }
0x7f: {  	_ =	shalt  }
0x80: {  	_ =	shalt  }
0x81: {  	_ =	shalt  }
0x82: {  	_ =	shalt  }
0x83: {  	_ =	shalt  }
0x84: {  	_ =	shalt  }
0x85: {  	_ =	shalt  }
0x86: {  	_ =	shalt  }
0x87: {  	_ =	shalt  }
.Lfunc_end0:
.L_simem_size_0:
called_computation_lowered:
.L_overlay_start_0:
0x88: {  	s2 =	sld [smem:$0x3FD9]  }
0x89: {  	s3 =	sld [smem:$0x3FFE];
	_ =	sdelay $0x1  }
0x8a: {  	s1 =	srdreg.scid  }
0x8b: {  	s0 =	sand.u32 $0x1, s1  }
0x8c: {  	s16 =	sshll.u32 s0, $0xA;
	s2 =	sadd.s32 s3, s2  }
0x8d: {  	s2 =	sadd.s32 s2, s16  }
0x8e: {  	[smem:$0x3FC4] =	sst s2  }
0x8f: {  	_ = 	snop  }
0x90: {  	(tm) =	ssettm $0x1  }
0x91: {  	s17 =	sld [smem:$0x3FFB];
	_ =	sdelay $0x3  }
0x92: {  	_ =	strace s17  }
0x93: {  	s2 =	sld [smem:$0x3FFC];
	_ =	sdelay $0x3  }
0x94: {  	_ =	strace s2  }
0x95: {  	s2 =	sld [smem:$0x3FFD];
	_ =	sdelay $0x3  }
0x96: {  	_ =	strace s2  }
0x97: {  	_ =	strace $0x8FFFFFFF  }
0x98: {  	s18 =	sld [smem:$0x3FDB];
	_ =	sdelay $0x1  }
0x99: {  	s19 =	simm.s32 $_scs_section_size  }
0x9a: {  	s4 =	simm.s32 $_size__tile_overlayer_lowered;
	s5 =	simm.s32 $_tile_overlayer_lowered  }
0x9b: {  	s22 =	simm.s32 $0x1BFF;
	s21 =	sshll.u32 s5, $0x1;
	s2 =	sadd.s32 s19, s18  }
0x9c: {  	s6 =	simm.s32 $0x0;
	s20 =	sshll.u32 s4, $0x1;
	s4 =	sadd.s32 s21, s2  }
0x9d: {  	[timem:s6], [sflag:s22] =	dma.local [hbm:s4], s20  }
0x9e: {  	_ =	swait.ge [sflag:s22], s20  }
0x9f: {  	s3 =	ssub.s32 $0x0, s20;
	[sflag:s22] =	ssyncset.done $0x0  }
0xa0: {  	[sflag:s22] =	ssyncadd.s32 s3;
	_ =	sdelay $0x1  }
0xa1: {  	s23 =	simm.s32 $0x1B8B  }
0xa2: {  	_ =	swait.ge [sflag:s23], $0x1  }
0xa3: {  	[sflag:s23] =	ssyncset.done $0x0  }
0xa4: {  	s25 =	simm.s32 $0x1B8E;
	s24 =	sld [smem:$0x3FFE];
	[sflag:s23] =	ssyncadd.s32 $0xFFFFFFFF  }
0xa5: {  	s26 =	simm.s32 $execute0_lowered;
	[smem:$0x3FD2] =	sst s25  }
0xa6: {  	s4 =	sshll.u32 s26, $0x1;
	_ =	strace $0x80000046;
	[dreg:$0x1] =	wrdreg $0xFFFFFFFF  }
0xa7: {  	s28 =	simm.s32 $_size_execute0_lowered;
	s2 =	sadd.s32 s2, s4;
	[dreg:$0x0] =	wrdreg $0x0  }
0xa8: {  	s4 =	sshll.u32 s28, $0x1;
	[dreg:$0x2] =	wrdreg s2  }
0xa9: {  	[dreg:$0x3] =	wrdreg s4  }
0xaa: {  	[dreg:$0x4] =	wrdreg $0xC0  }
0xab: {  	_ =	task [dreg:s6], $0x5FFFF  }
0xac: {  	[dreg:$0x1] =	wrdreg $0xFFFFFFFF  }
0xad: {  	[dreg:$0x0] =	wrdreg $0x60  }
0xae: {  	[dreg:$0x2] =	wrdreg s24  }
0xaf: {  	[dreg:$0x3] =	wrdreg $0x9  }
0xb0: {  	_ =	task.clear_ibuf [dreg:s6], $0x4FFFF;
	_ =	strace $0x90000046  }
0xb1: {  	s29 =	simm.s32 $0x9;
	_ =	strace $0x80000048  }
0xb2: {  	_ =	swait.ge [sflag:s29], $0x1  }
0xb3: {  	[sflag:s29] =	ssyncadd.s32 $0xFFFFFFFF  }
0xb4: {  	_ =	strace $0x90000048  }
0xb5: {  	_ =	sfence  }
0xb6: {  	s30 =	sld [smem:$0x0];
	_ =	sdelay $0x2  }
0xb7: {  	s31 =	sshll.u32 s1, $0xD;
	s1 =	sshrl.u32 s1, $0x2  }
0xb8: {  	s3 =	sand.u32 $0x4000, s31;
	s1 =	sadd.s32 s1, s30  }
0xb9: {  	s0 =	sor.u32 s3, s0;
	s1 =	sshll.u32 s1, $0x11  }
0xba: {  	s0 =	sor.u32 s1, s0  }
0xbb: {  	s0 =	sadd.s32 $0x8F2B, s0  }
0xbc: {  	[sflag:s0] =	ssyncadd.remote.s32 $0x1  }
0xbd: {  	_ =	sfence.sel $0xFFFF  }
0xbe: {  	[dreg:$0x0] =	wrdreg $0xFFFFFFFF;
	(pc) =	sbr.abs _section_cstart, $3  }
0xbf: {  	[dreg:$0x1] =	wrdreg $0xFFFFFFFF  }
0xc0: {  	_ =	task.clear_ibuf [dreg:s6], $0x2FFFF;
	_ =	strace $0x9FFFFFFF  }
0xc1: {  	(tm) =	ssettm $0x7FFFFFFF  }
tec
execute0_lowered:
.L_overlay_start_1:
0x0: {  	(tag) =	ssettag $0x1  }
0x1: {  	s0 =	srdreg.scid;
	s1 =	stileid.u32  }
0x2: {  	s4 =	rddreg [dreg:$0x0];
	s7 =	simm.s32 $0x9;
	s8 =	simm.s32 $0x68  }
0x3: {  	s10 =	simm.s32 $0x60;
	s11 =	simm.s32 $0x518;
	s12 =	simm.s32 $0x6948  }
0x4: {  	s13 =	simm.s32 $0x578;
	s14 =	simm.s32 $0x69B0;
	s15 =	simm.s32 $0x5E0  }
0x5: {  	s16 =	simm.s32 $0x6A18;
	s17 =	simm.s32 $0x1;
	s18 =	simm.s32 $0x2  }
0x6: {  	s19 =	simm.s32 $0x3;
	s20 =	simm.s32 $0x4;
	s21 =	simm.s32 $0x5  }
0x7: {  	s22 =	simm.s32 $0x6;
	s23 =	simm.s32 $0x7;
	s24 =	simm.s32 $0x8  }
0x8: {  	s25 =	simm.s32 $0x6A80;
	s26 =	simm.s32 $0x0;
	s0 =	sand.u32 $0x1, s0  }
0x9: {  	s1 =	sshll.u32 s1, $0x8;
	s2 =	sshll.u32 s0, $0x7;
	s0 =	ssub.s32 $0x2, s0  }
.Ltmp0:
0xa: {  	s1 =	sor.u32 s2, s1;
	s2 =	simm.s32 $0x0;
	(pc) =	sbr.rel .LBB2_1-.Ltmp0, $4  }
0xb: {  	s6 =	sshrl.u32 s0, $0x1;
	s3 =	smul.u32 $0x19, s1;
	[smem:$0x7FF] =	sst s2  }
0xc: {  	s1 =	sshll.u32 s1, $0x2;
	s0 =	ssub.s32 s0, s6;
	_ =	strace $0x80000047  }
0xd: {  	s1 =	sadd.s32 s1, s4;
	s6 =	smax.u32 s0, $0x1;
	s5 =	sadd.s32 s3, s4  }
0xe: {  	v0 =	vimm.s32 $0x0;
	s3 =	sadd.s32 $0x19C00, s4;
	s4 =	sadd.s32 $0xC00, s5;
	s5 =	sadd.s32 $0x38600, s1  }
.LBB2_4:
0xf: {  	s26 =	sadd.s32 $0x1, s26  }
0x10: {  	p0 =	sne.s32 s26, s6  }
.Ltmp1:
0x11: {  	_ = 	snop;
	(pc) =	sbr.rel @!p0 .LBB2_5-.Ltmp1, $4  }
0x12: {  	[hbm4b:s5+s2] =	stream.linear.scatter [tilespmem:s25], [sflag:$0x9], $0x1000, $0x38;
	[tilespmem:$0x7A80] =	vst v63  }
0x13: {  	_ =	swait.ge [sflag:s7], $0x1000  }
0x14: {  	[sflag:s7] =	ssyncset.done $0x0  }
0x15: {  	[sflag:s7] =	ssyncadd.s32 $0xFFFFF000  }
.LBB2_1:
0x16: {  	[tilespmem:s2], [sflag:$0x9] =	stream.linear.gather [hbm4b:s4+s2], $0x6400, $0x38;
	[tilespmem:$0x7A80] =	vst v63  }
0x17: {  	_ =	swait.ge [sflag:s7], $0x6400  }
0x18: {  	[sflag:s7] =	ssyncset.done $0x0  }
0x19: {  	[sflag:s7] =	ssyncadd.s32 $0xFFFF9C00  }
0x1a: {  	[tilespmem:$0x64C0] =	vst v0  }
0x1b: {  	[tilespmem:$0x6590] =	vst v0  }
0x1c: {  	[tilespmem:$0x6660] =	vst v0  }
0x1d: {  	[tilespmem:$0x6730] =	vst v0  }
0x1e: {  	[tilespmem:$0x6800] =	vst v0  }
0x1f: {  	[tilespmem:$0x68D0] =	vst v0  }
0x20: {  	[tilespmem:$0x69A0] =	vst v0  }
0x21: {  	s0 =	simm.s32 $0x6400;
	[tilespmem:$0x6A70] =	vst v0  }
0x22: {  	[tilespmem:s0], [sflag:$0x1] =	stream.indirect.gather [hbm4b:s3+s8], $0x1, s2, s8, $0xb8;
	[tilespmem:$0x7A80] =	vst v63  }
0x23: {  	s30 =	simm.s32 $0x6468  }
0x24: {  	[tilespmem:s30], [sflag:$0x1] =	stream.indirect.gather [hbm4b:s3+s10], $0x1, s8, s10, $0xb8;
	[tilespmem:$0x7A80] =	vst v63  }
0x25: {  	s31 =	simm.s32 $0xC8;
	s1 =	simm.s32 $0x64D0  }
0x26: {  	[tilespmem:s1], [sflag:$0x2] =	stream.indirect.gather [hbm4b:s3+s8], $0x1, s31, s8, $0xb8;
	[tilespmem:$0x7A80] =	vst v63  }
0x27: {  	s9 =	simm.s32 $0x6538;
	s1 =	simm.s32 $0x130  }
0x28: {  	[tilespmem:s9], [sflag:$0x2] =	stream.indirect.gather [hbm4b:s3+s10], $0x1, s1, s10, $0xb8;
	[tilespmem:$0x7A80] =	vst v63  }
0x29: {  	s30 =	simm.s32 $0x190;
	s31 =	simm.s32 $0x65A0  }
0x2a: {  	[tilespmem:s31], [sflag:$0x3] =	stream.indirect.gather [hbm4b:s3+s8], $0x1, s30, s8, $0xb8;
	[tilespmem:$0x7A80] =	vst v63  }
0x2b: {  	s1 =	simm.s32 $0x1F8;
	s9 =	simm.s32 $0x6608  }
0x2c: {  	[tilespmem:s9], [sflag:$0x3] =	stream.indirect.gather [hbm4b:s3+s10], $0x1, s1, s10, $0xb8;
	[tilespmem:$0x7A80] =	vst v63  }
0x2d: {  	s30 =	simm.s32 $0x258;
	s31 =	simm.s32 $0x6670  }
0x2e: {  	[tilespmem:s31], [sflag:$0x4] =	stream.indirect.gather [hbm4b:s3+s8], $0x1, s30, s8, $0xb8;
	[tilespmem:$0x7A80] =	vst v63  }
0x2f: {  	s1 =	simm.s32 $0x2C0;
	s9 =	simm.s32 $0x66D8  }
0x30: {  	[tilespmem:s9], [sflag:$0x4] =	stream.indirect.gather [hbm4b:s3+s10], $0x1, s1, s10, $0xb8;
	[tilespmem:$0x7A80] =	vst v63  }
0x31: {  	s30 =	simm.s32 $0x320;
	s31 =	simm.s32 $0x6740  }
0x32: {  	[tilespmem:s31], [sflag:$0x5] =	stream.indirect.gather [hbm4b:s3+s8], $0x1, s30, s8, $0xb8;
	[tilespmem:$0x7A80] =	vst v63  }
0x33: {  	s1 =	simm.s32 $0x388;
	s9 =	simm.s32 $0x67A8  }
0x34: {  	[tilespmem:s9], [sflag:$0x5] =	stream.indirect.gather [hbm4b:s3+s10], $0x1, s1, s10, $0xb8;
	[tilespmem:$0x7A80] =	vst v63  }
0x35: {  	s30 =	simm.s32 $0x3E8;
	s31 =	simm.s32 $0x6810  }
0x36: {  	[tilespmem:s31], [sflag:$0x6] =	stream.indirect.gather [hbm4b:s3+s8], $0x1, s30, s8, $0xb8;
	[tilespmem:$0x7A80] =	vst v63  }
0x37: {  	s1 =	simm.s32 $0x450;
	s9 =	simm.s32 $0x6878  }
0x38: {  	[tilespmem:s9], [sflag:$0x6] =	stream.indirect.gather [hbm4b:s3+s10], $0x1, s1, s10, $0xb8;
	[tilespmem:$0x7A80] =	vst v63  }
0x39: {  	s30 =	simm.s32 $0x4B0;
	s31 =	simm.s32 $0x68E0  }
0x3a: {  	[tilespmem:s31], [sflag:$0x7] =	stream.indirect.gather [hbm4b:s3+s8], $0x1, s30, s8, $0xb8;
	[tilespmem:$0x7A80] =	vst v63  }
0x3b: {  	_ = 	snop  }
0x3c: {  	[tilespmem:s12], [sflag:$0x7] =	stream.indirect.gather [hbm4b:s3+s10], $0x1, s11, s10, $0xb8;
	[tilespmem:$0x7A80] =	vst v63  }
0x3d: {  	_ = 	snop  }
0x3e: {  	[tilespmem:s14], [sflag:$0x8] =	stream.indirect.gather [hbm4b:s3+s8], $0x1, s13, s8, $0xb8;
	[tilespmem:$0x7A80] =	vst v63  }
0x3f: {  	s28 =	simm.s32 $0x6B00;
	s29 =	simm.s32 $0x0  }
0x40: {  	[tilespmem:s16], [sflag:$0x8] =	stream.indirect.gather [hbm4b:s3+s10], $0x1, s15, s10, $0xb8;
	[tilespmem:$0x7A80] =	vst v63  }
.LBB2_2:
0x41: {  	_ =	swait.ge [sflag:s17], $0x68  }
0x42: {  	[sflag:s17] =	ssyncset.done $0x0  }
0x43: {  	[sflag:s17] =	ssyncadd.s32 $0xFFFFFF98  }
0x44: {  	_ =	swait.ge [sflag:s17], $0x60  }
0x45: {  	[sflag:s17] =	ssyncset.done $0x0  }
0x46: {  	[sflag:s17] =	ssyncadd.s32 $0xFFFFFFA0  }
0x47: {  	v1 =	vld [tilespmem:$0x6400]  }
0x48: {  	v2 =	vld [tilespmem:$0x6410]  }
0x49: {  	v3 =	vld [tilespmem:$0x6420]  }
0x4a: {  	v7 =	vld [tilespmem:$0x6440];
	_ =	sdelay $0x1  }
0x4b: {  	v4 =	vld [tilespmem:$0x6430]  }
0x4c: {  	v8 =	vld [tilespmem:$0x6450];
	v5 =	vshll.u32 v1, $0x10;
	v6 =	vshll.u32 v2, $0x10  }
0x4d: {  	v1 =	vshra.s32 v1, $0x10;
	v2 =	vshra.s32 v2, $0x10;
	v53 =	vshll.u32 v3, $0x10  }
0x4e: {  	v3 =	vshra.s32 v3, $0x10;
	v55 =	vshll.u32 v7, $0x10;
	v5 =	vshra.s32 v5, $0x10  }
0x4f: {  	v54 =	vld [tilespmem:$0x6460];
	v6 =	vshra.s32 v6, $0x10;
	v1 =	vadd.s32 v1, v2;
	v2 =	vshra.s32 v53, $0x10  }
0x50: {  	v9 =	vld [tilespmem:$0x6470];
	v5 =	vadd.s32 v5, v6;
	v1 =	vadd.s32 v3, v1;
	v3 =	vshll.u32 v4, $0x10  }
0x51: {  	v57 =	vld [tilespmem:$0x6480];
	v56 =	vshll.u32 v8, $0x10;
	v2 =	vadd.s32 v2, v5;
	v3 =	vshra.s32 v3, $0x10  }
0x52: {  	v4 =	vshra.s32 v4, $0x10;
	v2 =	vadd.s32 v3, v2;
	v3 =	vshra.s32 v55, $0x10  }
0x53: {  	v59 =	vld [tilespmem:$0x6490];
	v1 =	vadd.s32 v4, v1;
	v2 =	vadd.s32 v3, v2;
	v3 =	vshra.s32 v7, $0x10  }
0x54: {  	v61 =	vld [tilespmem:$0x64A0];
	v58 =	vshra.s32 v8, $0x10;
	v1 =	vadd.s32 v3, v1;
	v3 =	vshra.s32 v56, $0x10  }
0x55: {  	v63 =	vld [tilespmem:$0x64B0];
	v60 =	vshll.u32 v9, $0x10;
	v2 =	vadd.s32 v3, v2;
	v3 =	vshll.u32 v54, $0x10  }
0x56: {  	v62 =	vshll.u32 v57, $0x10;
	v5 =	vshra.s32 v54, $0x10;
	v3 =	vshra.s32 v3, $0x10  }
0x57: {  	v1 =	vadd.s32 v58, v1;
	v2 =	vadd.s32 v3, v2;
	v3 =	vshra.s32 v60, $0x10  }
0x58: {  	v1 =	vadd.s32 v5, v1;
	v2 =	vadd.s32 v3, v2;
	v3 =	vshra.s32 v9, $0x10  }
0x59: {  	v10 =	vld [tilespmem:$0x64C0];
	v11 =	vshll.u32 v61, $0x10;
	v1 =	vadd.s32 v3, v1;
	v3 =	vshra.s32 v62, $0x10  }
0x5a: {  	v12 =	vshll.u32 v63, $0x10;
	v2 =	vadd.s32 v3, v2;
	v3 =	vshll.u32 v59, $0x10  }
0x5b: {  	v4 =	vshra.s32 v59, $0x10;
	v9 =	vshra.s32 v57, $0x10;
	v3 =	vshra.s32 v3, $0x10  }
0x5c: {  	v1 =	vadd.s32 v9, v1;
	v2 =	vadd.s32 v3, v2;
	v3 =	vshra.s32 v11, $0x10  }
0x5d: {  	v1 =	vadd.s32 v4, v1;
	v2 =	vadd.s32 v3, v2;
	v3 =	vshra.s32 v61, $0x10  }
0x5e: {  	v13 =	vshll.u32 v10, $0x10;
	v1 =	vadd.s32 v3, v1;
	v3 =	vshra.s32 v12, $0x10  }
0x5f: {  	v4 =	vshra.s32 v13, $0x10;
	v2 =	vadd.s32 v3, v2;
	v3 =	vshra.s32 v63, $0x10  }
0x60: {  	p0 =	seq.s32 s29, $0x17700;
	v1 =	vadd.s32 v3, v1;
	v2 =	vadd.s32 v4, v2;
	v3 =	vshra.s32 v10, $0x10  }
0x61: {  	s30 =	sshra.s32 @!p0 s29, $0x2;
	v1 =	vadd.s32 v3, v1;
	[tilespmem:s28+$0xFFFFFF80] =	vst v2  }
0x62: {  	s31 =	simm.s32 @!p0 $0x68;
	s0 =	simm.s32 @!p0 $0x6400;
	s1 =	sadd.s32 @!p0 $0x640, s30;
	[tilespmem:s28+$0xFFFFFF90] =	vst v1  }
0x63: {  	[tilespmem:s0], [sflag:$0x1] =	stream.indirect.gather @!p0 [hbm4b:s3+s31], $0x1, s1, s31, $0xb8;
	[tilespmem:$0x7A80] =	vst v63  }
0x64: {  	s9 =	simm.s32 @!p0 $0x6468;
	s0 =	sadd.s32 @!p0 $0x6A8, s30;
	s1 =	simm.s32 @!p0 $0x60  }
0x65: {  	[tilespmem:s9], [sflag:$0x1] =	stream.indirect.gather @!p0 [hbm4b:s3+s1], $0x1, s0, s1, $0xb8;
	[tilespmem:$0x7A80] =	vst v63  }
0x66: {  	_ =	swait.ge [sflag:s18], $0x68  }
0x67: {  	[sflag:s18] =	ssyncset.done $0x0  }
0x68: {  	[sflag:s18] =	ssyncadd.s32 $0xFFFFFF98  }
0x69: {  	_ =	swait.ge [sflag:s18], $0x60  }
0x6a: {  	[sflag:s18] =	ssyncset.done $0x0  }
0x6b: {  	[sflag:s18] =	ssyncadd.s32 $0xFFFFFFA0  }
0x6c: {  	v1 =	vld [tilespmem:$0x64D0]  }
0x6d: {  	v2 =	vld [tilespmem:$0x64E0]  }
0x6e: {  	v3 =	vld [tilespmem:$0x64F0]  }
0x6f: {  	v14 =	vld [tilespmem:$0x6500];
	_ =	sdelay $0x2  }
0x70: {  	v17 =	vld [tilespmem:$0x6510];
	v15 =	vshll.u32 v1, $0x10;
	v16 =	vshll.u32 v2, $0x10  }
0x71: {  	v19 =	vld [tilespmem:$0x6520];
	v1 =	vshra.s32 v1, $0x10;
	v2 =	vshra.s32 v2, $0x10;
	v18 =	vshll.u32 v3, $0x10  }
0x72: {  	v3 =	vshra.s32 v3, $0x10;
	v4 =	vshra.s32 v14, $0x10;
	v5 =	vshra.s32 v15, $0x10  }
0x73: {  	v20 =	vld [tilespmem:$0x6530];
	v6 =	vshra.s32 v16, $0x10;
	v1 =	vadd.s32 v1, v2;
	v2 =	vshra.s32 v18, $0x10  }
0x74: {  	v22 =	vld [tilespmem:$0x6540];
	v5 =	vadd.s32 v5, v6;
	v1 =	vadd.s32 v3, v1;
	v3 =	vshll.u32 v14, $0x10  }
0x75: {  	v24 =	vld [tilespmem:$0x6550];
	v21 =	vshll.u32 v17, $0x10;
	v2 =	vadd.s32 v2, v5;
	v3 =	vshra.s32 v3, $0x10  }
0x76: {  	v23 =	vshll.u32 v19, $0x10;
	v2 =	vadd.s32 v3, v2;
	v3 =	vshra.s32 v21, $0x10  }
0x77: {  	v1 =	vadd.s32 v4, v1;
	v2 =	vadd.s32 v3, v2;
	v3 =	vshra.s32 v17, $0x10  }
0x78: {  	v26 =	vld [tilespmem:$0x6560];
	v25 =	vshra.s32 v19, $0x10;
	v1 =	vadd.s32 v3, v1;
	v3 =	vshra.s32 v23, $0x10  }
0x79: {  	v28 =	vld [tilespmem:$0x6570];
	v27 =	vshll.u32 v22, $0x10;
	v2 =	vadd.s32 v3, v2;
	v3 =	vshll.u32 v20, $0x10  }
0x7a: {  	v30 =	vld [tilespmem:$0x6580];
	v29 =	vshll.u32 v24, $0x10;
	v5 =	vshra.s32 v20, $0x10;
	v3 =	vshra.s32 v3, $0x10  }
0x7b: {  	v1 =	vadd.s32 v25, v1;
	v2 =	vadd.s32 v3, v2;
	v3 =	vshra.s32 v27, $0x10  }
0x7c: {  	v1 =	vadd.s32 v5, v1;
	v2 =	vadd.s32 v3, v2;
	v3 =	vshra.s32 v22, $0x10  }
0x7d: {  	v32 =	vld [tilespmem:$0x6590];
	v31 =	vshra.s32 v24, $0x10;
	v1 =	vadd.s32 v3, v1;
	v3 =	vshra.s32 v29, $0x10  }
0x7e: {  	v33 =	vshll.u32 v28, $0x10;
	v2 =	vadd.s32 v3, v2;
	v3 =	vshll.u32 v26, $0x10  }
0x7f: {  	v34 =	vshll.u32 v30, $0x10;
	v4 =	vshra.s32 v26, $0x10;
	v3 =	vshra.s32 v3, $0x10  }
0x80: {  	v1 =	vadd.s32 v31, v1;
	v2 =	vadd.s32 v3, v2;
	v3 =	vshra.s32 v33, $0x10  }
0x81: {  	v1 =	vadd.s32 v4, v1;
	v2 =	vadd.s32 v3, v2;
	v3 =	vshra.s32 v28, $0x10  }
0x82: {  	v35 =	vshll.u32 v32, $0x10;
	v1 =	vadd.s32 v3, v1;
	v3 =	vshra.s32 v34, $0x10  }
0x83: {  	v4 =	vshra.s32 v35, $0x10;
	v2 =	vadd.s32 v3, v2;
	v3 =	vshra.s32 v30, $0x10  }
0x84: {  	v1 =	vadd.s32 v3, v1;
	v2 =	vadd.s32 v4, v2;
	v3 =	vshra.s32 v32, $0x10  }
0x85: {  	v1 =	vadd.s32 v3, v1;
	[tilespmem:s28+$0xFFFFFFA0] =	vst v2  }
0x86: {  	s0 =	sadd.s32 @!p0 $0x708, s30;
	s9 =	simm.s32 @!p0 $0x64D0;
	[tilespmem:s28+$0xFFFFFFB0] =	vst v1  }
0x87: {  	[tilespmem:s9], [sflag:$0x2] =	stream.indirect.gather @!p0 [hbm4b:s3+s31], $0x1, s0, s31, $0xb8;
	[tilespmem:$0x7A80] =	vst v63  }
0x88: {  	s0 =	sadd.s32 @!p0 $0x770, s30;
	s9 =	simm.s32 @!p0 $0x6538  }
0x89: {  	[tilespmem:s9], [sflag:$0x2] =	stream.indirect.gather @!p0 [hbm4b:s3+s1], $0x1, s0, s1, $0xb8;
	[tilespmem:$0x7A80] =	vst v63  }
0x8a: {  	_ =	swait.ge [sflag:s19], $0x68  }
0x8b: {  	[sflag:s19] =	ssyncset.done $0x0  }
0x8c: {  	[sflag:s19] =	ssyncadd.s32 $0xFFFFFF98  }
0x8d: {  	_ =	swait.ge [sflag:s19], $0x60  }
0x8e: {  	[sflag:s19] =	ssyncset.done $0x0  }
0x8f: {  	[sflag:s19] =	ssyncadd.s32 $0xFFFFFFA0  }
0x90: {  	v1 =	vld [tilespmem:$0x65A0]  }
0x91: {  	v2 =	vld [tilespmem:$0x65B0]  }
0x92: {  	v3 =	vld [tilespmem:$0x65C0]  }
0x93: {  	v36 =	vld [tilespmem:$0x65D0];
	_ =	sdelay $0x2  }
0x94: {  	v39 =	vld [tilespmem:$0x65E0];
	v37 =	vshll.u32 v1, $0x10;
	v38 =	vshll.u32 v2, $0x10  }
0x95: {  	v41 =	vld [tilespmem:$0x65F0];
	v1 =	vshra.s32 v1, $0x10;
	v2 =	vshra.s32 v2, $0x10;
	v40 =	vshll.u32 v3, $0x10  }
0x96: {  	v3 =	vshra.s32 v3, $0x10;
	v4 =	vshra.s32 v36, $0x10;
	v5 =	vshra.s32 v37, $0x10  }
0x97: {  	v42 =	vld [tilespmem:$0x6600];
	v6 =	vshra.s32 v38, $0x10;
	v1 =	vadd.s32 v1, v2;
	v2 =	vshra.s32 v40, $0x10  }
0x98: {  	v44 =	vld [tilespmem:$0x6610];
	v5 =	vadd.s32 v5, v6;
	v1 =	vadd.s32 v3, v1;
	v3 =	vshll.u32 v36, $0x10  }
0x99: {  	v46 =	vld [tilespmem:$0x6620];
	v43 =	vshll.u32 v39, $0x10;
	v2 =	vadd.s32 v2, v5;
	v3 =	vshra.s32 v3, $0x10  }
0x9a: {  	v45 =	vshll.u32 v41, $0x10;
	v2 =	vadd.s32 v3, v2;
	v3 =	vshra.s32 v43, $0x10  }
0x9b: {  	v1 =	vadd.s32 v4, v1;
	v2 =	vadd.s32 v3, v2;
	v3 =	vshra.s32 v39, $0x10  }
0x9c: {  	v48 =	vld [tilespmem:$0x6630];
	v47 =	vshra.s32 v41, $0x10;
	v1 =	vadd.s32 v3, v1;
	v3 =	vshra.s32 v45, $0x10  }
0x9d: {  	v50 =	vld [tilespmem:$0x6640];
	v49 =	vshll.u32 v44, $0x10;
	v2 =	vadd.s32 v3, v2;
	v3 =	vshll.u32 v42, $0x10  }
0x9e: {  	v52 =	vld [tilespmem:$0x6650];
	v51 =	vshll.u32 v46, $0x10;
	v5 =	vshra.s32 v42, $0x10;
	v3 =	vshra.s32 v3, $0x10  }
0x9f: {  	v1 =	vadd.s32 v47, v1;
	v2 =	vadd.s32 v3, v2;
	v3 =	vshra.s32 v49, $0x10  }
0xa0: {  	v1 =	vadd.s32 v5, v1;
	v2 =	vadd.s32 v3, v2;
	v3 =	vshra.s32 v44, $0x10  }
0xa1: {  	v54 =	vld [tilespmem:$0x6660];
	v53 =	vshra.s32 v46, $0x10;
	v1 =	vadd.s32 v3, v1;
	v3 =	vshra.s32 v51, $0x10  }
0xa2: {  	v55 =	vshll.u32 v50, $0x10;
	v2 =	vadd.s32 v3, v2;
	v3 =	vshll.u32 v48, $0x10  }
0xa3: {  	v56 =	vshll.u32 v52, $0x10;
	v4 =	vshra.s32 v48, $0x10;
	v3 =	vshra.s32 v3, $0x10  }
0xa4: {  	v1 =	vadd.s32 v53, v1;
	v2 =	vadd.s32 v3, v2;
	v3 =	vshra.s32 v55, $0x10  }
0xa5: {  	v1 =	vadd.s32 v4, v1;
	v2 =	vadd.s32 v3, v2;
	v3 =	vshra.s32 v50, $0x10  }
0xa6: {  	v57 =	vshll.u32 v54, $0x10;
	v1 =	vadd.s32 v3, v1;
	v3 =	vshra.s32 v56, $0x10  }
0xa7: {  	v4 =	vshra.s32 v57, $0x10;
	v2 =	vadd.s32 v3, v2;
	v3 =	vshra.s32 v52, $0x10  }
0xa8: {  	v1 =	vadd.s32 v3, v1;
	v2 =	vadd.s32 v4, v2;
	v3 =	vshra.s32 v54, $0x10  }
0xa9: {  	v1 =	vadd.s32 v3, v1;
	[tilespmem:s28+$0xFFFFFFC0] =	vst v2  }
0xaa: {  	s0 =	sadd.s32 @!p0 $0x7D0, s30;
	s9 =	simm.s32 @!p0 $0x65A0;
	[tilespmem:s28+$0xFFFFFFD0] =	vst v1  }
0xab: {  	[tilespmem:s9], [sflag:$0x3] =	stream.indirect.gather @!p0 [hbm4b:s3+s31], $0x1, s0, s31, $0xb8;
	[tilespmem:$0x7A80] =	vst v63  }
0xac: {  	s0 =	sadd.s32 @!p0 $0x838, s30;
	s9 =	simm.s32 @!p0 $0x6608  }
0xad: {  	[tilespmem:s9], [sflag:$0x3] =	stream.indirect.gather @!p0 [hbm4b:s3+s1], $0x1, s0, s1, $0xb8;
	[tilespmem:$0x7A80] =	vst v63  }
0xae: {  	_ =	swait.ge [sflag:s20], $0x68  }
0xaf: {  	[sflag:s20] =	ssyncset.done $0x0  }
0xb0: {  	[sflag:s20] =	ssyncadd.s32 $0xFFFFFF98  }
0xb1: {  	_ =	swait.ge [sflag:s20], $0x60  }
0xb2: {  	[sflag:s20] =	ssyncset.done $0x0  }
0xb3: {  	[sflag:s20] =	ssyncadd.s32 $0xFFFFFFA0  }
0xb4: {  	v1 =	vld [tilespmem:$0x6670]  }
0xb5: {  	v2 =	vld [tilespmem:$0x6680]  }
0xb6: {  	v3 =	vld [tilespmem:$0x6690]  }
0xb7: {  	v58 =	vld [tilespmem:$0x66A0];
	_ =	sdelay $0x2  }
0xb8: {  	v61 =	vld [tilespmem:$0x66B0];
	v59 =	vshll.u32 v1, $0x10;
	v60 =	vshll.u32 v2, $0x10  }
0xb9: {  	v63 =	vld [tilespmem:$0x66C0];
	v1 =	vshra.s32 v1, $0x10;
	v2 =	vshra.s32 v2, $0x10;
	v62 =	vshll.u32 v3, $0x10  }
0xba: {  	v3 =	vshra.s32 v3, $0x10;
	v4 =	vshra.s32 v58, $0x10;
	v5 =	vshra.s32 v59, $0x10  }
0xbb: {  	v12 =	vld [tilespmem:$0x66D0];
	v6 =	vshra.s32 v60, $0x10;
	v1 =	vadd.s32 v1, v2;
	v2 =	vshra.s32 v62, $0x10  }
0xbc: {  	v14 =	vld [tilespmem:$0x66E0];
	v5 =	vadd.s32 v5, v6;
	v1 =	vadd.s32 v3, v1;
	v3 =	vshll.u32 v58, $0x10  }
0xbd: {  	v16 =	vld [tilespmem:$0x66F0];
	v13 =	vshll.u32 v61, $0x10;
	v2 =	vadd.s32 v2, v5;
	v3 =	vshra.s32 v3, $0x10  }
0xbe: {  	v15 =	vshll.u32 v63, $0x10;
	v2 =	vadd.s32 v3, v2;
	v3 =	vshra.s32 v13, $0x10  }
0xbf: {  	v1 =	vadd.s32 v4, v1;
	v2 =	vadd.s32 v3, v2;
	v3 =	vshra.s32 v61, $0x10  }
0xc0: {  	v18 =	vld [tilespmem:$0x6700];
	v17 =	vshra.s32 v63, $0x10;
	v1 =	vadd.s32 v3, v1;
	v3 =	vshra.s32 v15, $0x10  }
0xc1: {  	v20 =	vld [tilespmem:$0x6710];
	v19 =	vshll.u32 v14, $0x10;
	v2 =	vadd.s32 v3, v2;
	v3 =	vshll.u32 v12, $0x10  }
0xc2: {  	v22 =	vld [tilespmem:$0x6720];
	v21 =	vshll.u32 v16, $0x10;
	v5 =	vshra.s32 v12, $0x10;
	v3 =	vshra.s32 v3, $0x10  }
0xc3: {  	v1 =	vadd.s32 v17, v1;
	v2 =	vadd.s32 v3, v2;
	v3 =	vshra.s32 v19, $0x10  }
0xc4: {  	v1 =	vadd.s32 v5, v1;
	v2 =	vadd.s32 v3, v2;
	v3 =	vshra.s32 v14, $0x10  }
0xc5: {  	v24 =	vld [tilespmem:$0x6730];
	v23 =	vshra.s32 v16, $0x10;
	v1 =	vadd.s32 v3, v1;
	v3 =	vshra.s32 v21, $0x10  }
0xc6: {  	v25 =	vshll.u32 v20, $0x10;
	v2 =	vadd.s32 v3, v2;
	v3 =	vshll.u32 v18, $0x10  }
0xc7: {  	v26 =	vshll.u32 v22, $0x10;
	v4 =	vshra.s32 v18, $0x10;
	v3 =	vshra.s32 v3, $0x10  }
0xc8: {  	v1 =	vadd.s32 v23, v1;
	v2 =	vadd.s32 v3, v2;
	v3 =	vshra.s32 v25, $0x10  }
0xc9: {  	v1 =	vadd.s32 v4, v1;
	v2 =	vadd.s32 v3, v2;
	v3 =	vshra.s32 v20, $0x10  }
0xca: {  	v27 =	vshll.u32 v24, $0x10;
	v1 =	vadd.s32 v3, v1;
	v3 =	vshra.s32 v26, $0x10  }
0xcb: {  	v4 =	vshra.s32 v27, $0x10;
	v2 =	vadd.s32 v3, v2;
	v3 =	vshra.s32 v22, $0x10  }
0xcc: {  	v1 =	vadd.s32 v3, v1;
	v2 =	vadd.s32 v4, v2;
	v3 =	vshra.s32 v24, $0x10  }
0xcd: {  	v1 =	vadd.s32 v3, v1;
	[tilespmem:s28+$0xFFFFFFE0] =	vst v2  }
0xce: {  	s0 =	sadd.s32 @!p0 $0x898, s30;
	s9 =	simm.s32 @!p0 $0x6670;
	[tilespmem:s28+$0xFFFFFFF0] =	vst v1  }
0xcf: {  	[tilespmem:s9], [sflag:$0x4] =	stream.indirect.gather @!p0 [hbm4b:s3+s31], $0x1, s0, s31, $0xb8;
	[tilespmem:$0x7A80] =	vst v63  }
0xd0: {  	s0 =	sadd.s32 @!p0 $0x900, s30;
	s9 =	simm.s32 @!p0 $0x66D8  }
0xd1: {  	[tilespmem:s9], [sflag:$0x4] =	stream.indirect.gather @!p0 [hbm4b:s3+s1], $0x1, s0, s1, $0xb8;
	[tilespmem:$0x7A80] =	vst v63  }
0xd2: {  	_ =	swait.ge [sflag:s21], $0x68  }
0xd3: {  	[sflag:s21] =	ssyncset.done $0x0  }
0xd4: {  	[sflag:s21] =	ssyncadd.s32 $0xFFFFFF98  }
0xd5: {  	_ =	swait.ge [sflag:s21], $0x60  }
0xd6: {  	[sflag:s21] =	ssyncset.done $0x0  }
0xd7: {  	[sflag:s21] =	ssyncadd.s32 $0xFFFFFFA0  }
0xd8: {  	v1 =	vld [tilespmem:$0x6740]  }
0xd9: {  	v2 =	vld [tilespmem:$0x6750]  }
0xda: {  	v3 =	vld [tilespmem:$0x6760]  }
0xdb: {  	v28 =	vld [tilespmem:$0x6770];
	_ =	sdelay $0x2  }
0xdc: {  	v31 =	vld [tilespmem:$0x6780];
	v29 =	vshll.u32 v1, $0x10;
	v30 =	vshll.u32 v2, $0x10  }
0xdd: {  	v33 =	vld [tilespmem:$0x6790];
	v1 =	vshra.s32 v1, $0x10;
	v2 =	vshra.s32 v2, $0x10;
	v32 =	vshll.u32 v3, $0x10  }
0xde: {  	v3 =	vshra.s32 v3, $0x10;
	v4 =	vshra.s32 v28, $0x10;
	v5 =	vshra.s32 v29, $0x10  }
0xdf: {  	v34 =	vld [tilespmem:$0x67A0];
	v6 =	vshra.s32 v30, $0x10;
	v1 =	vadd.s32 v1, v2;
	v2 =	vshra.s32 v32, $0x10  }
0xe0: {  	v36 =	vld [tilespmem:$0x67B0];
	v5 =	vadd.s32 v5, v6;
	v1 =	vadd.s32 v3, v1;
	v3 =	vshll.u32 v28, $0x10  }
0xe1: {  	v38 =	vld [tilespmem:$0x67C0];
	v35 =	vshll.u32 v31, $0x10;
	v2 =	vadd.s32 v2, v5;
	v3 =	vshra.s32 v3, $0x10  }
0xe2: {  	v37 =	vshll.u32 v33, $0x10;
	v2 =	vadd.s32 v3, v2;
	v3 =	vshra.s32 v35, $0x10  }
0xe3: {  	v1 =	vadd.s32 v4, v1;
	v2 =	vadd.s32 v3, v2;
	v3 =	vshra.s32 v31, $0x10  }
0xe4: {  	v40 =	vld [tilespmem:$0x67D0];
	v39 =	vshra.s32 v33, $0x10;
	v1 =	vadd.s32 v3, v1;
	v3 =	vshra.s32 v37, $0x10  }
0xe5: {  	v42 =	vld [tilespmem:$0x67E0];
	v41 =	vshll.u32 v36, $0x10;
	v2 =	vadd.s32 v3, v2;
	v3 =	vshll.u32 v34, $0x10  }
0xe6: {  	v44 =	vld [tilespmem:$0x67F0];
	v43 =	vshll.u32 v38, $0x10;
	v5 =	vshra.s32 v34, $0x10;
	v3 =	vshra.s32 v3, $0x10  }
0xe7: {  	v1 =	vadd.s32 v39, v1;
	v2 =	vadd.s32 v3, v2;
	v3 =	vshra.s32 v41, $0x10  }
0xe8: {  	v1 =	vadd.s32 v5, v1;
	v2 =	vadd.s32 v3, v2;
	v3 =	vshra.s32 v36, $0x10  }
0xe9: {  	v46 =	vld [tilespmem:$0x6800];
	v45 =	vshra.s32 v38, $0x10;
	v1 =	vadd.s32 v3, v1;
	v3 =	vshra.s32 v43, $0x10  }
0xea: {  	v47 =	vshll.u32 v42, $0x10;
	v2 =	vadd.s32 v3, v2;
	v3 =	vshll.u32 v40, $0x10  }
0xeb: {  	v48 =	vshll.u32 v44, $0x10;
	v4 =	vshra.s32 v40, $0x10;
	v3 =	vshra.s32 v3, $0x10  }
0xec: {  	v1 =	vadd.s32 v45, v1;
	v2 =	vadd.s32 v3, v2;
	v3 =	vshra.s32 v47, $0x10  }
0xed: {  	v1 =	vadd.s32 v4, v1;
	v2 =	vadd.s32 v3, v2;
	v3 =	vshra.s32 v42, $0x10  }
0xee: {  	v49 =	vshll.u32 v46, $0x10;
	v1 =	vadd.s32 v3, v1;
	v3 =	vshra.s32 v48, $0x10  }
0xef: {  	v4 =	vshra.s32 v49, $0x10;
	v2 =	vadd.s32 v3, v2;
	v3 =	vshra.s32 v44, $0x10  }
0xf0: {  	v1 =	vadd.s32 v3, v1;
	v2 =	vadd.s32 v4, v2;
	v3 =	vshra.s32 v46, $0x10  }
0xf1: {  	v1 =	vadd.s32 v3, v1;
	[tilespmem:s28+$0x0] =	vst v2  }
0xf2: {  	s0 =	sadd.s32 @!p0 $0x960, s30;
	s9 =	simm.s32 @!p0 $0x6740;
	[tilespmem:s28+$0x10] =	vst v1  }
0xf3: {  	[tilespmem:s9], [sflag:$0x5] =	stream.indirect.gather @!p0 [hbm4b:s3+s31], $0x1, s0, s31, $0xb8;
	[tilespmem:$0x7A80] =	vst v63  }
0xf4: {  	s0 =	sadd.s32 @!p0 $0x9C8, s30;
	s9 =	simm.s32 @!p0 $0x67A8  }
0xf5: {  	[tilespmem:s9], [sflag:$0x5] =	stream.indirect.gather @!p0 [hbm4b:s3+s1], $0x1, s0, s1, $0xb8;
	[tilespmem:$0x7A80] =	vst v63  }
0xf6: {  	_ =	swait.ge [sflag:s22], $0x68  }
0xf7: {  	[sflag:s22] =	ssyncset.done $0x0  }
0xf8: {  	[sflag:s22] =	ssyncadd.s32 $0xFFFFFF98  }
0xf9: {  	_ =	swait.ge [sflag:s22], $0x60  }
0xfa: {  	[sflag:s22] =	ssyncset.done $0x0  }
0xfb: {  	[sflag:s22] =	ssyncadd.s32 $0xFFFFFFA0  }
0xfc: {  	v1 =	vld [tilespmem:$0x6810]  }
0xfd: {  	v2 =	vld [tilespmem:$0x6820]  }
0xfe: {  	v3 =	vld [tilespmem:$0x6830]  }
0xff: {  	v50 =	vld [tilespmem:$0x6840];
	_ =	sdelay $0x2  }
0x100: {  	v53 =	vld [tilespmem:$0x6850];
	v51 =	vshll.u32 v1, $0x10;
	v52 =	vshll.u32 v2, $0x10  }
0x101: {  	v55 =	vld [tilespmem:$0x6860];
	v1 =	vshra.s32 v1, $0x10;
	v2 =	vshra.s32 v2, $0x10;
	v54 =	vshll.u32 v3, $0x10  }
0x102: {  	v3 =	vshra.s32 v3, $0x10;
	v4 =	vshra.s32 v50, $0x10;
	v5 =	vshra.s32 v51, $0x10  }
0x103: {  	v56 =	vld [tilespmem:$0x6870];
	v6 =	vshra.s32 v52, $0x10;
	v1 =	vadd.s32 v1, v2;
	v2 =	vshra.s32 v54, $0x10  }
0x104: {  	v58 =	vld [tilespmem:$0x6880];
	v5 =	vadd.s32 v5, v6;
	v1 =	vadd.s32 v3, v1;
	v3 =	vshll.u32 v50, $0x10  }
0x105: {  	v60 =	vld [tilespmem:$0x6890];
	v57 =	vshll.u32 v53, $0x10;
	v2 =	vadd.s32 v2, v5;
	v3 =	vshra.s32 v3, $0x10  }
0x106: {  	v59 =	vshll.u32 v55, $0x10;
	v2 =	vadd.s32 v3, v2;
	v3 =	vshra.s32 v57, $0x10  }
0x107: {  	v1 =	vadd.s32 v4, v1;
	v2 =	vadd.s32 v3, v2;
	v3 =	vshra.s32 v53, $0x10  }
0x108: {  	v62 =	vld [tilespmem:$0x68A0];
	v61 =	vshra.s32 v55, $0x10;
	v1 =	vadd.s32 v3, v1;
	v3 =	vshra.s32 v59, $0x10  }
0x109: {  	v12 =	vld [tilespmem:$0x68B0];
	v63 =	vshll.u32 v58, $0x10;
	v2 =	vadd.s32 v3, v2;
	v3 =	vshll.u32 v56, $0x10  }
0x10a: {  	v14 =	vld [tilespmem:$0x68C0];
	v13 =	vshll.u32 v60, $0x10;
	v5 =	vshra.s32 v56, $0x10;
	v3 =	vshra.s32 v3, $0x10  }
0x10b: {  	v1 =	vadd.s32 v61, v1;
	v2 =	vadd.s32 v3, v2;
	v3 =	vshra.s32 v63, $0x10  }
0x10c: {  	v1 =	vadd.s32 v5, v1;
	v2 =	vadd.s32 v3, v2;
	v3 =	vshra.s32 v58, $0x10  }
0x10d: {  	v16 =	vld [tilespmem:$0x68D0];
	v15 =	vshra.s32 v60, $0x10;
	v1 =	vadd.s32 v3, v1;
	v3 =	vshra.s32 v13, $0x10  }
0x10e: {  	v17 =	vshll.u32 v12, $0x10;
	v2 =	vadd.s32 v3, v2;
	v3 =	vshll.u32 v62, $0x10  }
0x10f: {  	v18 =	vshll.u32 v14, $0x10;
	v4 =	vshra.s32 v62, $0x10;
	v3 =	vshra.s32 v3, $0x10  }
0x110: {  	v1 =	vadd.s32 v15, v1;
	v2 =	vadd.s32 v3, v2;
	v3 =	vshra.s32 v17, $0x10  }
0x111: {  	v1 =	vadd.s32 v4, v1;
	v2 =	vadd.s32 v3, v2;
	v3 =	vshra.s32 v12, $0x10  }
0x112: {  	v19 =	vshll.u32 v16, $0x10;
	v1 =	vadd.s32 v3, v1;
	v3 =	vshra.s32 v18, $0x10  }
0x113: {  	v4 =	vshra.s32 v19, $0x10;
	v2 =	vadd.s32 v3, v2;
	v3 =	vshra.s32 v14, $0x10  }
0x114: {  	v1 =	vadd.s32 v3, v1;
	v2 =	vadd.s32 v4, v2;
	v3 =	vshra.s32 v16, $0x10  }
0x115: {  	v1 =	vadd.s32 v3, v1;
	[tilespmem:s28+$0x20] =	vst v2  }
0x116: {  	s0 =	sadd.s32 @!p0 $0xA28, s30;
	s9 =	simm.s32 @!p0 $0x6810;
	[tilespmem:s28+$0x30] =	vst v1  }
0x117: {  	[tilespmem:s9], [sflag:$0x6] =	stream.indirect.gather @!p0 [hbm4b:s3+s31], $0x1, s0, s31, $0xb8;
	[tilespmem:$0x7A80] =	vst v63  }
0x118: {  	s0 =	sadd.s32 @!p0 $0xA90, s30;
	s9 =	simm.s32 @!p0 $0x6878  }
0x119: {  	[tilespmem:s9], [sflag:$0x6] =	stream.indirect.gather @!p0 [hbm4b:s3+s1], $0x1, s0, s1, $0xb8;
	[tilespmem:$0x7A80] =	vst v63  }
0x11a: {  	_ =	swait.ge [sflag:s23], $0x68  }
0x11b: {  	[sflag:s23] =	ssyncset.done $0x0  }
0x11c: {  	[sflag:s23] =	ssyncadd.s32 $0xFFFFFF98  }
0x11d: {  	_ =	swait.ge [sflag:s23], $0x60  }
0x11e: {  	[sflag:s23] =	ssyncset.done $0x0  }
0x11f: {  	[sflag:s23] =	ssyncadd.s32 $0xFFFFFFA0  }
0x120: {  	v1 =	vld [tilespmem:$0x68E0]  }
0x121: {  	v2 =	vld [tilespmem:$0x68F0]  }
0x122: {  	v3 =	vld [tilespmem:$0x6900]  }
0x123: {  	v20 =	vld [tilespmem:$0x6910];
	_ =	sdelay $0x2  }
0x124: {  	v23 =	vld [tilespmem:$0x6920];
	v21 =	vshll.u32 v1, $0x10;
	v22 =	vshll.u32 v2, $0x10  }
0x125: {  	v25 =	vld [tilespmem:$0x6930];
	v1 =	vshra.s32 v1, $0x10;
	v2 =	vshra.s32 v2, $0x10;
	v24 =	vshll.u32 v3, $0x10  }
0x126: {  	v3 =	vshra.s32 v3, $0x10;
	v4 =	vshra.s32 v20, $0x10;
	v5 =	vshra.s32 v21, $0x10  }
0x127: {  	v26 =	vld [tilespmem:$0x6940];
	v6 =	vshra.s32 v22, $0x10;
	v1 =	vadd.s32 v1, v2;
	v2 =	vshra.s32 v24, $0x10  }
0x128: {  	v28 =	vld [tilespmem:$0x6950];
	v5 =	vadd.s32 v5, v6;
	v1 =	vadd.s32 v3, v1;
	v3 =	vshll.u32 v20, $0x10  }
0x129: {  	v30 =	vld [tilespmem:$0x6960];
	v27 =	vshll.u32 v23, $0x10;
	v2 =	vadd.s32 v2, v5;
	v3 =	vshra.s32 v3, $0x10  }
0x12a: {  	v29 =	vshll.u32 v25, $0x10;
	v2 =	vadd.s32 v3, v2;
	v3 =	vshra.s32 v27, $0x10  }
0x12b: {  	v1 =	vadd.s32 v4, v1;
	v2 =	vadd.s32 v3, v2;
	v3 =	vshra.s32 v23, $0x10  }
0x12c: {  	v32 =	vld [tilespmem:$0x6970];
	v31 =	vshra.s32 v25, $0x10;
	v1 =	vadd.s32 v3, v1;
	v3 =	vshra.s32 v29, $0x10  }
0x12d: {  	v34 =	vld [tilespmem:$0x6980];
	v33 =	vshll.u32 v28, $0x10;
	v2 =	vadd.s32 v3, v2;
	v3 =	vshll.u32 v26, $0x10  }
0x12e: {  	v36 =	vld [tilespmem:$0x6990];
	v35 =	vshll.u32 v30, $0x10;
	v5 =	vshra.s32 v26, $0x10;
	v3 =	vshra.s32 v3, $0x10  }
0x12f: {  	v1 =	vadd.s32 v31, v1;
	v2 =	vadd.s32 v3, v2;
	v3 =	vshra.s32 v33, $0x10  }
0x130: {  	v1 =	vadd.s32 v5, v1;
	v2 =	vadd.s32 v3, v2;
	v3 =	vshra.s32 v28, $0x10  }
0x131: {  	v38 =	vld [tilespmem:$0x69A0];
	v37 =	vshra.s32 v30, $0x10;
	v1 =	vadd.s32 v3, v1;
	v3 =	vshra.s32 v35, $0x10  }
0x132: {  	v39 =	vshll.u32 v34, $0x10;
	v2 =	vadd.s32 v3, v2;
	v3 =	vshll.u32 v32, $0x10  }
0x133: {  	v40 =	vshll.u32 v36, $0x10;
	v4 =	vshra.s32 v32, $0x10;
	v3 =	vshra.s32 v3, $0x10  }
0x134: {  	v1 =	vadd.s32 v37, v1;
	v2 =	vadd.s32 v3, v2;
	v3 =	vshra.s32 v39, $0x10  }
0x135: {  	v1 =	vadd.s32 v4, v1;
	v2 =	vadd.s32 v3, v2;
	v3 =	vshra.s32 v34, $0x10  }
0x136: {  	v41 =	vshll.u32 v38, $0x10;
	v1 =	vadd.s32 v3, v1;
	v3 =	vshra.s32 v40, $0x10  }
0x137: {  	v4 =	vshra.s32 v41, $0x10;
	v2 =	vadd.s32 v3, v2;
	v3 =	vshra.s32 v36, $0x10  }
0x138: {  	v1 =	vadd.s32 v3, v1;
	v2 =	vadd.s32 v4, v2;
	v3 =	vshra.s32 v38, $0x10  }
0x139: {  	v1 =	vadd.s32 v3, v1;
	[tilespmem:s28+$0x40] =	vst v2  }
0x13a: {  	s0 =	sadd.s32 @!p0 $0xAF0, s30;
	s9 =	simm.s32 @!p0 $0x68E0;
	[tilespmem:s28+$0x50] =	vst v1  }
0x13b: {  	[tilespmem:s9], [sflag:$0x7] =	stream.indirect.gather @!p0 [hbm4b:s3+s31], $0x1, s0, s31, $0xb8;
	[tilespmem:$0x7A80] =	vst v63  }
0x13c: {  	s0 =	sadd.s32 @!p0 $0xB58, s30;
	s9 =	simm.s32 @!p0 $0x6948  }
0x13d: {  	[tilespmem:s9], [sflag:$0x7] =	stream.indirect.gather @!p0 [hbm4b:s3+s1], $0x1, s0, s1, $0xb8;
	[tilespmem:$0x7A80] =	vst v63  }
0x13e: {  	_ =	swait.ge [sflag:s24], $0x68  }
0x13f: {  	[sflag:s24] =	ssyncset.done $0x0  }
0x140: {  	[sflag:s24] =	ssyncadd.s32 $0xFFFFFF98  }
0x141: {  	_ =	swait.ge [sflag:s24], $0x60  }
0x142: {  	[sflag:s24] =	ssyncset.done $0x0  }
0x143: {  	[sflag:s24] =	ssyncadd.s32 $0xFFFFFFA0  }
0x144: {  	v1 =	vld [tilespmem:$0x69B0]  }
0x145: {  	v2 =	vld [tilespmem:$0x69C0]  }
0x146: {  	v3 =	vld [tilespmem:$0x69D0]  }
0x147: {  	v42 =	vld [tilespmem:$0x69E0];
	_ =	sdelay $0x2  }
0x148: {  	v45 =	vld [tilespmem:$0x69F0];
	v43 =	vshll.u32 v1, $0x10;
	v44 =	vshll.u32 v2, $0x10  }
0x149: {  	v47 =	vld [tilespmem:$0x6A00];
	v1 =	vshra.s32 v1, $0x10;
	v2 =	vshra.s32 v2, $0x10;
	v46 =	vshll.u32 v3, $0x10  }
0x14a: {  	v3 =	vshra.s32 v3, $0x10;
	v4 =	vshra.s32 v42, $0x10;
	v5 =	vshra.s32 v43, $0x10  }
0x14b: {  	v48 =	vld [tilespmem:$0x6A10];
	v6 =	vshra.s32 v44, $0x10;
	v1 =	vadd.s32 v1, v2;
	v2 =	vshra.s32 v46, $0x10  }
0x14c: {  	v50 =	vld [tilespmem:$0x6A20];
	v5 =	vadd.s32 v5, v6;
	v1 =	vadd.s32 v3, v1;
	v3 =	vshll.u32 v42, $0x10  }
0x14d: {  	v52 =	vld [tilespmem:$0x6A30];
	v49 =	vshll.u32 v45, $0x10;
	v2 =	vadd.s32 v2, v5;
	v3 =	vshra.s32 v3, $0x10  }
0x14e: {  	v51 =	vshll.u32 v47, $0x10;
	v2 =	vadd.s32 v3, v2;
	v3 =	vshra.s32 v49, $0x10  }
0x14f: {  	v1 =	vadd.s32 v4, v1;
	v2 =	vadd.s32 v3, v2;
	v3 =	vshra.s32 v45, $0x10  }
0x150: {  	v54 =	vld [tilespmem:$0x6A40];
	v53 =	vshra.s32 v47, $0x10;
	v1 =	vadd.s32 v3, v1;
	v3 =	vshra.s32 v51, $0x10  }
0x151: {  	v56 =	vld [tilespmem:$0x6A50];
	v55 =	vshll.u32 v50, $0x10;
	v2 =	vadd.s32 v3, v2;
	v3 =	vshll.u32 v48, $0x10  }
0x152: {  	v58 =	vld [tilespmem:$0x6A60];
	v57 =	vshll.u32 v52, $0x10;
	v5 =	vshra.s32 v48, $0x10;
	v3 =	vshra.s32 v3, $0x10  }
0x153: {  	v1 =	vadd.s32 v53, v1;
	v2 =	vadd.s32 v3, v2;
	v3 =	vshra.s32 v55, $0x10  }
0x154: {  	v1 =	vadd.s32 v5, v1;
	v2 =	vadd.s32 v3, v2;
	v3 =	vshra.s32 v50, $0x10  }
0x155: {  	v60 =	vld [tilespmem:$0x6A70];
	v59 =	vshra.s32 v52, $0x10;
	v1 =	vadd.s32 v3, v1;
	v3 =	vshra.s32 v57, $0x10  }
0x156: {  	v61 =	vshll.u32 v56, $0x10;
	v2 =	vadd.s32 v3, v2;
	v3 =	vshll.u32 v54, $0x10  }
0x157: {  	v62 =	vshll.u32 v58, $0x10;
	v4 =	vshra.s32 v54, $0x10;
	v3 =	vshra.s32 v3, $0x10  }
0x158: {  	v1 =	vadd.s32 v59, v1;
	v2 =	vadd.s32 v3, v2;
	v3 =	vshra.s32 v61, $0x10  }
0x159: {  	v1 =	vadd.s32 v4, v1;
	v2 =	vadd.s32 v3, v2;
	v3 =	vshra.s32 v56, $0x10  }
.Ltmp2:
0x15a: {  	v63 =	vshll.u32 v60, $0x10;
	v1 =	vadd.s32 v3, v1;
	v3 =	vshra.s32 v62, $0x10;
	(pc) =	sbr.rel @p0 .LBB2_4-.Ltmp2, $4  }
0x15b: {  	v4 =	vshra.s32 v63, $0x10;
	v2 =	vadd.s32 v3, v2;
	v3 =	vshra.s32 v58, $0x10  }
0x15c: {  	v1 =	vadd.s32 v3, v1;
	v2 =	vadd.s32 v4, v2;
	v3 =	vshra.s32 v60, $0x10  }
0x15d: {  	v1 =	vadd.s32 v3, v1;
	[tilespmem:s28+$0x60] =	vst v2  }
0x15e: {  	[tilespmem:s28+$0x70] =	vst v1  }
.Ltmp3:
0x15f: {  	s0 =	sshra.s32 s29, $0x2;
	(pc) =	sbr.rel .LBB2_2-.Ltmp3, $4  }
0x160: {  	s1 =	sadd.s32 $0xBB8, s0  }
0x161: {  	[tilespmem:s14], [sflag:$0x8] =	stream.indirect.gather [hbm4b:s3+s8], $0x1, s1, s8, $0xb8;
	[tilespmem:$0x7A80] =	vst v63  }
0x162: {  	s29 =	sadd.s32 $0x1900, s29;
	s28 =	sadd.s32 $0x100, s28;
	s0 =	sadd.s32 $0xC20, s0  }
0x163: {  	[tilespmem:s16], [sflag:$0x8] =	stream.indirect.gather [hbm4b:s3+s10], $0x1, s0, s10, $0xb8;
	[tilespmem:$0x7A80] =	vst v63  }
.LBB2_5:
0x164: {  	_ =	sfence.sel $0x180000  }
0x165: {  	[bflag:$0x0] =	sbarrier.arrive $0xFFFF  }
0x166: {  	_ =	strace $0x90000047  }
0x167: {  	s0 =	stileid.u32;
	[bflag:$0x2] =	sbarrier.arrive $0xFFFF  }
0x168: {  	p0 =	sne.s32 s0, $0x0;
	s0 =	rddreg [dreg:$0x1]  }
0x169: {  	s0 =	sadd.s32 @!p0 $0x100000, s0  }
0x16a: {  	[sflag:s0] =	ssyncadd.tile.s32 @!p0 $0x1;
	_ =	shalt  }
.Lfunc_end2:
_tile_overlayer_lowered:
.L_overlay_start_2:
0x16b: {  	(tag) =	ssettag $0x2  }
0x16c: {  	s0 =	rddreg [dreg:$0x0];
	s2 =	stileid.u32  }
0x16d: {  	s1 =	rddreg [dreg:$0x1];
	p0 =	sne.s32 s2, $0x0  }
0x16e: {  	s3 =	rddreg [dreg:$0x2];
	[bflag:$0x3] =	sbarrier.arrive $0xFFFF;
	s2 =	simm.s32 @!p0 $0x1C09  }
0x16f: {  	[timem:s3], [sflag:s2] =	dma.local @!p0 [hbm:s0], s1  }
0x170: {  	s0 =	simm.s32 @!p0 $0x9  }
0x171: {  	_ =	swait.ge @!p0 [sflag:s0], s1  }
0x172: {  	s1 =	ssub.s32 @!p0 $0x0, s1;
	[sflag:s0] =	ssyncset.done @!p0 $0x0  }
0x173: {  	[sflag:s0] =	ssyncadd.s32 @!p0 s1  }
0x174: {  	[bflag:$0x3] =	sbarrier.arrive $0xFFFF  }
0x175: {  	_ =	shalt  }

</sc_bundles>
